<compile_context>
chip_gen: v7x
topology: tpu7x:2x2x1
jax: 0.10.2.dev20260603
libtpu: 0.0.44.dev20260713+nightly
codegen_flags: <defaults>
</compile_context>

<pallas_src>
import functools

import jax
import jax.numpy as jnp
from jax import lax
from jax.experimental import pallas as pl
from jax.experimental.pallas import tpu as pltpu
from jax.experimental.pallas import tpu_sc as plsc

N = 10000
E = 320000
NG = 10
DIN = 10
DH = 300
DOUT = 31

DHH = 150
DHP = 160

R = 2000
NRB = N // R

CHUNK = 92
NTILES = 16
KPT = 218
NCHUNKS = NTILES * KPT
EPAD = NCHUNKS * CHUNK
NPAD = N + 16
ZROWS = 400
NZ = N // ZROWS

_f32 = jnp.float32



def _lift_msg_body(x_ref, wl_ref, bl_ref, wa_ref, ba_ref, wb_ref, bb_ref,
                   ma_ref, mb_ref):
    i = pl.program_id(0)
    h = jnp.dot(x_ref[pl.ds(i * R, R), :], wl_ref[...],
                preferred_element_type=_f32)
    h = h + bl_ref[...]
    ma = jnp.dot(h, wa_ref[...], preferred_element_type=_f32) + ba_ref[...]
    mb = jnp.dot(h, wb_ref[...], preferred_element_type=_f32) + bb_ref[...]
    ma_ref[...] = jnp.maximum(ma, 0.0)
    mb_ref[...] = jnp.maximum(mb, 0.0)


def _mid_body(aa_ref, ab_ref, wfa_ref, wfb_ref, bf_ref,
              wca_ref, bca_ref, wcb_ref, bcb_ref, ma_ref, mb_ref):
    h = (jnp.dot(aa_ref[...], wfa_ref[...], preferred_element_type=_f32)
         + jnp.dot(ab_ref[...], wfb_ref[...], preferred_element_type=_f32)
         + bf_ref[...])
    h = jnp.maximum(h, 0.0)
    ma = jnp.dot(h, wca_ref[...], preferred_element_type=_f32) + bca_ref[...]
    mb = jnp.dot(h, wcb_ref[...], preferred_element_type=_f32) + bcb_ref[...]
    ma_ref[...] = jnp.maximum(ma, 0.0)
    mb_ref[...] = jnp.maximum(mb, 0.0)


def _readout_body(aa_ref, ab_ref, wfa_ref, wfb_ref, bf_ref,
                  wro_ref, bro_ref, gid_ref, out_ref):
    i = pl.program_id(0)
    h = (jnp.dot(aa_ref[...], wfa_ref[...], preferred_element_type=_f32)
         + jnp.dot(ab_ref[...], wfb_ref[...], preferred_element_type=_f32)
         + bf_ref[...])
    h = jnp.maximum(h, 0.0)
    nl = jnp.dot(h, wro_ref[...], preferred_element_type=_f32) + bro_ref[...]
    gid = gid_ref[pl.ds(i * R, R), :]
    iota = lax.broadcasted_iota(jnp.int32, (R, NG), 1)
    oh = (gid == iota).astype(_f32)
    contrib = lax.dot_general(oh, nl, (((0,), (0,)), ((), ())),
                              preferred_element_type=_f32)

    @pl.when(i == 0)
    def _():
        out_ref[...] = jnp.zeros_like(out_ref)

    out_ref[...] += contrib


def _full(shape):
    return pl.BlockSpec(shape, lambda i: (0,) * len(shape))


def _rows(w):
    return pl.BlockSpec((R, w), lambda i: (i, 0))


_lift_msg = pl.pallas_call(
    _lift_msg_body,
    grid=(NRB,),
    in_specs=[
        _full((N, DIN)),
        _full((DIN, DH)), _full((1, DH)),
        _full((DH, DHP)), _full((1, DHP)),
        _full((DH, DHP)), _full((1, DHP)),
    ],
    out_specs=[_rows(DHP), _rows(DHP)],
    out_shape=[jax.ShapeDtypeStruct((N, DHP), _f32)] * 2,
)

_mid = pl.pallas_call(
    _mid_body,
    grid=(NRB,),
    in_specs=[
        _rows(DHP), _rows(DHP),
        _full((DHP, DH)), _full((DHP, DH)), _full((1, DH)),
        _full((DH, DHP)), _full((1, DHP)),
        _full((DH, DHP)), _full((1, DHP)),
    ],
    out_specs=[_rows(DHP), _rows(DHP)],
    out_shape=[jax.ShapeDtypeStruct((N, DHP), _f32)] * 2,
)

_readout = pl.pallas_call(
    _readout_body,
    grid=(NRB,),
    in_specs=[
        _rows(DHP), _rows(DHP),
        _full((DHP, DH)), _full((DHP, DH)), _full((1, DH)),
        _full((DH, DOUT)), _full((1, DOUT)),
        _full((N, 1)),
    ],
    out_specs=_full((NG, DOUT)),
    out_shape=jax.ShapeDtypeStruct((NG, DOUT), _f32),
)



def _sc_body(msga, msgb, epairs, zr, agga, aggb,
             sd0, sd1, rows0, rows1, aggsh,
             gsem0, gsem1, ssem0, ssem1):
    c = lax.axis_index("c")
    s = lax.axis_index("s")

    nz = (NZ - 1 - s) // NTILES + 1

    def zbody(i, carry):
        off = (s + i * NTILES) * ZROWS
        pltpu.sync_copy(zr, aggsh.at[pl.ds(off, ZROWS)])
        return carry

    lax.fori_loop(0, nz, zbody, 0)

    plsc.subcore_barrier()

    base = s * KPT

    def run_edges(msg_ref):
        def ebody(p, carry):
            k = 2 * p

            @pl.when(p > 0)
            def _():
                pltpu.make_async_copy(rows0, aggsh.at[sd0.at[1]],
                                      ssem0).wait()

            pltpu.sync_copy(epairs.at[base + k], sd0)
            g0 = pltpu.async_copy(msg_ref.at[sd0.at[0]], rows0, gsem0)

            @pl.when(p > 0)
            def _():
                pltpu.make_async_copy(rows1, aggsh.at[sd1.at[1]],
                                      ssem1).wait()

            pltpu.sync_copy(epairs.at[base + k + 1], sd1)
            g1 = pltpu.async_copy(msg_ref.at[sd1.at[0]], rows1, gsem1)
            g0.wait()
            pltpu.async_copy(rows0, aggsh.at[sd0.at[1]], ssem0, add=True)
            g1.wait()
            pltpu.async_copy(rows1, aggsh.at[sd1.at[1]], ssem1, add=True)
            return carry

        lax.fori_loop(0, KPT // 2, ebody, 0)
        pltpu.make_async_copy(rows0, aggsh.at[sd0.at[1]], ssem0).wait()
        pltpu.make_async_copy(rows1, aggsh.at[sd1.at[1]], ssem1).wait()

    @pl.when(c == 0)
    def _():
        run_edges(msga)

    @pl.when(c == 1)
    def _():
        run_edges(msgb)

    plsc.subcore_barrier()

    def make_obody(out_ref):
        def obody(i, carry):
            off = (s + i * NTILES) * ZROWS
            pltpu.sync_copy(aggsh.at[pl.ds(off, ZROWS)],
                            out_ref.at[pl.ds(off, ZROWS)])
            return carry
        return obody

    @pl.when(c == 0)
    def _():
        lax.fori_loop(0, nz, make_obody(agga), 0)

    @pl.when(c == 1)
    def _():
        lax.fori_loop(0, nz, make_obody(aggb), 0)


@functools.cache
def _make_sc_agg():
    return pl.kernel(
        _sc_body,
        out_type=[jax.ShapeDtypeStruct((N, DHP), _f32)] * 2,
        mesh=plsc.VectorSubcoreMesh(core_axis_name="c", subcore_axis_name="s"),
        compiler_params=pltpu.CompilerParams(use_tc_tiling_on_sc=False),
        scratch_types=[
            pltpu.VMEM((2, CHUNK), jnp.int32),
            pltpu.VMEM((2, CHUNK), jnp.int32),
            pltpu.VMEM((CHUNK, DHP), _f32),
            pltpu.VMEM((CHUNK, DHP), _f32),
            pltpu.VMEM_SHARED((NPAD, DHP), _f32),
            pltpu.SemaphoreType.DMA,
            pltpu.SemaphoreType.DMA,
            pltpu.SemaphoreType.DMA,
            pltpu.SemaphoreType.DMA,
        ],
    )



def _split_out(Wc, bc):
    WT = Wc.T
    wa = jnp.pad(WT[:, :DHH], ((0, 0), (0, DHP - DHH)))
    wb = jnp.pad(WT[:, DHH:], ((0, 0), (0, DHP - DHH)))
    ba = jnp.pad(bc[:DHH], (0, DHP - DHH)).reshape(1, DHP)
    bb = jnp.pad(bc[DHH:], (0, DHP - DHH)).reshape(1, DHP)
    return wa, ba, wb, bb


def _split_in(Wf):
    WT = Wf.T
    wa = jnp.pad(WT[:DHH], ((0, DHP - DHH), (0, 0)))
    wb = jnp.pad(WT[DHH:], ((0, DHP - DHH), (0, 0)))
    return wa, wb


@jax.jit
def kernel(x, edge_index, graph_ids, W_lift, b_lift,
           Wc1, bc1, Wf1, bf1, Wc2, bc2, Wf2, bf2, Wc3, bc3, Wf3, bf3,
           W_ro, b_ro):
    npad_e = EPAD - E
    src1 = jnp.concatenate([edge_index[0], jnp.zeros((npad_e,), jnp.int32)])
    dst1 = jnp.concatenate([edge_index[1], jnp.full((npad_e,), N, jnp.int32)])
    epairs = jnp.concatenate([src1.reshape(NCHUNKS, 1, CHUNK),
                              dst1.reshape(NCHUNKS, 1, CHUNK)], axis=1)
    zr = jnp.zeros((ZROWS, DHP), _f32)

    wl = W_lift.T
    bl = b_lift.reshape(1, DH)
    wc1a, bc1a, wc1b, bc1b = _split_out(Wc1, bc1)
    wc2a, bc2a, wc2b, bc2b = _split_out(Wc2, bc2)
    wc3a, bc3a, wc3b, bc3b = _split_out(Wc3, bc3)
    wf1a, wf1b = _split_in(Wf1)
    wf2a, wf2b = _split_in(Wf2)
    wf3a, wf3b = _split_in(Wf3)
    bf1r = bf1.reshape(1, DH)
    bf2r = bf2.reshape(1, DH)
    bf3r = bf3.reshape(1, DH)
    wro = W_ro.T
    bro = b_ro.reshape(1, DOUT)
    gid = graph_ids.reshape(N, 1)

    ma, mb = _lift_msg(x, wl, bl, wc1a, bc1a, wc1b, bc1b)
    aa, ab = _make_sc_agg()(ma, mb, epairs, zr)
    ma, mb = _mid(aa, ab, wf1a, wf1b, bf1r, wc2a, bc2a, wc2b, bc2b)
    aa, ab = _make_sc_agg()(ma, mb, epairs, zr)
    ma, mb = _mid(aa, ab, wf2a, wf2b, bf2r, wc3a, bc3a, wc3b, bc3b)
    aa, ab = _make_sc_agg()(ma, mb, epairs, zr)
    logits = _readout(aa, ab, wf3a, wf3b, bf3r, wro, bro, gid)
    return logits

# --- scband reference (transcript-rebuilt; emitter-appended) ---
"""Pipeline reference for scband-model-22746146799733 (READ-ONLY COPY).

The authoritative reference and input builder live on the scoring server;
editing this copy changes nothing except your own understanding.
"""

import jax, jax.numpy as jnp
import numpy as np

N = 10000
E = 320000
NG = 10
DIN = 10
DH = 300
DOUT = 31


def setup_inputs(seed: int = 0) -> dict:
    key = jax.random.key(seed)
    ks = jax.random.split(key, 20)
    x = jax.random.normal(ks[0], (N, DIN), dtype=jnp.float32)
    edge_index = jax.random.randint(ks[1], (2, E), 0, N, dtype=jnp.int32)
    graph_ids = jnp.sort(jax.random.randint(ks[2], (N,), 0, NG, dtype=jnp.int32))
    s = 0.05
    W_lift = jax.random.normal(ks[3], (DH, DIN), dtype=jnp.float32) * s
    b_lift = jax.random.normal(ks[4], (DH,), dtype=jnp.float32) * s
    Wc1 = jax.random.normal(ks[5], (DH, DH), dtype=jnp.float32) * s
    bc1 = jax.random.normal(ks[6], (DH,), dtype=jnp.float32) * s
    Wf1 = jax.random.normal(ks[7], (DH, DH), dtype=jnp.float32) * s
    bf1 = jax.random.normal(ks[8], (DH,), dtype=jnp.float32) * s
    Wc2 = jax.random.normal(ks[9], (DH, DH), dtype=jnp.float32) * s
    bc2 = jax.random.normal(ks[10], (DH,), dtype=jnp.float32) * s
    Wf2 = jax.random.normal(ks[11], (DH, DH), dtype=jnp.float32) * s
    bf2 = jax.random.normal(ks[12], (DH,), dtype=jnp.float32) * s
    Wc3 = jax.random.normal(ks[13], (DH, DH), dtype=jnp.float32) * s
    bc3 = jax.random.normal(ks[14], (DH,), dtype=jnp.float32) * s
    Wf3 = jax.random.normal(ks[15], (DH, DH), dtype=jnp.float32) * s
    bf3 = jax.random.normal(ks[16], (DH,), dtype=jnp.float32) * s
    W_ro = jax.random.normal(ks[17], (DOUT, DH), dtype=jnp.float32) * s
    b_ro = jax.random.normal(ks[18], (DOUT,), dtype=jnp.float32) * s
    return {
        "x": x, "edge_index": edge_index, "graph_ids": graph_ids,
        "W_lift": W_lift, "b_lift": b_lift,
        "Wc1": Wc1, "bc1": bc1, "Wf1": Wf1, "bf1": bf1,
        "Wc2": Wc2, "bc2": bc2, "Wf2": Wf2, "bf2": bf2,
        "Wc3": Wc3, "bc3": bc3, "Wf3": Wf3, "bf3": bf3,
        "W_ro": W_ro, "b_ro": b_ro,
    }


def _linear(h, W, b):
    return h @ W.T + b


def _mp_layer(h, src, dst, Wc, bc, Wf, bf):
    # message(edges): relu(computeLayer(edges.src['features']))
    # relu(f(h))[src] == relu(f(h[src])), so precompute per-node then gather per-edge
    msg_node = jax.nn.relu(_linear(h, Wc, bc))
    msg = jnp.take(msg_node, src, axis=0)
    # reduce(nodes): sum of mailbox messages; nodes with no in-edges get zero
    agg = jax.ops.segment_sum(msg, dst, num_segments=N)
    # finalTransformation on all node features
    return _linear(agg, Wf, bf)


def reference(x, edge_index, graph_ids, W_lift, b_lift, Wc1, bc1, Wf1, bf1, Wc2, bc2, Wf2, bf2, Wc3, bc3, Wf3, bf3, W_ro, b_ro):
    src = edge_index[0]
    dst = edge_index[1]
    h = _linear(x, W_lift, b_lift)
    h = jax.nn.relu(_mp_layer(h, src, dst, Wc1, bc1, Wf1, bf1))
    h = jax.nn.relu(_mp_layer(h, src, dst, Wc2, bc2, Wf2, bf2))
    h = jax.nn.relu(_mp_layer(h, src, dst, Wc3, bc3, Wf3, bf3))
    node_logits = _linear(h, W_ro, b_ro)
    # dgl.sum_nodes over batched graph -> per-graph segment sum
    logits = jax.ops.segment_sum(node_logits, graph_ids, num_segments=NG)
    return logits

if __name__ == "__main__":
    import jax
    _d = setup_inputs()
    print(jax.jit(kernel)(*tuple(_d.values())))

</pallas_src>

<mosaic_0001>
#map = affine_map<(d0, d1) -> (0, 0)>
#map1 = affine_map<(d0, d1) -> (0, 0, 0)>
module attributes {stable_mosaic.version = 14 : i64} {
  func.func @_sc_body(%arg0: i32, %arg1: i32, %arg2: memref<10000x160xf32, #tpu.memory_space<hbm>>, %arg3: memref<10000x160xf32, #tpu.memory_space<hbm>>, %arg4: memref<3488x2x92xi32, #tpu.memory_space<hbm>>, %arg5: memref<400x160xf32, #tpu.memory_space<hbm>>, %arg6: memref<10000x160xf32, #tpu.memory_space<hbm>>, %arg7: memref<10000x160xf32, #tpu.memory_space<hbm>>, %arg8: memref<2x92xi32, #tpu.memory_space<vmem>>, %arg9: memref<2x92xi32, #tpu.memory_space<vmem>>, %arg10: memref<92x160xf32, #tpu.memory_space<vmem>>, %arg11: memref<92x160xf32, #tpu.memory_space<vmem>>, %arg12: memref<10016x160xf32, #tpu.memory_space<vmem_shared>>, %arg13: memref<!tpu.dma_semaphore, #tpu.memory_space<semaphore_mem>>, %arg14: memref<!tpu.dma_semaphore, #tpu.memory_space<semaphore_mem>>, %arg15: memref<!tpu.dma_semaphore, #tpu.memory_space<semaphore_mem>>, %arg16: memref<!tpu.dma_semaphore, #tpu.memory_space<semaphore_mem>>) attributes {dimension_semantics = [#tpu.dimension_semantics<core_parallel>, #tpu.dimension_semantics<subcore_parallel>], iteration_bounds = array<i64: 2, 16>, scalar_prefetch = 0 : i64, scratch_operands = 9 : i64, tpu.core_type = #tpu.core_type<sc_vector_subcore>, window_params = [{transform_indices = #map}, {transform_indices = #map}, {transform_indices = #map1}, {transform_indices = #map}, {transform_indices = #map}, {transform_indices = #map}]} {
    %sub3A = arith.constant 24 : i32
    %sub3A_0 = arith.subi %sub3A, %arg1 : i32
    %jit3A = arith.constant 16 : i32
    %div3A = arith.divsi %sub3A_0, %jit3A : i32
    %sign3A = arith.constant 0 : i32
    %sign3A_1 = arith.cmpi sgt, %sub3A_0, %sign3A : i32
    %sign3A_2 = arith.extui %sign3A_1 : i1 to i32
    %sign3A_3 = arith.constant 0 : i32
    %sign3A_4 = arith.cmpi slt, %sub3A_0, %sign3A_3 : i32
    %sign3A_5 = arith.extui %sign3A_4 : i1 to i32
    %sign3A_6 = arith.subi %sign3A_2, %sign3A_5 : i32
    %sign3A_7 = arith.constant 0 : i32
    %sign3A_8 = arith.cmpi sgt, %jit3A, %sign3A_7 : i32
    %sign3A_9 = arith.extui %sign3A_8 : i1 to i32
    %sign3A_10 = arith.constant 0 : i32
    %sign3A_11 = arith.cmpi slt, %jit3A, %sign3A_10 : i32
    %sign3A_12 = arith.extui %sign3A_11 : i1 to i32
    %sign3A_13 = arith.subi %sign3A_9, %sign3A_12 : i32
    %ne3A = arith.cmpi ne, %sign3A_6, %sign3A_13 : i32
    %rem3A = arith.remsi %sub3A_0, %jit3A : i32
    %ne3A_14 = arith.constant 0 : i32
    %ne3A_15 = arith.cmpi ne, %rem3A, %ne3A_14 : i32
    %and3A = arith.andi %ne3A, %ne3A_15 : i1
    %sub3A_16 = arith.constant 1 : i32
    %sub3A_17 = arith.subi %div3A, %sub3A_16 : i32
    %select_n3A = arith.select %and3A, %sub3A_17, %div3A : i32
    %add3A = arith.constant 1 : i32
    %add3A_18 = arith.addi %select_n3A, %add3A : i32
    %while3A = arith.constant 0 : i32
    %while3A_19 = arith.constant 0 : i32
    %while3A_20 = arith.subi %add3A_18, %while3A_19 : i32
    %while3A_21 = arith.addi %while3A_19, %while3A_20 : i32
    %while3A_22 = arith.constant 1 : i32
    %while3A_23 = arith.divsi %while3A_20, %while3A_22 : i32
    %while3A_24 = arith.muli %while3A_23, %while3A_22 : i32
    %while3A_25 = arith.addi %while3A_19, %while3A_24 : i32
    %while3A_26 = arith.constant 1 : i32
    scf.for %while3A_47 = %while3A_19 to %while3A_25 step %while3A_26  : i32 {
      %mul3A_48 = arith.constant 16 : i32
      %mul3A_49 = arith.muli %while3A_47, %mul3A_48 : i32
      %add3A_50 = arith.addi %arg1, %mul3A_49 : i32
      %mul3A_51 = arith.constant 400 : i32
      %mul3A_52 = arith.muli %add3A_50, %mul3A_51 : i32
      "tpu.region"() ({
        %run_scoped3A = tpu.sem_alloc : memref<!tpu.dma_semaphore, #tpu.memory_space<semaphore_mem>>
        %dma_start3A = arith.constant 0 : i32
        %dma_start3A_53 = tpu.memref_slice %arg12[%mul3A_52, %dma_start3A] : memref<10016x160xf32, #tpu.memory_space<vmem_shared>> -> memref<400x160xf32, #tpu.memory_space<vmem_shared>>
        tpu.enqueue_dma source(%arg5 : memref<400x160xf32, #tpu.memory_space<hbm>>) target(%dma_start3A_53 : memref<400x160xf32, #tpu.memory_space<vmem_shared>>) target_semaphore(%run_scoped3A : memref<!tpu.dma_semaphore, #tpu.memory_space<semaphore_mem>>)
        %dma_wait3A = arith.constant 0 : i32
        %dma_wait3A_54 = tpu.memref_slice %arg12[%mul3A_52, %dma_wait3A] : memref<10016x160xf32, #tpu.memory_space<vmem_shared>> -> memref<400x160xf32, #tpu.memory_space<vmem_shared>>
        tpu.wait_dma2 semaphore(%run_scoped3A : memref<!tpu.dma_semaphore, #tpu.memory_space<semaphore_mem>>) src(%arg5 : memref<400x160xf32, #tpu.memory_space<hbm>>) dst(%dma_wait3A_54 : memref<400x160xf32, #tpu.memory_space<vmem_shared>>)
        tpu.yield
      }) : () -> ()
    }
    %while3A_27 = arith.constant 1 : i32
    scf.for %while3A_47 = %while3A_25 to %while3A_21 step %while3A_27  : i32 {
      %mul3A_48 = arith.constant 16 : i32
      %mul3A_49 = arith.muli %while3A_47, %mul3A_48 : i32
      %add3A_50 = arith.addi %arg1, %mul3A_49 : i32
      %mul3A_51 = arith.constant 400 : i32
      %mul3A_52 = arith.muli %add3A_50, %mul3A_51 : i32
      "tpu.region"() ({
        %run_scoped3A = tpu.sem_alloc : memref<!tpu.dma_semaphore, #tpu.memory_space<semaphore_mem>>
        %dma_start3A = arith.constant 0 : i32
        %dma_start3A_53 = tpu.memref_slice %arg12[%mul3A_52, %dma_start3A] : memref<10016x160xf32, #tpu.memory_space<vmem_shared>> -> memref<400x160xf32, #tpu.memory_space<vmem_shared>>
        tpu.enqueue_dma source(%arg5 : memref<400x160xf32, #tpu.memory_space<hbm>>) target(%dma_start3A_53 : memref<400x160xf32, #tpu.memory_space<vmem_shared>>) target_semaphore(%run_scoped3A : memref<!tpu.dma_semaphore, #tpu.memory_space<semaphore_mem>>)
        %dma_wait3A = arith.constant 0 : i32
        %dma_wait3A_54 = tpu.memref_slice %arg12[%mul3A_52, %dma_wait3A] : memref<10016x160xf32, #tpu.memory_space<vmem_shared>> -> memref<400x160xf32, #tpu.memory_space<vmem_shared>>
        tpu.wait_dma2 semaphore(%run_scoped3A : memref<!tpu.dma_semaphore, #tpu.memory_space<semaphore_mem>>) src(%arg5 : memref<400x160xf32, #tpu.memory_space<hbm>>) dst(%dma_wait3A_54 : memref<400x160xf32, #tpu.memory_space<vmem_shared>>)
        tpu.yield
      }) : () -> ()
    }
    %barrier3A = arith.constant 0 : index
    tpu.barrier barrier_id(%barrier3A)
    %mul3A = arith.constant 218 : i32
    %mul3A_28 = arith.muli %arg1, %mul3A : i32
    %eq3A = arith.constant 0 : i32
    %eq3A_29 = arith.cmpi eq, %arg0, %eq3A : i32
    %convert_element_type3A = arith.extui %eq3A_29 : i1 to i32
    %cond3A = arith.constant 0 : i32
    %cond3A_30 = arith.cmpi ne, %convert_element_type3A, %cond3A : i32
    scf.if %cond3A_30 {
      %scan3A = arith.constant 0 : i32
      %scan3A_47 = arith.constant 0 : i32
      %scan3A_48 = arith.constant 109 : i32
      %scan3A_49 = arith.addi %scan3A_47, %scan3A_48 : i32
      %scan3A_50 = arith.constant 1 : i32
      scf.for %scan3A_65 = %scan3A_47 to %scan3A_49 step %scan3A_50  : i32 {
        %mul3A_66 = arith.constant 2 : i32
        %mul3A_67 = arith.muli %mul3A_66, %scan3A_65 : i32
        %gt3A = arith.constant 0 : i32
        %gt3A_68 = arith.cmpi sgt, %scan3A_65, %gt3A : i32
        %convert_element_type3A_69 = arith.extui %gt3A_68 : i1 to i32
        %cond3A_70 = arith.constant 0 : i32
        %cond3A_71 = arith.cmpi ne, %convert_element_type3A_69, %cond3A_70 : i32
        scf.if %cond3A_71 {
          %dma_wait3A_122 = arith.constant 1 : i32
          %dma_wait3A_123 = arith.constant 0 : i32
          %dma_wait3A_124 = tpu.memref_slice %arg8[%dma_wait3A_122, %dma_wait3A_123] : memref<2x92xi32, #tpu.memory_space<vmem>> -> memref<1x92xi32, #tpu.memory_space<vmem>>
          %dma_wait3A_125 = tpu.memref_squeeze %dma_wait3A_124 : memref<1x92xi32, #tpu.memory_space<vmem>> -> memref<92xi32, #tpu.memory_space<vmem>>
          %dma_wait3A_126 = arith.constant 0 : i32
          %dma_wait3A_127 = arith.constant 0 : i32
          %dma_wait3A_128 = tpu.memref_slice %arg12[%dma_wait3A_126, %dma_wait3A_127] : memref<10016x160xf32, #tpu.memory_space<vmem_shared>> -> memref<10016x160xf32, #tpu.memory_space<vmem_shared>>
          tpu.wait_indirect_dma semaphore(%arg15 : memref<!tpu.dma_semaphore, #tpu.memory_space<semaphore_mem>>) src(%arg10 : memref<92x160xf32, #tpu.memory_space<vmem>>) dst(%dma_wait3A_128 : memref<10016x160xf32, #tpu.memory_space<vmem_shared>>)
        } else {
        }
        %add3A_72 = arith.addi %mul3A_28, %mul3A_67 : i32
        "tpu.region"() ({
          %run_scoped3A = tpu.sem_alloc : memref<!tpu.dma_semaphore, #tpu.memory_space<semaphore_mem>>
          %dma_start3A_122 = arith.constant 0 : i32
          %dma_start3A_123 = arith.constant 0 : i32
          %dma_start3A_124 = tpu.memref_slice %arg4[%add3A_72, %dma_start3A_122, %dma_start3A_123] : memref<3488x2x92xi32, #tpu.memory_space<hbm>> -> memref<1x2x92xi32, #tpu.memory_space<hbm>>
          %dma_start3A_125 = tpu.memref_squeeze %dma_start3A_124 : memref<1x2x92xi32, #tpu.memory_space<hbm>> -> memref<2x92xi32, #tpu.memory_space<hbm>>
          %dma_start3A_126 = arith.constant 0 : i32
          %dma_start3A_127 = arith.constant 0 : i32
          %dma_start3A_128 = tpu.memref_slice %arg4[%add3A_72, %dma_start3A_126, %dma_start3A_127] : memref<3488x2x92xi32, #tpu.memory_space<hbm>> -> memref<1x2x92xi32, #tpu.memory_space<hbm>>
          %dma_start3A_129 = tpu.memref_squeeze %dma_start3A_128 : memref<1x2x92xi32, #tpu.memory_space<hbm>> -> memref<2x92xi32, #tpu.memory_space<hbm>>
          tpu.enqueue_dma source(%dma_start3A_129 : memref<2x92xi32, #tpu.memory_space<hbm>>) target(%arg8 : memref<2x92xi32, #tpu.memory_space<vmem>>) target_semaphore(%run_scoped3A : memref<!tpu.dma_semaphore, #tpu.memory_space<semaphore_mem>>)
          %dma_wait3A_130 = arith.constant 0 : i32
          %dma_wait3A_131 = arith.constant 0 : i32
          %dma_wait3A_132 = tpu.memref_slice %arg4[%add3A_72, %dma_wait3A_130, %dma_wait3A_131] : memref<3488x2x92xi32, #tpu.memory_space<hbm>> -> memref<1x2x92xi32, #tpu.memory_space<hbm>>
          %dma_wait3A_133 = tpu.memref_squeeze %dma_wait3A_132 : memref<1x2x92xi32, #tpu.memory_space<hbm>> -> memref<2x92xi32, #tpu.memory_space<hbm>>
          %dma_wait3A_134 = arith.constant 0 : i32
          %dma_wait3A_135 = arith.constant 0 : i32
          %dma_wait3A_136 = tpu.memref_slice %arg4[%add3A_72, %dma_wait3A_134, %dma_wait3A_135] : memref<3488x2x92xi32, #tpu.memory_space<hbm>> -> memref<1x2x92xi32, #tpu.memory_space<hbm>>
          %dma_wait3A_137 = tpu.memref_squeeze %dma_wait3A_136 : memref<1x2x92xi32, #tpu.memory_space<hbm>> -> memref<2x92xi32, #tpu.memory_space<hbm>>
          tpu.wait_dma2 semaphore(%run_scoped3A : memref<!tpu.dma_semaphore, #tpu.memory_space<semaphore_mem>>) src(%dma_wait3A_137 : memref<2x92xi32, #tpu.memory_space<hbm>>) dst(%arg8 : memref<2x92xi32, #tpu.memory_space<vmem>>)
          tpu.yield
        }) : () -> ()
        %dma_start3A = arith.constant 0 : i32
        %dma_start3A_73 = arith.constant 0 : i32
        %dma_start3A_74 = tpu.memref_slice %arg8[%dma_start3A, %dma_start3A_73] : memref<2x92xi32, #tpu.memory_space<vmem>> -> memref<1x92xi32, #tpu.memory_space<vmem>>
        %dma_start3A_75 = tpu.memref_squeeze %dma_start3A_74 : memref<1x92xi32, #tpu.memory_space<vmem>> -> memref<92xi32, #tpu.memory_space<vmem>>
        %dma_start3A_76 = arith.constant 0 : i32
        %dma_start3A_77 = arith.constant 0 : i32
        %dma_start3A_78 = tpu.memref_slice %arg2[%dma_start3A_76, %dma_start3A_77] : memref<10000x160xf32, #tpu.memory_space<hbm>> -> memref<10000x160xf32, #tpu.memory_space<hbm>>
        tpu.enqueue_indirect_dma source(%dma_start3A_78 : memref<10000x160xf32, #tpu.memory_space<hbm>>) target(%arg10 : memref<92x160xf32, #tpu.memory_space<vmem>>) offsets(%dma_start3A_75 : memref<92xi32, #tpu.memory_space<vmem>>) semaphore(%arg13 : memref<!tpu.dma_semaphore, #tpu.memory_space<semaphore_mem>>)
        %gt3A_79 = arith.constant 0 : i32
        %gt3A_80 = arith.cmpi sgt, %scan3A_65, %gt3A_79 : i32
        %convert_element_type3A_81 = arith.extui %gt3A_80 : i1 to i32
        %cond3A_82 = arith.constant 0 : i32
        %cond3A_83 = arith.cmpi ne, %convert_element_type3A_81, %cond3A_82 : i32
        scf.if %cond3A_83 {
          %dma_wait3A_122 = arith.constant 1 : i32
          %dma_wait3A_123 = arith.constant 0 : i32
          %dma_wait3A_124 = tpu.memref_slice %arg9[%dma_wait3A_122, %dma_wait3A_123] : memref<2x92xi32, #tpu.memory_space<vmem>> -> memref<1x92xi32, #tpu.memory_space<vmem>>
          %dma_wait3A_125 = tpu.memref_squeeze %dma_wait3A_124 : memref<1x92xi32, #tpu.memory_space<vmem>> -> memref<92xi32, #tpu.memory_space<vmem>>
          %dma_wait3A_126 = arith.constant 0 : i32
          %dma_wait3A_127 = arith.constant 0 : i32
          %dma_wait3A_128 = tpu.memref_slice %arg12[%dma_wait3A_126, %dma_wait3A_127] : memref<10016x160xf32, #tpu.memory_space<vmem_shared>> -> memref<10016x160xf32, #tpu.memory_space<vmem_shared>>
          tpu.wait_indirect_dma semaphore(%arg16 : memref<!tpu.dma_semaphore, #tpu.memory_space<semaphore_mem>>) src(%arg11 : memref<92x160xf32, #tpu.memory_space<vmem>>) dst(%dma_wait3A_128 : memref<10016x160xf32, #tpu.memory_space<vmem_shared>>)
        } else {
        }
        %add3A_84 = arith.addi %mul3A_28, %mul3A_67 : i32
        %add3A_85 = arith.constant 1 : i32
        %add3A_86 = arith.addi %add3A_84, %add3A_85 : i32
        "tpu.region"() ({
          %run_scoped3A = tpu.sem_alloc : memref<!tpu.dma_semaphore, #tpu.memory_space<semaphore_mem>>
          %dma_start3A_122 = arith.constant 0 : i32
          %dma_start3A_123 = arith.constant 0 : i32
          %dma_start3A_124 = tpu.memref_slice %arg4[%add3A_86, %dma_start3A_122, %dma_start3A_123] : memref<3488x2x92xi32, #tpu.memory_space<hbm>> -> memref<1x2x92xi32, #tpu.memory_space<hbm>>
          %dma_start3A_125 = tpu.memref_squeeze %dma_start3A_124 : memref<1x2x92xi32, #tpu.memory_space<hbm>> -> memref<2x92xi32, #tpu.memory_space<hbm>>
          %dma_start3A_126 = arith.constant 0 : i32
          %dma_start3A_127 = arith.constant 0 : i32
          %dma_start3A_128 = tpu.memref_slice %arg4[%add3A_86, %dma_start3A_126, %dma_start3A_127] : memref<3488x2x92xi32, #tpu.memory_space<hbm>> -> memref<1x2x92xi32, #tpu.memory_space<hbm>>
          %dma_start3A_129 = tpu.memref_squeeze %dma_start3A_128 : memref<1x2x92xi32, #tpu.memory_space<hbm>> -> memref<2x92xi32, #tpu.memory_space<hbm>>
          tpu.enqueue_dma source(%dma_start3A_129 : memref<2x92xi32, #tpu.memory_space<hbm>>) target(%arg9 : memref<2x92xi32, #tpu.memory_space<vmem>>) target_semaphore(%run_scoped3A : memref<!tpu.dma_semaphore, #tpu.memory_space<semaphore_mem>>)
          %dma_wait3A_130 = arith.constant 0 : i32
          %dma_wait3A_131 = arith.constant 0 : i32
          %dma_wait3A_132 = tpu.memref_slice %arg4[%add3A_86, %dma_wait3A_130, %dma_wait3A_131] : memref<3488x2x92xi32, #tpu.memory_space<hbm>> -> memref<1x2x92xi32, #tpu.memory_space<hbm>>
          %dma_wait3A_133 = tpu.memref_squeeze %dma_wait3A_132 : memref<1x2x92xi32, #tpu.memory_space<hbm>> -> memref<2x92xi32, #tpu.memory_space<hbm>>
          %dma_wait3A_134 = arith.constant 0 : i32
          %dma_wait3A_135 = arith.constant 0 : i32
          %dma_wait3A_136 = tpu.memref_slice %arg4[%add3A_86, %dma_wait3A_134, %dma_wait3A_135] : memref<3488x2x92xi32, #tpu.memory_space<hbm>> -> memref<1x2x92xi32, #tpu.memory_space<hbm>>
          %dma_wait3A_137 = tpu.memref_squeeze %dma_wait3A_136 : memref<1x2x92xi32, #tpu.memory_space<hbm>> -> memref<2x92xi32, #tpu.memory_space<hbm>>
          tpu.wait_dma2 semaphore(%run_scoped3A : memref<!tpu.dma_semaphore, #tpu.memory_space<semaphore_mem>>) src(%dma_wait3A_137 : memref<2x92xi32, #tpu.memory_space<hbm>>) dst(%arg9 : memref<2x92xi32, #tpu.memory_space<vmem>>)
          tpu.yield
        }) : () -> ()
        %dma_start3A_87 = arith.constant 0 : i32
        %dma_start3A_88 = arith.constant 0 : i32
        %dma_start3A_89 = tpu.memref_slice %arg9[%dma_start3A_87, %dma_start3A_88] : memref<2x92xi32, #tpu.memory_space<vmem>> -> memref<1x92xi32, #tpu.memory_space<vmem>>
        %dma_start3A_90 = tpu.memref_squeeze %dma_start3A_89 : memref<1x92xi32, #tpu.memory_space<vmem>> -> memref<92xi32, #tpu.memory_space<vmem>>
        %dma_start3A_91 = arith.constant 0 : i32
        %dma_start3A_92 = arith.constant 0 : i32
        %dma_start3A_93 = tpu.memref_slice %arg2[%dma_start3A_91, %dma_start3A_92] : memref<10000x160xf32, #tpu.memory_space<hbm>> -> memref<10000x160xf32, #tpu.memory_space<hbm>>
        tpu.enqueue_indirect_dma source(%dma_start3A_93 : memref<10000x160xf32, #tpu.memory_space<hbm>>) target(%arg11 : memref<92x160xf32, #tpu.memory_space<vmem>>) offsets(%dma_start3A_90 : memref<92xi32, #tpu.memory_space<vmem>>) semaphore(%arg14 : memref<!tpu.dma_semaphore, #tpu.memory_space<semaphore_mem>>)
        %dma_wait3A_94 = arith.constant 0 : i32
        %dma_wait3A_95 = arith.constant 0 : i32
        %dma_wait3A_96 = tpu.memref_slice %arg8[%dma_wait3A_94, %dma_wait3A_95] : memref<2x92xi32, #tpu.memory_space<vmem>> -> memref<1x92xi32, #tpu.memory_space<vmem>>
        %dma_wait3A_97 = tpu.memref_squeeze %dma_wait3A_96 : memref<1x92xi32, #tpu.memory_space<vmem>> -> memref<92xi32, #tpu.memory_space<vmem>>
        %dma_wait3A_98 = arith.constant 0 : i32
        %dma_wait3A_99 = arith.constant 0 : i32
        %dma_wait3A_100 = tpu.memref_slice %arg2[%dma_wait3A_98, %dma_wait3A_99] : memref<10000x160xf32, #tpu.memory_space<hbm>> -> memref<10000x160xf32, #tpu.memory_space<hbm>>
        tpu.wait_indirect_dma semaphore(%arg13 : memref<!tpu.dma_semaphore, #tpu.memory_space<semaphore_mem>>) src(%dma_wait3A_100 : memref<10000x160xf32, #tpu.memory_space<hbm>>) dst(%arg10 : memref<92x160xf32, #tpu.memory_space<vmem>>)
        %dma_start3A_101 = arith.constant 1 : i32
        %dma_start3A_102 = arith.constant 0 : i32
        %dma_start3A_103 = tpu.memref_slice %arg8[%dma_start3A_101, %dma_start3A_102] : memref<2x92xi32, #tpu.memory_space<vmem>> -> memref<1x92xi32, #tpu.memory_space<vmem>>
        %dma_start3A_104 = tpu.memref_squeeze %dma_start3A_103 : memref<1x92xi32, #tpu.memory_space<vmem>> -> memref<92xi32, #tpu.memory_space<vmem>>
        %dma_start3A_105 = arith.constant 0 : i32
        %dma_start3A_106 = arith.constant 0 : i32
        %dma_start3A_107 = tpu.memref_slice %arg12[%dma_start3A_105, %dma_start3A_106] : memref<10016x160xf32, #tpu.memory_space<vmem_shared>> -> memref<10016x160xf32, #tpu.memory_space<vmem_shared>>
        tpu.enqueue_indirect_dma source(%arg10 : memref<92x160xf32, #tpu.memory_space<vmem>>) target(%dma_start3A_107 : memref<10016x160xf32, #tpu.memory_space<vmem_shared>>) offsets(%dma_start3A_104 : memref<92xi32, #tpu.memory_space<vmem>>) semaphore(%arg15 : memref<!tpu.dma_semaphore, #tpu.memory_space<semaphore_mem>>) {add = true}
        %dma_wait3A_108 = arith.constant 0 : i32
        %dma_wait3A_109 = arith.constant 0 : i32
        %dma_wait3A_110 = tpu.memref_slice %arg9[%dma_wait3A_108, %dma_wait3A_109] : memref<2x92xi32, #tpu.memory_space<vmem>> -> memref<1x92xi32, #tpu.memory_space<vmem>>
        %dma_wait3A_111 = tpu.memref_squeeze %dma_wait3A_110 : memref<1x92xi32, #tpu.memory_space<vmem>> -> memref<92xi32, #tpu.memory_space<vmem>>
        %dma_wait3A_112 = arith.constant 0 : i32
        %dma_wait3A_113 = arith.constant 0 : i32
        %dma_wait3A_114 = tpu.memref_slice %arg2[%dma_wait3A_112, %dma_wait3A_113] : memref<10000x160xf32, #tpu.memory_space<hbm>> -> memref<10000x160xf32, #tpu.memory_space<hbm>>
        tpu.wait_indirect_dma semaphore(%arg14 : memref<!tpu.dma_semaphore, #tpu.memory_space<semaphore_mem>>) src(%dma_wait3A_114 : memref<10000x160xf32, #tpu.memory_space<hbm>>) dst(%arg11 : memref<92x160xf32, #tpu.memory_space<vmem>>)
        %dma_start3A_115 = arith.constant 1 : i32
        %dma_start3A_116 = arith.constant 0 : i32
        %dma_start3A_117 = tpu.memref_slice %arg9[%dma_start3A_115, %dma_start3A_116] : memref<2x92xi32, #tpu.memory_space<vmem>> -> memref<1x92xi32, #tpu.memory_space<vmem>>
        %dma_start3A_118 = tpu.memref_squeeze %dma_start3A_117 : memref<1x92xi32, #tpu.memory_space<vmem>> -> memref<92xi32, #tpu.memory_space<vmem>>
        %dma_start3A_119 = arith.constant 0 : i32
        %dma_start3A_120 = arith.constant 0 : i32
        %dma_start3A_121 = tpu.memref_slice %arg12[%dma_start3A_119, %dma_start3A_120] : memref<10016x160xf32, #tpu.memory_space<vmem_shared>> -> memref<10016x160xf32, #tpu.memory_space<vmem_shared>>
        tpu.enqueue_indirect_dma source(%arg11 : memref<92x160xf32, #tpu.memory_space<vmem>>) target(%dma_start3A_121 : memref<10016x160xf32, #tpu.memory_space<vmem_shared>>) offsets(%dma_start3A_118 : memref<92xi32, #tpu.memory_space<vmem>>) semaphore(%arg16 : memref<!tpu.dma_semaphore, #tpu.memory_space<semaphore_mem>>) {add = true}
      }
      %scan3A_51 = arith.constant 109 : i32
      %dma_wait3A = arith.constant 1 : i32
      %dma_wait3A_52 = arith.constant 0 : i32
      %dma_wait3A_53 = tpu.memref_slice %arg8[%dma_wait3A, %dma_wait3A_52] : memref<2x92xi32, #tpu.memory_space<vmem>> -> memref<1x92xi32, #tpu.memory_space<vmem>>
      %dma_wait3A_54 = tpu.memref_squeeze %dma_wait3A_53 : memref<1x92xi32, #tpu.memory_space<vmem>> -> memref<92xi32, #tpu.memory_space<vmem>>
      %dma_wait3A_55 = arith.constant 0 : i32
      %dma_wait3A_56 = arith.constant 0 : i32
      %dma_wait3A_57 = tpu.memref_slice %arg12[%dma_wait3A_55, %dma_wait3A_56] : memref<10016x160xf32, #tpu.memory_space<vmem_shared>> -> memref<10016x160xf32, #tpu.memory_space<vmem_shared>>
      tpu.wait_indirect_dma semaphore(%arg15 : memref<!tpu.dma_semaphore, #tpu.memory_space<semaphore_mem>>) src(%arg10 : memref<92x160xf32, #tpu.memory_space<vmem>>) dst(%dma_wait3A_57 : memref<10016x160xf32, #tpu.memory_space<vmem_shared>>)
      %dma_wait3A_58 = arith.constant 1 : i32
      %dma_wait3A_59 = arith.constant 0 : i32
      %dma_wait3A_60 = tpu.memref_slice %arg9[%dma_wait3A_58, %dma_wait3A_59] : memref<2x92xi32, #tpu.memory_space<vmem>> -> memref<1x92xi32, #tpu.memory_space<vmem>>
      %dma_wait3A_61 = tpu.memref_squeeze %dma_wait3A_60 : memref<1x92xi32, #tpu.memory_space<vmem>> -> memref<92xi32, #tpu.memory_space<vmem>>
      %dma_wait3A_62 = arith.constant 0 : i32
      %dma_wait3A_63 = arith.constant 0 : i32
      %dma_wait3A_64 = tpu.memref_slice %arg12[%dma_wait3A_62, %dma_wait3A_63] : memref<10016x160xf32, #tpu.memory_space<vmem_shared>> -> memref<10016x160xf32, #tpu.memory_space<vmem_shared>>
      tpu.wait_indirect_dma semaphore(%arg16 : memref<!tpu.dma_semaphore, #tpu.memory_space<semaphore_mem>>) src(%arg11 : memref<92x160xf32, #tpu.memory_space<vmem>>) dst(%dma_wait3A_64 : memref<10016x160xf32, #tpu.memory_space<vmem_shared>>)
    } else {
    }
    %eq3A_31 = arith.constant 1 : i32
    %eq3A_32 = arith.cmpi eq, %arg0, %eq3A_31 : i32
    %convert_element_type3A_33 = arith.extui %eq3A_32 : i1 to i32
    %cond3A_34 = arith.constant 0 : i32
    %cond3A_35 = arith.cmpi ne, %convert_element_type3A_33, %cond3A_34 : i32
    scf.if %cond3A_35 {
      %scan3A = arith.constant 0 : i32
      %scan3A_47 = arith.constant 0 : i32
      %scan3A_48 = arith.constant 109 : i32
      %scan3A_49 = arith.addi %scan3A_47, %scan3A_48 : i32
      %scan3A_50 = arith.constant 1 : i32
      scf.for %scan3A_65 = %scan3A_47 to %scan3A_49 step %scan3A_50  : i32 {
        %mul3A_66 = arith.constant 2 : i32
        %mul3A_67 = arith.muli %mul3A_66, %scan3A_65 : i32
        %gt3A = arith.constant 0 : i32
        %gt3A_68 = arith.cmpi sgt, %scan3A_65, %gt3A : i32
        %convert_element_type3A_69 = arith.extui %gt3A_68 : i1 to i32
        %cond3A_70 = arith.constant 0 : i32
        %cond3A_71 = arith.cmpi ne, %convert_element_type3A_69, %cond3A_70 : i32
        scf.if %cond3A_71 {
          %dma_wait3A_122 = arith.constant 1 : i32
          %dma_wait3A_123 = arith.constant 0 : i32
          %dma_wait3A_124 = tpu.memref_slice %arg8[%dma_wait3A_122, %dma_wait3A_123] : memref<2x92xi32, #tpu.memory_space<vmem>> -> memref<1x92xi32, #tpu.memory_space<vmem>>
          %dma_wait3A_125 = tpu.memref_squeeze %dma_wait3A_124 : memref<1x92xi32, #tpu.memory_space<vmem>> -> memref<92xi32, #tpu.memory_space<vmem>>
          %dma_wait3A_126 = arith.constant 0 : i32
          %dma_wait3A_127 = arith.constant 0 : i32
          %dma_wait3A_128 = tpu.memref_slice %arg12[%dma_wait3A_126, %dma_wait3A_127] : memref<10016x160xf32, #tpu.memory_space<vmem_shared>> -> memref<10016x160xf32, #tpu.memory_space<vmem_shared>>
          tpu.wait_indirect_dma semaphore(%arg15 : memref<!tpu.dma_semaphore, #tpu.memory_space<semaphore_mem>>) src(%arg10 : memref<92x160xf32, #tpu.memory_space<vmem>>) dst(%dma_wait3A_128 : memref<10016x160xf32, #tpu.memory_space<vmem_shared>>)
        } else {
        }
        %add3A_72 = arith.addi %mul3A_28, %mul3A_67 : i32
        "tpu.region"() ({
          %run_scoped3A = tpu.sem_alloc : memref<!tpu.dma_semaphore, #tpu.memory_space<semaphore_mem>>
          %dma_start3A_122 = arith.constant 0 : i32
          %dma_start3A_123 = arith.constant 0 : i32
          %dma_start3A_124 = tpu.memref_slice %arg4[%add3A_72, %dma_start3A_122, %dma_start3A_123] : memref<3488x2x92xi32, #tpu.memory_space<hbm>> -> memref<1x2x92xi32, #tpu.memory_space<hbm>>
          %dma_start3A_125 = tpu.memref_squeeze %dma_start3A_124 : memref<1x2x92xi32, #tpu.memory_space<hbm>> -> memref<2x92xi32, #tpu.memory_space<hbm>>
          %dma_start3A_126 = arith.constant 0 : i32
          %dma_start3A_127 = arith.constant 0 : i32
          %dma_start3A_128 = tpu.memref_slice %arg4[%add3A_72, %dma_start3A_126, %dma_start3A_127] : memref<3488x2x92xi32, #tpu.memory_space<hbm>> -> memref<1x2x92xi32, #tpu.memory_space<hbm>>
          %dma_start3A_129 = tpu.memref_squeeze %dma_start3A_128 : memref<1x2x92xi32, #tpu.memory_space<hbm>> -> memref<2x92xi32, #tpu.memory_space<hbm>>
          tpu.enqueue_dma source(%dma_start3A_129 : memref<2x92xi32, #tpu.memory_space<hbm>>) target(%arg8 : memref<2x92xi32, #tpu.memory_space<vmem>>) target_semaphore(%run_scoped3A : memref<!tpu.dma_semaphore, #tpu.memory_space<semaphore_mem>>)
          %dma_wait3A_130 = arith.constant 0 : i32
          %dma_wait3A_131 = arith.constant 0 : i32
          %dma_wait3A_132 = tpu.memref_slice %arg4[%add3A_72, %dma_wait3A_130, %dma_wait3A_131] : memref<3488x2x92xi32, #tpu.memory_space<hbm>> -> memref<1x2x92xi32, #tpu.memory_space<hbm>>
          %dma_wait3A_133 = tpu.memref_squeeze %dma_wait3A_132 : memref<1x2x92xi32, #tpu.memory_space<hbm>> -> memref<2x92xi32, #tpu.memory_space<hbm>>
          %dma_wait3A_134 = arith.constant 0 : i32
          %dma_wait3A_135 = arith.constant 0 : i32
          %dma_wait3A_136 = tpu.memref_slice %arg4[%add3A_72, %dma_wait3A_134, %dma_wait3A_135] : memref<3488x2x92xi32, #tpu.memory_space<hbm>> -> memref<1x2x92xi32, #tpu.memory_space<hbm>>
          %dma_wait3A_137 = tpu.memref_squeeze %dma_wait3A_136 : memref<1x2x92xi32, #tpu.memory_space<hbm>> -> memref<2x92xi32, #tpu.memory_space<hbm>>
          tpu.wait_dma2 semaphore(%run_scoped3A : memref<!tpu.dma_semaphore, #tpu.memory_space<semaphore_mem>>) src(%dma_wait3A_137 : memref<2x92xi32, #tpu.memory_space<hbm>>) dst(%arg8 : memref<2x92xi32, #tpu.memory_space<vmem>>)
          tpu.yield
        }) : () -> ()
        %dma_start3A = arith.constant 0 : i32
        %dma_start3A_73 = arith.constant 0 : i32
        %dma_start3A_74 = tpu.memref_slice %arg8[%dma_start3A, %dma_start3A_73] : memref<2x92xi32, #tpu.memory_space<vmem>> -> memref<1x92xi32, #tpu.memory_space<vmem>>
        %dma_start3A_75 = tpu.memref_squeeze %dma_start3A_74 : memref<1x92xi32, #tpu.memory_space<vmem>> -> memref<92xi32, #tpu.memory_space<vmem>>
        %dma_start3A_76 = arith.constant 0 : i32
        %dma_start3A_77 = arith.constant 0 : i32
        %dma_start3A_78 = tpu.memref_slice %arg3[%dma_start3A_76, %dma_start3A_77] : memref<10000x160xf32, #tpu.memory_space<hbm>> -> memref<10000x160xf32, #tpu.memory_space<hbm>>
        tpu.enqueue_indirect_dma source(%dma_start3A_78 : memref<10000x160xf32, #tpu.memory_space<hbm>>) target(%arg10 : memref<92x160xf32, #tpu.memory_space<vmem>>) offsets(%dma_start3A_75 : memref<92xi32, #tpu.memory_space<vmem>>) semaphore(%arg13 : memref<!tpu.dma_semaphore, #tpu.memory_space<semaphore_mem>>)
        %gt3A_79 = arith.constant 0 : i32
        %gt3A_80 = arith.cmpi sgt, %scan3A_65, %gt3A_79 : i32
        %convert_element_type3A_81 = arith.extui %gt3A_80 : i1 to i32
        %cond3A_82 = arith.constant 0 : i32
        %cond3A_83 = arith.cmpi ne, %convert_element_type3A_81, %cond3A_82 : i32
        scf.if %cond3A_83 {
          %dma_wait3A_122 = arith.constant 1 : i32
          %dma_wait3A_123 = arith.constant 0 : i32
          %dma_wait3A_124 = tpu.memref_slice %arg9[%dma_wait3A_122, %dma_wait3A_123] : memref<2x92xi32, #tpu.memory_space<vmem>> -> memref<1x92xi32, #tpu.memory_space<vmem>>
          %dma_wait3A_125 = tpu.memref_squeeze %dma_wait3A_124 : memref<1x92xi32, #tpu.memory_space<vmem>> -> memref<92xi32, #tpu.memory_space<vmem>>
          %dma_wait3A_126 = arith.constant 0 : i32
          %dma_wait3A_127 = arith.constant 0 : i32
          %dma_wait3A_128 = tpu.memref_slice %arg12[%dma_wait3A_126, %dma_wait3A_127] : memref<10016x160xf32, #tpu.memory_space<vmem_shared>> -> memref<10016x160xf32, #tpu.memory_space<vmem_shared>>
          tpu.wait_indirect_dma semaphore(%arg16 : memref<!tpu.dma_semaphore, #tpu.memory_space<semaphore_mem>>) src(%arg11 : memref<92x160xf32, #tpu.memory_space<vmem>>) dst(%dma_wait3A_128 : memref<10016x160xf32, #tpu.memory_space<vmem_shared>>)
        } else {
        }
        %add3A_84 = arith.addi %mul3A_28, %mul3A_67 : i32
        %add3A_85 = arith.constant 1 : i32
        %add3A_86 = arith.addi %add3A_84, %add3A_85 : i32
        "tpu.region"() ({
          %run_scoped3A = tpu.sem_alloc : memref<!tpu.dma_semaphore, #tpu.memory_space<semaphore_mem>>
          %dma_start3A_122 = arith.constant 0 : i32
          %dma_start3A_123 = arith.constant 0 : i32
          %dma_start3A_124 = tpu.memref_slice %arg4[%add3A_86, %dma_start3A_122, %dma_start3A_123] : memref<3488x2x92xi32, #tpu.memory_space<hbm>> -> memref<1x2x92xi32, #tpu.memory_space<hbm>>
          %dma_start3A_125 = tpu.memref_squeeze %dma_start3A_124 : memref<1x2x92xi32, #tpu.memory_space<hbm>> -> memref<2x92xi32, #tpu.memory_space<hbm>>
          %dma_start3A_126 = arith.constant 0 : i32
          %dma_start3A_127 = arith.constant 0 : i32
          %dma_start3A_128 = tpu.memref_slice %arg4[%add3A_86, %dma_start3A_126, %dma_start3A_127] : memref<3488x2x92xi32, #tpu.memory_space<hbm>> -> memref<1x2x92xi32, #tpu.memory_space<hbm>>
          %dma_start3A_129 = tpu.memref_squeeze %dma_start3A_128 : memref<1x2x92xi32, #tpu.memory_space<hbm>> -> memref<2x92xi32, #tpu.memory_space<hbm>>
          tpu.enqueue_dma source(%dma_start3A_129 : memref<2x92xi32, #tpu.memory_space<hbm>>) target(%arg9 : memref<2x92xi32, #tpu.memory_space<vmem>>) target_semaphore(%run_scoped3A : memref<!tpu.dma_semaphore, #tpu.memory_space<semaphore_mem>>)
          %dma_wait3A_130 = arith.constant 0 : i32
          %dma_wait3A_131 = arith.constant 0 : i32
          %dma_wait3A_132 = tpu.memref_slice %arg4[%add3A_86, %dma_wait3A_130, %dma_wait3A_131] : memref<3488x2x92xi32, #tpu.memory_space<hbm>> -> memref<1x2x92xi32, #tpu.memory_space<hbm>>
          %dma_wait3A_133 = tpu.memref_squeeze %dma_wait3A_132 : memref<1x2x92xi32, #tpu.memory_space<hbm>> -> memref<2x92xi32, #tpu.memory_space<hbm>>
          %dma_wait3A_134 = arith.constant 0 : i32
          %dma_wait3A_135 = arith.constant 0 : i32
          %dma_wait3A_136 = tpu.memref_slice %arg4[%add3A_86, %dma_wait3A_134, %dma_wait3A_135] : memref<3488x2x92xi32, #tpu.memory_space<hbm>> -> memref<1x2x92xi32, #tpu.memory_space<hbm>>
          %dma_wait3A_137 = tpu.memref_squeeze %dma_wait3A_136 : memref<1x2x92xi32, #tpu.memory_space<hbm>> -> memref<2x92xi32, #tpu.memory_space<hbm>>
          tpu.wait_dma2 semaphore(%run_scoped3A : memref<!tpu.dma_semaphore, #tpu.memory_space<semaphore_mem>>) src(%dma_wait3A_137 : memref<2x92xi32, #tpu.memory_space<hbm>>) dst(%arg9 : memref<2x92xi32, #tpu.memory_space<vmem>>)
          tpu.yield
        }) : () -> ()
        %dma_start3A_87 = arith.constant 0 : i32
        %dma_start3A_88 = arith.constant 0 : i32
        %dma_start3A_89 = tpu.memref_slice %arg9[%dma_start3A_87, %dma_start3A_88] : memref<2x92xi32, #tpu.memory_space<vmem>> -> memref<1x92xi32, #tpu.memory_space<vmem>>
        %dma_start3A_90 = tpu.memref_squeeze %dma_start3A_89 : memref<1x92xi32, #tpu.memory_space<vmem>> -> memref<92xi32, #tpu.memory_space<vmem>>
        %dma_start3A_91 = arith.constant 0 : i32
        %dma_start3A_92 = arith.constant 0 : i32
        %dma_start3A_93 = tpu.memref_slice %arg3[%dma_start3A_91, %dma_start3A_92] : memref<10000x160xf32, #tpu.memory_space<hbm>> -> memref<10000x160xf32, #tpu.memory_space<hbm>>
        tpu.enqueue_indirect_dma source(%dma_start3A_93 : memref<10000x160xf32, #tpu.memory_space<hbm>>) target(%arg11 : memref<92x160xf32, #tpu.memory_space<vmem>>) offsets(%dma_start3A_90 : memref<92xi32, #tpu.memory_space<vmem>>) semaphore(%arg14 : memref<!tpu.dma_semaphore, #tpu.memory_space<semaphore_mem>>)
        %dma_wait3A_94 = arith.constant 0 : i32
        %dma_wait3A_95 = arith.constant 0 : i32
        %dma_wait3A_96 = tpu.memref_slice %arg8[%dma_wait3A_94, %dma_wait3A_95] : memref<2x92xi32, #tpu.memory_space<vmem>> -> memref<1x92xi32, #tpu.memory_space<vmem>>
        %dma_wait3A_97 = tpu.memref_squeeze %dma_wait3A_96 : memref<1x92xi32, #tpu.memory_space<vmem>> -> memref<92xi32, #tpu.memory_space<vmem>>
        %dma_wait3A_98 = arith.constant 0 : i32
        %dma_wait3A_99 = arith.constant 0 : i32
        %dma_wait3A_100 = tpu.memref_slice %arg3[%dma_wait3A_98, %dma_wait3A_99] : memref<10000x160xf32, #tpu.memory_space<hbm>> -> memref<10000x160xf32, #tpu.memory_space<hbm>>
        tpu.wait_indirect_dma semaphore(%arg13 : memref<!tpu.dma_semaphore, #tpu.memory_space<semaphore_mem>>) src(%dma_wait3A_100 : memref<10000x160xf32, #tpu.memory_space<hbm>>) dst(%arg10 : memref<92x160xf32, #tpu.memory_space<vmem>>)
        %dma_start3A_101 = arith.constant 1 : i32
        %dma_start3A_102 = arith.constant 0 : i32
        %dma_start3A_103 = tpu.memref_slice %arg8[%dma_start3A_101, %dma_start3A_102] : memref<2x92xi32, #tpu.memory_space<vmem>> -> memref<1x92xi32, #tpu.memory_space<vmem>>
        %dma_start3A_104 = tpu.memref_squeeze %dma_start3A_103 : memref<1x92xi32, #tpu.memory_space<vmem>> -> memref<92xi32, #tpu.memory_space<vmem>>
        %dma_start3A_105 = arith.constant 0 : i32
        %dma_start3A_106 = arith.constant 0 : i32
        %dma_start3A_107 = tpu.memref_slice %arg12[%dma_start3A_105, %dma_start3A_106] : memref<10016x160xf32, #tpu.memory_space<vmem_shared>> -> memref<10016x160xf32, #tpu.memory_space<vmem_shared>>
        tpu.enqueue_indirect_dma source(%arg10 : memref<92x160xf32, #tpu.memory_space<vmem>>) target(%dma_start3A_107 : memref<10016x160xf32, #tpu.memory_space<vmem_shared>>) offsets(%dma_start3A_104 : memref<92xi32, #tpu.memory_space<vmem>>) semaphore(%arg15 : memref<!tpu.dma_semaphore, #tpu.memory_space<semaphore_mem>>) {add = true}
        %dma_wait3A_108 = arith.constant 0 : i32
        %dma_wait3A_109 = arith.constant 0 : i32
        %dma_wait3A_110 = tpu.memref_slice %arg9[%dma_wait3A_108, %dma_wait3A_109] : memref<2x92xi32, #tpu.memory_space<vmem>> -> memref<1x92xi32, #tpu.memory_space<vmem>>
        %dma_wait3A_111 = tpu.memref_squeeze %dma_wait3A_110 : memref<1x92xi32, #tpu.memory_space<vmem>> -> memref<92xi32, #tpu.memory_space<vmem>>
        %dma_wait3A_112 = arith.constant 0 : i32
        %dma_wait3A_113 = arith.constant 0 : i32
        %dma_wait3A_114 = tpu.memref_slice %arg3[%dma_wait3A_112, %dma_wait3A_113] : memref<10000x160xf32, #tpu.memory_space<hbm>> -> memref<10000x160xf32, #tpu.memory_space<hbm>>
        tpu.wait_indirect_dma semaphore(%arg14 : memref<!tpu.dma_semaphore, #tpu.memory_space<semaphore_mem>>) src(%dma_wait3A_114 : memref<10000x160xf32, #tpu.memory_space<hbm>>) dst(%arg11 : memref<92x160xf32, #tpu.memory_space<vmem>>)
        %dma_start3A_115 = arith.constant 1 : i32
        %dma_start3A_116 = arith.constant 0 : i32
        %dma_start3A_117 = tpu.memref_slice %arg9[%dma_start3A_115, %dma_start3A_116] : memref<2x92xi32, #tpu.memory_space<vmem>> -> memref<1x92xi32, #tpu.memory_space<vmem>>
        %dma_start3A_118 = tpu.memref_squeeze %dma_start3A_117 : memref<1x92xi32, #tpu.memory_space<vmem>> -> memref<92xi32, #tpu.memory_space<vmem>>
        %dma_start3A_119 = arith.constant 0 : i32
        %dma_start3A_120 = arith.constant 0 : i32
        %dma_start3A_121 = tpu.memref_slice %arg12[%dma_start3A_119, %dma_start3A_120] : memref<10016x160xf32, #tpu.memory_space<vmem_shared>> -> memref<10016x160xf32, #tpu.memory_space<vmem_shared>>
        tpu.enqueue_indirect_dma source(%arg11 : memref<92x160xf32, #tpu.memory_space<vmem>>) target(%dma_start3A_121 : memref<10016x160xf32, #tpu.memory_space<vmem_shared>>) offsets(%dma_start3A_118 : memref<92xi32, #tpu.memory_space<vmem>>) semaphore(%arg16 : memref<!tpu.dma_semaphore, #tpu.memory_space<semaphore_mem>>) {add = true}
      }
      %scan3A_51 = arith.constant 109 : i32
      %dma_wait3A = arith.constant 1 : i32
      %dma_wait3A_52 = arith.constant 0 : i32
      %dma_wait3A_53 = tpu.memref_slice %arg8[%dma_wait3A, %dma_wait3A_52] : memref<2x92xi32, #tpu.memory_space<vmem>> -> memref<1x92xi32, #tpu.memory_space<vmem>>
      %dma_wait3A_54 = tpu.memref_squeeze %dma_wait3A_53 : memref<1x92xi32, #tpu.memory_space<vmem>> -> memref<92xi32, #tpu.memory_space<vmem>>
      %dma_wait3A_55 = arith.constant 0 : i32
      %dma_wait3A_56 = arith.constant 0 : i32
      %dma_wait3A_57 = tpu.memref_slice %arg12[%dma_wait3A_55, %dma_wait3A_56] : memref<10016x160xf32, #tpu.memory_space<vmem_shared>> -> memref<10016x160xf32, #tpu.memory_space<vmem_shared>>
      tpu.wait_indirect_dma semaphore(%arg15 : memref<!tpu.dma_semaphore, #tpu.memory_space<semaphore_mem>>) src(%arg10 : memref<92x160xf32, #tpu.memory_space<vmem>>) dst(%dma_wait3A_57 : memref<10016x160xf32, #tpu.memory_space<vmem_shared>>)
      %dma_wait3A_58 = arith.constant 1 : i32
      %dma_wait3A_59 = arith.constant 0 : i32
      %dma_wait3A_60 = tpu.memref_slice %arg9[%dma_wait3A_58, %dma_wait3A_59] : memref<2x92xi32, #tpu.memory_space<vmem>> -> memref<1x92xi32, #tpu.memory_space<vmem>>
      %dma_wait3A_61 = tpu.memref_squeeze %dma_wait3A_60 : memref<1x92xi32, #tpu.memory_space<vmem>> -> memref<92xi32, #tpu.memory_space<vmem>>
      %dma_wait3A_62 = arith.constant 0 : i32
      %dma_wait3A_63 = arith.constant 0 : i32
      %dma_wait3A_64 = tpu.memref_slice %arg12[%dma_wait3A_62, %dma_wait3A_63] : memref<10016x160xf32, #tpu.memory_space<vmem_shared>> -> memref<10016x160xf32, #tpu.memory_space<vmem_shared>>
      tpu.wait_indirect_dma semaphore(%arg16 : memref<!tpu.dma_semaphore, #tpu.memory_space<semaphore_mem>>) src(%arg11 : memref<92x160xf32, #tpu.memory_space<vmem>>) dst(%dma_wait3A_64 : memref<10016x160xf32, #tpu.memory_space<vmem_shared>>)
    } else {
    }
    %barrier3A_36 = arith.constant 0 : index
    tpu.barrier barrier_id(%barrier3A_36)
    %eq3A_37 = arith.constant 0 : i32
    %eq3A_38 = arith.cmpi eq, %arg0, %eq3A_37 : i32
    %convert_element_type3A_39 = arith.extui %eq3A_38 : i1 to i32
    %cond3A_40 = arith.constant 0 : i32
    %cond3A_41 = arith.cmpi ne, %convert_element_type3A_39, %cond3A_40 : i32
    scf.if %cond3A_41 {
      %while3A_47 = arith.constant 0 : i32
      %while3A_48 = arith.constant 0 : i32
      %while3A_49 = arith.subi %add3A_18, %while3A_48 : i32
      %while3A_50 = arith.addi %while3A_48, %while3A_49 : i32
      %while3A_51 = arith.constant 1 : i32
      %while3A_52 = arith.divsi %while3A_49, %while3A_51 : i32
      %while3A_53 = arith.muli %while3A_52, %while3A_51 : i32
      %while3A_54 = arith.addi %while3A_48, %while3A_53 : i32
      %while3A_55 = arith.constant 1 : i32
      scf.for %while3A_57 = %while3A_48 to %while3A_54 step %while3A_55  : i32 {
        %mul3A_58 = arith.constant 16 : i32
        %mul3A_59 = arith.muli %while3A_57, %mul3A_58 : i32
        %add3A_60 = arith.addi %arg1, %mul3A_59 : i32
        %mul3A_61 = arith.constant 400 : i32
        %mul3A_62 = arith.muli %add3A_60, %mul3A_61 : i32
        "tpu.region"() ({
          %run_scoped3A = tpu.sem_alloc : memref<!tpu.dma_semaphore, #tpu.memory_space<semaphore_mem>>
          %dma_start3A = arith.constant 0 : i32
          %dma_start3A_63 = tpu.memref_slice %arg6[%mul3A_62, %dma_start3A] : memref<10000x160xf32, #tpu.memory_space<hbm>> -> memref<400x160xf32, #tpu.memory_space<hbm>>
          %dma_start3A_64 = arith.constant 0 : i32
          %dma_start3A_65 = tpu.memref_slice %arg12[%mul3A_62, %dma_start3A_64] : memref<10016x160xf32, #tpu.memory_space<vmem_shared>> -> memref<400x160xf32, #tpu.memory_space<vmem_shared>>
          tpu.enqueue_dma source(%dma_start3A_65 : memref<400x160xf32, #tpu.memory_space<vmem_shared>>) target(%dma_start3A_63 : memref<400x160xf32, #tpu.memory_space<hbm>>) target_semaphore(%run_scoped3A : memref<!tpu.dma_semaphore, #tpu.memory_space<semaphore_mem>>)
          %dma_wait3A = arith.constant 0 : i32
          %dma_wait3A_66 = tpu.memref_slice %arg6[%mul3A_62, %dma_wait3A] : memref<10000x160xf32, #tpu.memory_space<hbm>> -> memref<400x160xf32, #tpu.memory_space<hbm>>
          %dma_wait3A_67 = arith.constant 0 : i32
          %dma_wait3A_68 = tpu.memref_slice %arg12[%mul3A_62, %dma_wait3A_67] : memref<10016x160xf32, #tpu.memory_space<vmem_shared>> -> memref<400x160xf32, #tpu.memory_space<vmem_shared>>
          tpu.wait_dma2 semaphore(%run_scoped3A : memref<!tpu.dma_semaphore, #tpu.memory_space<semaphore_mem>>) src(%dma_wait3A_68 : memref<400x160xf32, #tpu.memory_space<vmem_shared>>) dst(%dma_wait3A_66 : memref<400x160xf32, #tpu.memory_space<hbm>>)
          tpu.yield
        }) : () -> ()
      }
      %while3A_56 = arith.constant 1 : i32
      scf.for %while3A_57 = %while3A_54 to %while3A_50 step %while3A_56  : i32 {
        %mul3A_58 = arith.constant 16 : i32
        %mul3A_59 = arith.muli %while3A_57, %mul3A_58 : i32
        %add3A_60 = arith.addi %arg1, %mul3A_59 : i32
        %mul3A_61 = arith.constant 400 : i32
        %mul3A_62 = arith.muli %add3A_60, %mul3A_61 : i32
        "tpu.region"() ({
          %run_scoped3A = tpu.sem_alloc : memref<!tpu.dma_semaphore, #tpu.memory_space<semaphore_mem>>
          %dma_start3A = arith.constant 0 : i32
          %dma_start3A_63 = tpu.memref_slice %arg6[%mul3A_62, %dma_start3A] : memref<10000x160xf32, #tpu.memory_space<hbm>> -> memref<400x160xf32, #tpu.memory_space<hbm>>
          %dma_start3A_64 = arith.constant 0 : i32
          %dma_start3A_65 = tpu.memref_slice %arg12[%mul3A_62, %dma_start3A_64] : memref<10016x160xf32, #tpu.memory_space<vmem_shared>> -> memref<400x160xf32, #tpu.memory_space<vmem_shared>>
          tpu.enqueue_dma source(%dma_start3A_65 : memref<400x160xf32, #tpu.memory_space<vmem_shared>>) target(%dma_start3A_63 : memref<400x160xf32, #tpu.memory_space<hbm>>) target_semaphore(%run_scoped3A : memref<!tpu.dma_semaphore, #tpu.memory_space<semaphore_mem>>)
          %dma_wait3A = arith.constant 0 : i32
          %dma_wait3A_66 = tpu.memref_slice %arg6[%mul3A_62, %dma_wait3A] : memref<10000x160xf32, #tpu.memory_space<hbm>> -> memref<400x160xf32, #tpu.memory_space<hbm>>
          %dma_wait3A_67 = arith.constant 0 : i32
          %dma_wait3A_68 = tpu.memref_slice %arg12[%mul3A_62, %dma_wait3A_67] : memref<10016x160xf32, #tpu.memory_space<vmem_shared>> -> memref<400x160xf32, #tpu.memory_space<vmem_shared>>
          tpu.wait_dma2 semaphore(%run_scoped3A : memref<!tpu.dma_semaphore, #tpu.memory_space<semaphore_mem>>) src(%dma_wait3A_68 : memref<400x160xf32, #tpu.memory_space<vmem_shared>>) dst(%dma_wait3A_66 : memref<400x160xf32, #tpu.memory_space<hbm>>)
          tpu.yield
        }) : () -> ()
      }
    } else {
    }
    %eq3A_42 = arith.constant 1 : i32
    %eq3A_43 = arith.cmpi eq, %arg0, %eq3A_42 : i32
    %convert_element_type3A_44 = arith.extui %eq3A_43 : i1 to i32
    %cond3A_45 = arith.constant 0 : i32
    %cond3A_46 = arith.cmpi ne, %convert_element_type3A_44, %cond3A_45 : i32
    scf.if %cond3A_46 {
      %while3A_47 = arith.constant 0 : i32
      %while3A_48 = arith.constant 0 : i32
      %while3A_49 = arith.subi %add3A_18, %while3A_48 : i32
      %while3A_50 = arith.addi %while3A_48, %while3A_49 : i32
      %while3A_51 = arith.constant 1 : i32
      %while3A_52 = arith.divsi %while3A_49, %while3A_51 : i32
      %while3A_53 = arith.muli %while3A_52, %while3A_51 : i32
      %while3A_54 = arith.addi %while3A_48, %while3A_53 : i32
      %while3A_55 = arith.constant 1 : i32
      scf.for %while3A_57 = %while3A_48 to %while3A_54 step %while3A_55  : i32 {
        %mul3A_58 = arith.constant 16 : i32
        %mul3A_59 = arith.muli %while3A_57, %mul3A_58 : i32
        %add3A_60 = arith.addi %arg1, %mul3A_59 : i32
        %mul3A_61 = arith.constant 400 : i32
        %mul3A_62 = arith.muli %add3A_60, %mul3A_61 : i32
        "tpu.region"() ({
          %run_scoped3A = tpu.sem_alloc : memref<!tpu.dma_semaphore, #tpu.memory_space<semaphore_mem>>
          %dma_start3A = arith.constant 0 : i32
          %dma_start3A_63 = tpu.memref_slice %arg7[%mul3A_62, %dma_start3A] : memref<10000x160xf32, #tpu.memory_space<hbm>> -> memref<400x160xf32, #tpu.memory_space<hbm>>
          %dma_start3A_64 = arith.constant 0 : i32
          %dma_start3A_65 = tpu.memref_slice %arg12[%mul3A_62, %dma_start3A_64] : memref<10016x160xf32, #tpu.memory_space<vmem_shared>> -> memref<400x160xf32, #tpu.memory_space<vmem_shared>>
          tpu.enqueue_dma source(%dma_start3A_65 : memref<400x160xf32, #tpu.memory_space<vmem_shared>>) target(%dma_start3A_63 : memref<400x160xf32, #tpu.memory_space<hbm>>) target_semaphore(%run_scoped3A : memref<!tpu.dma_semaphore, #tpu.memory_space<semaphore_mem>>)
          %dma_wait3A = arith.constant 0 : i32
          %dma_wait3A_66 = tpu.memref_slice %arg7[%mul3A_62, %dma_wait3A] : memref<10000x160xf32, #tpu.memory_space<hbm>> -> memref<400x160xf32, #tpu.memory_space<hbm>>
          %dma_wait3A_67 = arith.constant 0 : i32
          %dma_wait3A_68 = tpu.memref_slice %arg12[%mul3A_62, %dma_wait3A_67] : memref<10016x160xf32, #tpu.memory_space<vmem_shared>> -> memref<400x160xf32, #tpu.memory_space<vmem_shared>>
          tpu.wait_dma2 semaphore(%run_scoped3A : memref<!tpu.dma_semaphore, #tpu.memory_space<semaphore_mem>>) src(%dma_wait3A_68 : memref<400x160xf32, #tpu.memory_space<vmem_shared>>) dst(%dma_wait3A_66 : memref<400x160xf32, #tpu.memory_space<hbm>>)
          tpu.yield
        }) : () -> ()
      }
      %while3A_56 = arith.constant 1 : i32
      scf.for %while3A_57 = %while3A_54 to %while3A_50 step %while3A_56  : i32 {
        %mul3A_58 = arith.constant 16 : i32
        %mul3A_59 = arith.muli %while3A_57, %mul3A_58 : i32
        %add3A_60 = arith.addi %arg1, %mul3A_59 : i32
        %mul3A_61 = arith.constant 400 : i32
        %mul3A_62 = arith.muli %add3A_60, %mul3A_61 : i32
        "tpu.region"() ({
          %run_scoped3A = tpu.sem_alloc : memref<!tpu.dma_semaphore, #tpu.memory_space<semaphore_mem>>
          %dma_start3A = arith.constant 0 : i32
          %dma_start3A_63 = tpu.memref_slice %arg7[%mul3A_62, %dma_start3A] : memref<10000x160xf32, #tpu.memory_space<hbm>> -> memref<400x160xf32, #tpu.memory_space<hbm>>
          %dma_start3A_64 = arith.constant 0 : i32
          %dma_start3A_65 = tpu.memref_slice %arg12[%mul3A_62, %dma_start3A_64] : memref<10016x160xf32, #tpu.memory_space<vmem_shared>> -> memref<400x160xf32, #tpu.memory_space<vmem_shared>>
          tpu.enqueue_dma source(%dma_start3A_65 : memref<400x160xf32, #tpu.memory_space<vmem_shared>>) target(%dma_start3A_63 : memref<400x160xf32, #tpu.memory_space<hbm>>) target_semaphore(%run_scoped3A : memref<!tpu.dma_semaphore, #tpu.memory_space<semaphore_mem>>)
          %dma_wait3A = arith.constant 0 : i32
          %dma_wait3A_66 = tpu.memref_slice %arg7[%mul3A_62, %dma_wait3A] : memref<10000x160xf32, #tpu.memory_space<hbm>> -> memref<400x160xf32, #tpu.memory_space<hbm>>
          %dma_wait3A_67 = arith.constant 0 : i32
          %dma_wait3A_68 = tpu.memref_slice %arg12[%mul3A_62, %dma_wait3A_67] : memref<10016x160xf32, #tpu.memory_space<vmem_shared>> -> memref<400x160xf32, #tpu.memory_space<vmem_shared>>
          tpu.wait_dma2 semaphore(%run_scoped3A : memref<!tpu.dma_semaphore, #tpu.memory_space<semaphore_mem>>) src(%dma_wait3A_68 : memref<400x160xf32, #tpu.memory_space<vmem_shared>>) dst(%dma_wait3A_66 : memref<400x160xf32, #tpu.memory_space<hbm>>)
          tpu.yield
        }) : () -> ()
      }
    } else {
    }
    return
  }
}

#map = affine_map<(d0, d1) -> (0, 0)>
#map1 = affine_map<(d0, d1) -> (0, 0, 0)>
module attributes {stable_mosaic.version = 14 : i64} {
  func.func @_sc_body(%arg0: i32, %arg1: i32, %arg2: memref<10000x160xf32, #tpu.memory_space<hbm>>, %arg3: memref<10000x160xf32, #tpu.memory_space<hbm>>, %arg4: memref<3488x2x92xi32, #tpu.memory_space<hbm>>, %arg5: memref<400x160xf32, #tpu.memory_space<hbm>>, %arg6: memref<10000x160xf32, #tpu.memory_space<hbm>>, %arg7: memref<10000x160xf32, #tpu.memory_space<hbm>>, %arg8: memref<2x92xi32, #tpu.memory_space<vmem>>, %arg9: memref<2x92xi32, #tpu.memory_space<vmem>>, %arg10: memref<92x160xf32, #tpu.memory_space<vmem>>, %arg11: memref<92x160xf32, #tpu.memory_space<vmem>>, %arg12: memref<10016x160xf32, #tpu.memory_space<vmem_shared>>, %arg13: memref<!tpu.dma_semaphore, #tpu.memory_space<semaphore_mem>>, %arg14: memref<!tpu.dma_semaphore, #tpu.memory_space<semaphore_mem>>, %arg15: memref<!tpu.dma_semaphore, #tpu.memory_space<semaphore_mem>>, %arg16: memref<!tpu.dma_semaphore, #tpu.memory_space<semaphore_mem>>) attributes {dimension_semantics = [#tpu.dimension_semantics<core_parallel>, #tpu.dimension_semantics<subcore_parallel>], iteration_bounds = array<i64: 2, 16>, scalar_prefetch = 0 : i64, scratch_operands = 9 : i64, tpu.core_type = #tpu.core_type<sc_vector_subcore>, window_params = [{transform_indices = #map}, {transform_indices = #map}, {transform_indices = #map1}, {transform_indices = #map}, {transform_indices = #map}, {transform_indices = #map}]} {
    %sub3A = arith.constant 24 : i32
    %sub3A_0 = arith.subi %sub3A, %arg1 : i32
    %jit3A = arith.constant 16 : i32
    %div3A = arith.divsi %sub3A_0, %jit3A : i32
    %sign3A = arith.constant 0 : i32
    %sign3A_1 = arith.cmpi sgt, %sub3A_0, %sign3A : i32
    %sign3A_2 = arith.extui %sign3A_1 : i1 to i32
    %sign3A_3 = arith.constant 0 : i32
    %sign3A_4 = arith.cmpi slt, %sub3A_0, %sign3A_3 : i32
    %sign3A_5 = arith.extui %sign3A_4 : i1 to i32
    %sign3A_6 = arith.subi %sign3A_2, %sign3A_5 : i32
    %sign3A_7 = arith.constant 0 : i32
    %sign3A_8 = arith.cmpi sgt, %jit3A, %sign3A_7 : i32
    %sign3A_9 = arith.extui %sign3A_8 : i1 to i32
    %sign3A_10 = arith.constant 0 : i32
    %sign3A_11 = arith.cmpi slt, %jit3A, %sign3A_10 : i32
    %sign3A_12 = arith.extui %sign3A_11 : i1 to i32
    %sign3A_13 = arith.subi %sign3A_9, %sign3A_12 : i32
    %ne3A = arith.cmpi ne, %sign3A_6, %sign3A_13 : i32
    %rem3A = arith.remsi %sub3A_0, %jit3A : i32
    %ne3A_14 = arith.constant 0 : i32
    %ne3A_15 = arith.cmpi ne, %rem3A, %ne3A_14 : i32
    %and3A = arith.andi %ne3A, %ne3A_15 : i1
    %sub3A_16 = arith.constant 1 : i32
    %sub3A_17 = arith.subi %div3A, %sub3A_16 : i32
    %select_n3A = arith.select %and3A, %sub3A_17, %div3A : i32
    %add3A = arith.constant 1 : i32
    %add3A_18 = arith.addi %select_n3A, %add3A : i32
    %while3A = arith.constant 0 : i32
    %while3A_19 = arith.constant 0 : i32
    %while3A_20 = arith.subi %add3A_18, %while3A_19 : i32
    %while3A_21 = arith.addi %while3A_19, %while3A_20 : i32
    %while3A_22 = arith.constant 1 : i32
    %while3A_23 = arith.divsi %while3A_20, %while3A_22 : i32
    %while3A_24 = arith.muli %while3A_23, %while3A_22 : i32
    %while3A_25 = arith.addi %while3A_19, %while3A_24 : i32
    %while3A_26 = arith.constant 1 : i32
    scf.for %while3A_47 = %while3A_19 to %while3A_25 step %while3A_26  : i32 {
      %mul3A_48 = arith.constant 16 : i32
      %mul3A_49 = arith.muli %while3A_47, %mul3A_48 : i32
      %add3A_50 = arith.addi %arg1, %mul3A_49 : i32
      %mul3A_51 = arith.constant 400 : i32
      %mul3A_52 = arith.muli %add3A_50, %mul3A_51 : i32
      "tpu.region"() ({
        %run_scoped3A = tpu.sem_alloc : memref<!tpu.dma_semaphore, #tpu.memory_space<semaphore_mem>>
        %dma_start3A = arith.constant 0 : i32
        %dma_start3A_53 = tpu.memref_slice %arg12[%mul3A_52, %dma_start3A] : memref<10016x160xf32, #tpu.memory_space<vmem_shared>> -> memref<400x160xf32, #tpu.memory_space<vmem_shared>>
        tpu.enqueue_dma source(%arg5 : memref<400x160xf32, #tpu.memory_space<hbm>>) target(%dma_start3A_53 : memref<400x160xf32, #tpu.memory_space<vmem_shared>>) target_semaphore(%run_scoped3A : memref<!tpu.dma_semaphore, #tpu.memory_space<semaphore_mem>>)
        %dma_wait3A = arith.constant 0 : i32
        %dma_wait3A_54 = tpu.memref_slice %arg12[%mul3A_52, %dma_wait3A] : memref<10016x160xf32, #tpu.memory_space<vmem_shared>> -> memref<400x160xf32, #tpu.memory_space<vmem_shared>>
        tpu.wait_dma2 semaphore(%run_scoped3A : memref<!tpu.dma_semaphore, #tpu.memory_space<semaphore_mem>>) src(%arg5 : memref<400x160xf32, #tpu.memory_space<hbm>>) dst(%dma_wait3A_54 : memref<400x160xf32, #tpu.memory_space<vmem_shared>>)
        tpu.yield
      }) : () -> ()
    }
    %while3A_27 = arith.constant 1 : i32
    scf.for %while3A_47 = %while3A_25 to %while3A_21 step %while3A_27  : i32 {
      %mul3A_48 = arith.constant 16 : i32
      %mul3A_49 = arith.muli %while3A_47, %mul3A_48 : i32
      %add3A_50 = arith.addi %arg1, %mul3A_49 : i32
      %mul3A_51 = arith.constant 400 : i32
      %mul3A_52 = arith.muli %add3A_50, %mul3A_51 : i32
      "tpu.region"() ({
        %run_scoped3A = tpu.sem_alloc : memref<!tpu.dma_semaphore, #tpu.memory_space<semaphore_mem>>
        %dma_start3A = arith.constant 0 : i32
        %dma_start3A_53 = tpu.memref_slice %arg12[%mul3A_52, %dma_start3A] : memref<10016x160xf32, #tpu.memory_space<vmem_shared>> -> memref<400x160xf32, #tpu.memory_space<vmem_shared>>
        tpu.enqueue_dma source(%arg5 : memref<400x160xf32, #tpu.memory_space<hbm>>) target(%dma_start3A_53 : memref<400x160xf32, #tpu.memory_space<vmem_shared>>) target_semaphore(%run_scoped3A : memref<!tpu.dma_semaphore, #tpu.memory_space<semaphore_mem>>)
        %dma_wait3A = arith.constant 0 : i32
        %dma_wait3A_54 = tpu.memref_slice %arg12[%mul3A_52, %dma_wait3A] : memref<10016x160xf32, #tpu.memory_space<vmem_shared>> -> memref<400x160xf32, #tpu.memory_space<vmem_shared>>
        tpu.wait_dma2 semaphore(%run_scoped3A : memref<!tpu.dma_semaphore, #tpu.memory_space<semaphore_mem>>) src(%arg5 : memref<400x160xf32, #tpu.memory_space<hbm>>) dst(%dma_wait3A_54 : memref<400x160xf32, #tpu.memory_space<vmem_shared>>)
        tpu.yield
      }) : () -> ()
    }
    %barrier3A = arith.constant 0 : index
    tpu.barrier barrier_id(%barrier3A)
    %mul3A = arith.constant 218 : i32
    %mul3A_28 = arith.muli %arg1, %mul3A : i32
    %eq3A = arith.constant 0 : i32
    %eq3A_29 = arith.cmpi eq, %arg0, %eq3A : i32
    %convert_element_type3A = arith.extui %eq3A_29 : i1 to i32
    %cond3A = arith.constant 0 : i32
    %cond3A_30 = arith.cmpi ne, %convert_element_type3A, %cond3A : i32
    scf.if %cond3A_30 {
      %scan3A = arith.constant 0 : i32
      %scan3A_47 = arith.constant 0 : i32
      %scan3A_48 = arith.constant 109 : i32
      %scan3A_49 = arith.addi %scan3A_47, %scan3A_48 : i32
      %scan3A_50 = arith.constant 1 : i32
      scf.for %scan3A_65 = %scan3A_47 to %scan3A_49 step %scan3A_50  : i32 {
        %mul3A_66 = arith.constant 2 : i32
        %mul3A_67 = arith.muli %mul3A_66, %scan3A_65 : i32
        %gt3A = arith.constant 0 : i32
        %gt3A_68 = arith.cmpi sgt, %scan3A_65, %gt3A : i32
        %convert_element_type3A_69 = arith.extui %gt3A_68 : i1 to i32
        %cond3A_70 = arith.constant 0 : i32
        %cond3A_71 = arith.cmpi ne, %convert_element_type3A_69, %cond3A_70 : i32
        scf.if %cond3A_71 {
          %dma_wait3A_122 = arith.constant 1 : i32
          %dma_wait3A_123 = arith.constant 0 : i32
          %dma_wait3A_124 = tpu.memref_slice %arg8[%dma_wait3A_122, %dma_wait3A_123] : memref<2x92xi32, #tpu.memory_space<vmem>> -> memref<1x92xi32, #tpu.memory_space<vmem>>
          %dma_wait3A_125 = tpu.memref_squeeze %dma_wait3A_124 : memref<1x92xi32, #tpu.memory_space<vmem>> -> memref<92xi32, #tpu.memory_space<vmem>>
          %dma_wait3A_126 = arith.constant 0 : i32
          %dma_wait3A_127 = arith.constant 0 : i32
          %dma_wait3A_128 = tpu.memref_slice %arg12[%dma_wait3A_126, %dma_wait3A_127] : memref<10016x160xf32, #tpu.memory_space<vmem_shared>> -> memref<10016x160xf32, #tpu.memory_space<vmem_shared>>
          tpu.wait_indirect_dma semaphore(%arg15 : memref<!tpu.dma_semaphore, #tpu.memory_space<semaphore_mem>>) src(%arg10 : memref<92x160xf32, #tpu.memory_space<vmem>>) dst(%dma_wait3A_128 : memref<10016x160xf32, #tpu.memory_space<vmem_shared>>)
        } else {
        }
        %add3A_72 = arith.addi %mul3A_28, %mul3A_67 : i32
        "tpu.region"() ({
          %run_scoped3A = tpu.sem_alloc : memref<!tpu.dma_semaphore, #tpu.memory_space<semaphore_mem>>
          %dma_start3A_122 = arith.constant 0 : i32
          %dma_start3A_123 = arith.constant 0 : i32
          %dma_start3A_124 = tpu.memref_slice %arg4[%add3A_72, %dma_start3A_122, %dma_start3A_123] : memref<3488x2x92xi32, #tpu.memory_space<hbm>> -> memref<1x2x92xi32, #tpu.memory_space<hbm>>
          %dma_start3A_125 = tpu.memref_squeeze %dma_start3A_124 : memref<1x2x92xi32, #tpu.memory_space<hbm>> -> memref<2x92xi32, #tpu.memory_space<hbm>>
          %dma_start3A_126 = arith.constant 0 : i32
          %dma_start3A_127 = arith.constant 0 : i32
          %dma_start3A_128 = tpu.memref_slice %arg4[%add3A_72, %dma_start3A_126, %dma_start3A_127] : memref<3488x2x92xi32, #tpu.memory_space<hbm>> -> memref<1x2x92xi32, #tpu.memory_space<hbm>>
          %dma_start3A_129 = tpu.memref_squeeze %dma_start3A_128 : memref<1x2x92xi32, #tpu.memory_space<hbm>> -> memref<2x92xi32, #tpu.memory_space<hbm>>
          tpu.enqueue_dma source(%dma_start3A_129 : memref<2x92xi32, #tpu.memory_space<hbm>>) target(%arg8 : memref<2x92xi32, #tpu.memory_space<vmem>>) target_semaphore(%run_scoped3A : memref<!tpu.dma_semaphore, #tpu.memory_space<semaphore_mem>>)
          %dma_wait3A_130 = arith.constant 0 : i32
          %dma_wait3A_131 = arith.constant 0 : i32
          %dma_wait3A_132 = tpu.memref_slice %arg4[%add3A_72, %dma_wait3A_130, %dma_wait3A_131] : memref<3488x2x92xi32, #tpu.memory_space<hbm>> -> memref<1x2x92xi32, #tpu.memory_space<hbm>>
          %dma_wait3A_133 = tpu.memref_squeeze %dma_wait3A_132 : memref<1x2x92xi32, #tpu.memory_space<hbm>> -> memref<2x92xi32, #tpu.memory_space<hbm>>
          %dma_wait3A_134 = arith.constant 0 : i32
          %dma_wait3A_135 = arith.constant 0 : i32
          %dma_wait3A_136 = tpu.memref_slice %arg4[%add3A_72, %dma_wait3A_134, %dma_wait3A_135] : memref<3488x2x92xi32, #tpu.memory_space<hbm>> -> memref<1x2x92xi32, #tpu.memory_space<hbm>>
          %dma_wait3A_137 = tpu.memref_squeeze %dma_wait3A_136 : memref<1x2x92xi32, #tpu.memory_space<hbm>> -> memref<2x92xi32, #tpu.memory_space<hbm>>
          tpu.wait_dma2 semaphore(%run_scoped3A : memref<!tpu.dma_semaphore, #tpu.memory_space<semaphore_mem>>) src(%dma_wait3A_137 : memref<2x92xi32, #tpu.memory_space<hbm>>) dst(%arg8 : memref<2x92xi32, #tpu.memory_space<vmem>>)
          tpu.yield
        }) : () -> ()
        %dma_start3A = arith.constant 0 : i32
        %dma_start3A_73 = arith.constant 0 : i32
        %dma_start3A_74 = tpu.memref_slice %arg8[%dma_start3A, %dma_start3A_73] : memref<2x92xi32, #tpu.memory_space<vmem>> -> memref<1x92xi32, #tpu.memory_space<vmem>>
        %dma_start3A_75 = tpu.memref_squeeze %dma_start3A_74 : memref<1x92xi32, #tpu.memory_space<vmem>> -> memref<92xi32, #tpu.memory_space<vmem>>
        %dma_start3A_76 = arith.constant 0 : i32
        %dma_start3A_77 = arith.constant 0 : i32
        %dma_start3A_78 = tpu.memref_slice %arg2[%dma_start3A_76, %dma_start3A_77] : memref<10000x160xf32, #tpu.memory_space<hbm>> -> memref<10000x160xf32, #tpu.memory_space<hbm>>
        tpu.enqueue_indirect_dma source(%dma_start3A_78 : memref<10000x160xf32, #tpu.memory_space<hbm>>) target(%arg10 : memref<92x160xf32, #tpu.memory_space<vmem>>) offsets(%dma_start3A_75 : memref<92xi32, #tpu.memory_space<vmem>>) semaphore(%arg13 : memref<!tpu.dma_semaphore, #tpu.memory_space<semaphore_mem>>)
        %gt3A_79 = arith.constant 0 : i32
        %gt3A_80 = arith.cmpi sgt, %scan3A_65, %gt3A_79 : i32
        %convert_element_type3A_81 = arith.extui %gt3A_80 : i1 to i32
        %cond3A_82 = arith.constant 0 : i32
        %cond3A_83 = arith.cmpi ne, %convert_element_type3A_81, %cond3A_82 : i32
        scf.if %cond3A_83 {
          %dma_wait3A_122 = arith.constant 1 : i32
          %dma_wait3A_123 = arith.constant 0 : i32
          %dma_wait3A_124 = tpu.memref_slice %arg9[%dma_wait3A_122, %dma_wait3A_123] : memref<2x92xi32, #tpu.memory_space<vmem>> -> memref<1x92xi32, #tpu.memory_space<vmem>>
          %dma_wait3A_125 = tpu.memref_squeeze %dma_wait3A_124 : memref<1x92xi32, #tpu.memory_space<vmem>> -> memref<92xi32, #tpu.memory_space<vmem>>
          %dma_wait3A_126 = arith.constant 0 : i32
          %dma_wait3A_127 = arith.constant 0 : i32
          %dma_wait3A_128 = tpu.memref_slice %arg12[%dma_wait3A_126, %dma_wait3A_127] : memref<10016x160xf32, #tpu.memory_space<vmem_shared>> -> memref<10016x160xf32, #tpu.memory_space<vmem_shared>>
          tpu.wait_indirect_dma semaphore(%arg16 : memref<!tpu.dma_semaphore, #tpu.memory_space<semaphore_mem>>) src(%arg11 : memref<92x160xf32, #tpu.memory_space<vmem>>) dst(%dma_wait3A_128 : memref<10016x160xf32, #tpu.memory_space<vmem_shared>>)
        } else {
        }
        %add3A_84 = arith.addi %mul3A_28, %mul3A_67 : i32
        %add3A_85 = arith.constant 1 : i32
        %add3A_86 = arith.addi %add3A_84, %add3A_85 : i32
        "tpu.region"() ({
          %run_scoped3A = tpu.sem_alloc : memref<!tpu.dma_semaphore, #tpu.memory_space<semaphore_mem>>
          %dma_start3A_122 = arith.constant 0 : i32
          %dma_start3A_123 = arith.constant 0 : i32
          %dma_start3A_124 = tpu.memref_slice %arg4[%add3A_86, %dma_start3A_122, %dma_start3A_123] : memref<3488x2x92xi32, #tpu.memory_space<hbm>> -> memref<1x2x92xi32, #tpu.memory_space<hbm>>
          %dma_start3A_125 = tpu.memref_squeeze %dma_start3A_124 : memref<1x2x92xi32, #tpu.memory_space<hbm>> -> memref<2x92xi32, #tpu.memory_space<hbm>>
          %dma_start3A_126 = arith.constant 0 : i32
          %dma_start3A_127 = arith.constant 0 : i32
          %dma_start3A_128 = tpu.memref_slice %arg4[%add3A_86, %dma_start3A_126, %dma_start3A_127] : memref<3488x2x92xi32, #tpu.memory_space<hbm>> -> memref<1x2x92xi32, #tpu.memory_space<hbm>>
          %dma_start3A_129 = tpu.memref_squeeze %dma_start3A_128 : memref<1x2x92xi32, #tpu.memory_space<hbm>> -> memref<2x92xi32, #tpu.memory_space<hbm>>
          tpu.enqueue_dma source(%dma_start3A_129 : memref<2x92xi32, #tpu.memory_space<hbm>>) target(%arg9 : memref<2x92xi32, #tpu.memory_space<vmem>>) target_semaphore(%run_scoped3A : memref<!tpu.dma_semaphore, #tpu.memory_space<semaphore_mem>>)
          %dma_wait3A_130 = arith.constant 0 : i32
          %dma_wait3A_131 = arith.constant 0 : i32
          %dma_wait3A_132 = tpu.memref_slice %arg4[%add3A_86, %dma_wait3A_130, %dma_wait3A_131] : memref<3488x2x92xi32, #tpu.memory_space<hbm>> -> memref<1x2x92xi32, #tpu.memory_space<hbm>>
          %dma_wait3A_133 = tpu.memref_squeeze %dma_wait3A_132 : memref<1x2x92xi32, #tpu.memory_space<hbm>> -> memref<2x92xi32, #tpu.memory_space<hbm>>
          %dma_wait3A_134 = arith.constant 0 : i32
          %dma_wait3A_135 = arith.constant 0 : i32
          %dma_wait3A_136 = tpu.memref_slice %arg4[%add3A_86, %dma_wait3A_134, %dma_wait3A_135] : memref<3488x2x92xi32, #tpu.memory_space<hbm>> -> memref<1x2x92xi32, #tpu.memory_space<hbm>>
          %dma_wait3A_137 = tpu.memref_squeeze %dma_wait3A_136 : memref<1x2x92xi32, #tpu.memory_space<hbm>> -> memref<2x92xi32, #tpu.memory_space<hbm>>
          tpu.wait_dma2 semaphore(%run_scoped3A : memref<!tpu.dma_semaphore, #tpu.memory_space<semaphore_mem>>) src(%dma_wait3A_137 : memref<2x92xi32, #tpu.memory_space<hbm>>) dst(%arg9 : memref<2x92xi32, #tpu.memory_space<vmem>>)
          tpu.yield
        }) : () -> ()
        %dma_start3A_87 = arith.constant 0 : i32
        %dma_start3A_88 = arith.constant 0 : i32
        %dma_start3A_89 = tpu.memref_slice %arg9[%dma_start3A_87, %dma_start3A_88] : memref<2x92xi32, #tpu.memory_space<vmem>> -> memref<1x92xi32, #tpu.memory_space<vmem>>
        %dma_start3A_90 = tpu.memref_squeeze %dma_start3A_89 : memref<1x92xi32, #tpu.memory_space<vmem>> -> memref<92xi32, #tpu.memory_space<vmem>>
        %dma_start3A_91 = arith.constant 0 : i32
        %dma_start3A_92 = arith.constant 0 : i32
        %dma_start3A_93 = tpu.memref_slice %arg2[%dma_start3A_91, %dma_start3A_92] : memref<10000x160xf32, #tpu.memory_space<hbm>> -> memref<10000x160xf32, #tpu.memory_space<hbm>>
        tpu.enqueue_indirect_dma source(%dma_start3A_93 : memref<10000x160xf32, #tpu.memory_space<hbm>>) target(%arg11 : memref<92x160xf32, #tpu.memory_space<vmem>>) offsets(%dma_start3A_90 : memref<92xi32, #tpu.memory_space<vmem>>) semaphore(%arg14 : memref<!tpu.dma_semaphore, #tpu.memory_space<semaphore_mem>>)
        %dma_wait3A_94 = arith.constant 0 : i32
        %dma_wait3A_95 = arith.constant 0 : i32
        %dma_wait3A_96 = tpu.memref_slice %arg8[%dma_wait3A_94, %dma_wait3A_95] : memref<2x92xi32, #tpu.memory_space<vmem>> -> memref<1x92xi32, #tpu.memory_space<vmem>>
        %dma_wait3A_97 = tpu.memref_squeeze %dma_wait3A_96 : memref<1x92xi32, #tpu.memory_space<vmem>> -> memref<92xi32, #tpu.memory_space<vmem>>
        %dma_wait3A_98 = arith.constant 0 : i32
        %dma_wait3A_99 = arith.constant 0 : i32
        %dma_wait3A_100 = tpu.memref_slice %arg2[%dma_wait3A_98, %dma_wait3A_99] : memref<10000x160xf32, #tpu.memory_space<hbm>> -> memref<10000x160xf32, #tpu.memory_space<hbm>>
        tpu.wait_indirect_dma semaphore(%arg13 : memref<!tpu.dma_semaphore, #tpu.memory_space<semaphore_mem>>) src(%dma_wait3A_100 : memref<10000x160xf32, #tpu.memory_space<hbm>>) dst(%arg10 : memref<92x160xf32, #tpu.memory_space<vmem>>)
        %dma_start3A_101 = arith.constant 1 : i32
        %dma_start3A_102 = arith.constant 0 : i32
        %dma_start3A_103 = tpu.memref_slice %arg8[%dma_start3A_101, %dma_start3A_102] : memref<2x92xi32, #tpu.memory_space<vmem>> -> memref<1x92xi32, #tpu.memory_space<vmem>>
        %dma_start3A_104 = tpu.memref_squeeze %dma_start3A_103 : memref<1x92xi32, #tpu.memory_space<vmem>> -> memref<92xi32, #tpu.memory_space<vmem>>
        %dma_start3A_105 = arith.constant 0 : i32
        %dma_start3A_106 = arith.constant 0 : i32
        %dma_start3A_107 = tpu.memref_slice %arg12[%dma_start3A_105, %dma_start3A_106] : memref<10016x160xf32, #tpu.memory_space<vmem_shared>> -> memref<10016x160xf32, #tpu.memory_space<vmem_shared>>
        tpu.enqueue_indirect_dma source(%arg10 : memref<92x160xf32, #tpu.memory_space<vmem>>) target(%dma_start3A_107 : memref<10016x160xf32, #tpu.memory_space<vmem_shared>>) offsets(%dma_start3A_104 : memref<92xi32, #tpu.memory_space<vmem>>) semaphore(%arg15 : memref<!tpu.dma_semaphore, #tpu.memory_space<semaphore_mem>>) {add = true}
        %dma_wait3A_108 = arith.constant 0 : i32
        %dma_wait3A_109 = arith.constant 0 : i32
        %dma_wait3A_110 = tpu.memref_slice %arg9[%dma_wait3A_108, %dma_wait3A_109] : memref<2x92xi32, #tpu.memory_space<vmem>> -> memref<1x92xi32, #tpu.memory_space<vmem>>
        %dma_wait3A_111 = tpu.memref_squeeze %dma_wait3A_110 : memref<1x92xi32, #tpu.memory_space<vmem>> -> memref<92xi32, #tpu.memory_space<vmem>>
        %dma_wait3A_112 = arith.constant 0 : i32
        %dma_wait3A_113 = arith.constant 0 : i32
        %dma_wait3A_114 = tpu.memref_slice %arg2[%dma_wait3A_112, %dma_wait3A_113] : memref<10000x160xf32, #tpu.memory_space<hbm>> -> memref<10000x160xf32, #tpu.memory_space<hbm>>
        tpu.wait_indirect_dma semaphore(%arg14 : memref<!tpu.dma_semaphore, #tpu.memory_space<semaphore_mem>>) src(%dma_wait3A_114 : memref<10000x160xf32, #tpu.memory_space<hbm>>) dst(%arg11 : memref<92x160xf32, #tpu.memory_space<vmem>>)
        %dma_start3A_115 = arith.constant 1 : i32
        %dma_start3A_116 = arith.constant 0 : i32
        %dma_start3A_117 = tpu.memref_slice %arg9[%dma_start3A_115, %dma_start3A_116] : memref<2x92xi32, #tpu.memory_space<vmem>> -> memref<1x92xi32, #tpu.memory_space<vmem>>
        %dma_start3A_118 = tpu.memref_squeeze %dma_start3A_117 : memref<1x92xi32, #tpu.memory_space<vmem>> -> memref<92xi32, #tpu.memory_space<vmem>>
        %dma_start3A_119 = arith.constant 0 : i32
        %dma_start3A_120 = arith.constant 0 : i32
        %dma_start3A_121 = tpu.memref_slice %arg12[%dma_start3A_119, %dma_start3A_120] : memref<10016x160xf32, #tpu.memory_space<vmem_shared>> -> memref<10016x160xf32, #tpu.memory_space<vmem_shared>>
        tpu.enqueue_indirect_dma source(%arg11 : memref<92x160xf32, #tpu.memory_space<vmem>>) target(%dma_start3A_121 : memref<10016x160xf32, #tpu.memory_space<vmem_shared>>) offsets(%dma_start3A_118 : memref<92xi32, #tpu.memory_space<vmem>>) semaphore(%arg16 : memref<!tpu.dma_semaphore, #tpu.memory_space<semaphore_mem>>) {add = true}
      }
      %scan3A_51 = arith.constant 109 : i32
      %dma_wait3A = arith.constant 1 : i32
      %dma_wait3A_52 = arith.constant 0 : i32
      %dma_wait3A_53 = tpu.memref_slice %arg8[%dma_wait3A, %dma_wait3A_52] : memref<2x92xi32, #tpu.memory_space<vmem>> -> memref<1x92xi32, #tpu.memory_space<vmem>>
      %dma_wait3A_54 = tpu.memref_squeeze %dma_wait3A_53 : memref<1x92xi32, #tpu.memory_space<vmem>> -> memref<92xi32, #tpu.memory_space<vmem>>
      %dma_wait3A_55 = arith.constant 0 : i32
      %dma_wait3A_56 = arith.constant 0 : i32
      %dma_wait3A_57 = tpu.memref_slice %arg12[%dma_wait3A_55, %dma_wait3A_56] : memref<10016x160xf32, #tpu.memory_space<vmem_shared>> -> memref<10016x160xf32, #tpu.memory_space<vmem_shared>>
      tpu.wait_indirect_dma semaphore(%arg15 : memref<!tpu.dma_semaphore, #tpu.memory_space<semaphore_mem>>) src(%arg10 : memref<92x160xf32, #tpu.memory_space<vmem>>) dst(%dma_wait3A_57 : memref<10016x160xf32, #tpu.memory_space<vmem_shared>>)
      %dma_wait3A_58 = arith.constant 1 : i32
      %dma_wait3A_59 = arith.constant 0 : i32
      %dma_wait3A_60 = tpu.memref_slice %arg9[%dma_wait3A_58, %dma_wait3A_59] : memref<2x92xi32, #tpu.memory_space<vmem>> -> memref<1x92xi32, #tpu.memory_space<vmem>>
      %dma_wait3A_61 = tpu.memref_squeeze %dma_wait3A_60 : memref<1x92xi32, #tpu.memory_space<vmem>> -> memref<92xi32, #tpu.memory_space<vmem>>
      %dma_wait3A_62 = arith.constant 0 : i32
      %dma_wait3A_63 = arith.constant 0 : i32
      %dma_wait3A_64 = tpu.memref_slice %arg12[%dma_wait3A_62, %dma_wait3A_63] : memref<10016x160xf32, #tpu.memory_space<vmem_shared>> -> memref<10016x160xf32, #tpu.memory_space<vmem_shared>>
      tpu.wait_indirect_dma semaphore(%arg16 : memref<!tpu.dma_semaphore, #tpu.memory_space<semaphore_mem>>) src(%arg11 : memref<92x160xf32, #tpu.memory_space<vmem>>) dst(%dma_wait3A_64 : memref<10016x160xf32, #tpu.memory_space<vmem_shared>>)
    } else {
    }
    %eq3A_31 = arith.constant 1 : i32
    %eq3A_32 = arith.cmpi eq, %arg0, %eq3A_31 : i32
    %convert_element_type3A_33 = arith.extui %eq3A_32 : i1 to i32
    %cond3A_34 = arith.constant 0 : i32
    %cond3A_35 = arith.cmpi ne, %convert_element_type3A_33, %cond3A_34 : i32
    scf.if %cond3A_35 {
      %scan3A = arith.constant 0 : i32
      %scan3A_47 = arith.constant 0 : i32
      %scan3A_48 = arith.constant 109 : i32
      %scan3A_49 = arith.addi %scan3A_47, %scan3A_48 : i32
      %scan3A_50 = arith.constant 1 : i32
      scf.for %scan3A_65 = %scan3A_47 to %scan3A_49 step %scan3A_50  : i32 {
        %mul3A_66 = arith.constant 2 : i32
        %mul3A_67 = arith.muli %mul3A_66, %scan3A_65 : i32
        %gt3A = arith.constant 0 : i32
        %gt3A_68 = arith.cmpi sgt, %scan3A_65, %gt3A : i32
        %convert_element_type3A_69 = arith.extui %gt3A_68 : i1 to i32
        %cond3A_70 = arith.constant 0 : i32
        %cond3A_71 = arith.cmpi ne, %convert_element_type3A_69, %cond3A_70 : i32
        scf.if %cond3A_71 {
          %dma_wait3A_122 = arith.constant 1 : i32
          %dma_wait3A_123 = arith.constant 0 : i32
          %dma_wait3A_124 = tpu.memref_slice %arg8[%dma_wait3A_122, %dma_wait3A_123] : memref<2x92xi32, #tpu.memory_space<vmem>> -> memref<1x92xi32, #tpu.memory_space<vmem>>
          %dma_wait3A_125 = tpu.memref_squeeze %dma_wait3A_124 : memref<1x92xi32, #tpu.memory_space<vmem>> -> memref<92xi32, #tpu.memory_space<vmem>>
          %dma_wait3A_126 = arith.constant 0 : i32
          %dma_wait3A_127 = arith.constant 0 : i32
          %dma_wait3A_128 = tpu.memref_slice %arg12[%dma_wait3A_126, %dma_wait3A_127] : memref<10016x160xf32, #tpu.memory_space<vmem_shared>> -> memref<10016x160xf32, #tpu.memory_space<vmem_shared>>
          tpu.wait_indirect_dma semaphore(%arg15 : memref<!tpu.dma_semaphore, #tpu.memory_space<semaphore_mem>>) src(%arg10 : memref<92x160xf32, #tpu.memory_space<vmem>>) dst(%dma_wait3A_128 : memref<10016x160xf32, #tpu.memory_space<vmem_shared>>)
        } else {
        }
        %add3A_72 = arith.addi %mul3A_28, %mul3A_67 : i32
        "tpu.region"() ({
          %run_scoped3A = tpu.sem_alloc : memref<!tpu.dma_semaphore, #tpu.memory_space<semaphore_mem>>
          %dma_start3A_122 = arith.constant 0 : i32
          %dma_start3A_123 = arith.constant 0 : i32
          %dma_start3A_124 = tpu.memref_slice %arg4[%add3A_72, %dma_start3A_122, %dma_start3A_123] : memref<3488x2x92xi32, #tpu.memory_space<hbm>> -> memref<1x2x92xi32, #tpu.memory_space<hbm>>
          %dma_start3A_125 = tpu.memref_squeeze %dma_start3A_124 : memref<1x2x92xi32, #tpu.memory_space<hbm>> -> memref<2x92xi32, #tpu.memory_space<hbm>>
          %dma_start3A_126 = arith.constant 0 : i32
          %dma_start3A_127 = arith.constant 0 : i32
          %dma_start3A_128 = tpu.memref_slice %arg4[%add3A_72, %dma_start3A_126, %dma_start3A_127] : memref<3488x2x92xi32, #tpu.memory_space<hbm>> -> memref<1x2x92xi32, #tpu.memory_space<hbm>>
          %dma_start3A_129 = tpu.memref_squeeze %dma_start3A_128 : memref<1x2x92xi32, #tpu.memory_space<hbm>> -> memref<2x92xi32, #tpu.memory_space<hbm>>
          tpu.enqueue_dma source(%dma_start3A_129 : memref<2x92xi32, #tpu.memory_space<hbm>>) target(%arg8 : memref<2x92xi32, #tpu.memory_space<vmem>>) target_semaphore(%run_scoped3A : memref<!tpu.dma_semaphore, #tpu.memory_space<semaphore_mem>>)
          %dma_wait3A_130 = arith.constant 0 : i32
          %dma_wait3A_131 = arith.constant 0 : i32
          %dma_wait3A_132 = tpu.memref_slice %arg4[%add3A_72, %dma_wait3A_130, %dma_wait3A_131] : memref<3488x2x92xi32, #tpu.memory_space<hbm>> -> memref<1x2x92xi32, #tpu.memory_space<hbm>>
          %dma_wait3A_133 = tpu.memref_squeeze %dma_wait3A_132 : memref<1x2x92xi32, #tpu.memory_space<hbm>> -> memref<2x92xi32, #tpu.memory_space<hbm>>
          %dma_wait3A_134 = arith.constant 0 : i32
          %dma_wait3A_135 = arith.constant 0 : i32
          %dma_wait3A_136 = tpu.memref_slice %arg4[%add3A_72, %dma_wait3A_134, %dma_wait3A_135] : memref<3488x2x92xi32, #tpu.memory_space<hbm>> -> memref<1x2x92xi32, #tpu.memory_space<hbm>>
          %dma_wait3A_137 = tpu.memref_squeeze %dma_wait3A_136 : memref<1x2x92xi32, #tpu.memory_space<hbm>> -> memref<2x92xi32, #tpu.memory_space<hbm>>
          tpu.wait_dma2 semaphore(%run_scoped3A : memref<!tpu.dma_semaphore, #tpu.memory_space<semaphore_mem>>) src(%dma_wait3A_137 : memref<2x92xi32, #tpu.memory_space<hbm>>) dst(%arg8 : memref<2x92xi32, #tpu.memory_space<vmem>>)
          tpu.yield
        }) : () -> ()
        %dma_start3A = arith.constant 0 : i32
        %dma_start3A_73 = arith.constant 0 : i32
        %dma_start3A_74 = tpu.memref_slice %arg8[%dma_start3A, %dma_start3A_73] : memref<2x92xi32, #tpu.memory_space<vmem>> -> memref<1x92xi32, #tpu.memory_space<vmem>>
        %dma_start3A_75 = tpu.memref_squeeze %dma_start3A_74 : memref<1x92xi32, #tpu.memory_space<vmem>> -> memref<92xi32, #tpu.memory_space<vmem>>
        %dma_start3A_76 = arith.constant 0 : i32
        %dma_start3A_77 = arith.constant 0 : i32
        %dma_start3A_78 = tpu.memref_slice %arg3[%dma_start3A_76, %dma_start3A_77] : memref<10000x160xf32, #tpu.memory_space<hbm>> -> memref<10000x160xf32, #tpu.memory_space<hbm>>
        tpu.enqueue_indirect_dma source(%dma_start3A_78 : memref<10000x160xf32, #tpu.memory_space<hbm>>) target(%arg10 : memref<92x160xf32, #tpu.memory_space<vmem>>) offsets(%dma_start3A_75 : memref<92xi32, #tpu.memory_space<vmem>>) semaphore(%arg13 : memref<!tpu.dma_semaphore, #tpu.memory_space<semaphore_mem>>)
        %gt3A_79 = arith.constant 0 : i32
        %gt3A_80 = arith.cmpi sgt, %scan3A_65, %gt3A_79 : i32
        %convert_element_type3A_81 = arith.extui %gt3A_80 : i1 to i32
        %cond3A_82 = arith.constant 0 : i32
        %cond3A_83 = arith.cmpi ne, %convert_element_type3A_81, %cond3A_82 : i32
        scf.if %cond3A_83 {
          %dma_wait3A_122 = arith.constant 1 : i32
          %dma_wait3A_123 = arith.constant 0 : i32
          %dma_wait3A_124 = tpu.memref_slice %arg9[%dma_wait3A_122, %dma_wait3A_123] : memref<2x92xi32, #tpu.memory_space<vmem>> -> memref<1x92xi32, #tpu.memory_space<vmem>>
          %dma_wait3A_125 = tpu.memref_squeeze %dma_wait3A_124 : memref<1x92xi32, #tpu.memory_space<vmem>> -> memref<92xi32, #tpu.memory_space<vmem>>
          %dma_wait3A_126 = arith.constant 0 : i32
          %dma_wait3A_127 = arith.constant 0 : i32
          %dma_wait3A_128 = tpu.memref_slice %arg12[%dma_wait3A_126, %dma_wait3A_127] : memref<10016x160xf32, #tpu.memory_space<vmem_shared>> -> memref<10016x160xf32, #tpu.memory_space<vmem_shared>>
          tpu.wait_indirect_dma semaphore(%arg16 : memref<!tpu.dma_semaphore, #tpu.memory_space<semaphore_mem>>) src(%arg11 : memref<92x160xf32, #tpu.memory_space<vmem>>) dst(%dma_wait3A_128 : memref<10016x160xf32, #tpu.memory_space<vmem_shared>>)
        } else {
        }
        %add3A_84 = arith.addi %mul3A_28, %mul3A_67 : i32
        %add3A_85 = arith.constant 1 : i32
        %add3A_86 = arith.addi %add3A_84, %add3A_85 : i32
        "tpu.region"() ({
          %run_scoped3A = tpu.sem_alloc : memref<!tpu.dma_semaphore, #tpu.memory_space<semaphore_mem>>
          %dma_start3A_122 = arith.constant 0 : i32
          %dma_start3A_123 = arith.constant 0 : i32
          %dma_start3A_124 = tpu.memref_slice %arg4[%add3A_86, %dma_start3A_122, %dma_start3A_123] : memref<3488x2x92xi32, #tpu.memory_space<hbm>> -> memref<1x2x92xi32, #tpu.memory_space<hbm>>
          %dma_start3A_125 = tpu.memref_squeeze %dma_start3A_124 : memref<1x2x92xi32, #tpu.memory_space<hbm>> -> memref<2x92xi32, #tpu.memory_space<hbm>>
          %dma_start3A_126 = arith.constant 0 : i32
          %dma_start3A_127 = arith.constant 0 : i32
          %dma_start3A_128 = tpu.memref_slice %arg4[%add3A_86, %dma_start3A_126, %dma_start3A_127] : memref<3488x2x92xi32, #tpu.memory_space<hbm>> -> memref<1x2x92xi32, #tpu.memory_space<hbm>>
          %dma_start3A_129 = tpu.memref_squeeze %dma_start3A_128 : memref<1x2x92xi32, #tpu.memory_space<hbm>> -> memref<2x92xi32, #tpu.memory_space<hbm>>
          tpu.enqueue_dma source(%dma_start3A_129 : memref<2x92xi32, #tpu.memory_space<hbm>>) target(%arg9 : memref<2x92xi32, #tpu.memory_space<vmem>>) target_semaphore(%run_scoped3A : memref<!tpu.dma_semaphore, #tpu.memory_space<semaphore_mem>>)
          %dma_wait3A_130 = arith.constant 0 : i32
          %dma_wait3A_131 = arith.constant 0 : i32
          %dma_wait3A_132 = tpu.memref_slice %arg4[%add3A_86, %dma_wait3A_130, %dma_wait3A_131] : memref<3488x2x92xi32, #tpu.memory_space<hbm>> -> memref<1x2x92xi32, #tpu.memory_space<hbm>>
          %dma_wait3A_133 = tpu.memref_squeeze %dma_wait3A_132 : memref<1x2x92xi32, #tpu.memory_space<hbm>> -> memref<2x92xi32, #tpu.memory_space<hbm>>
          %dma_wait3A_134 = arith.constant 0 : i32
          %dma_wait3A_135 = arith.constant 0 : i32
          %dma_wait3A_136 = tpu.memref_slice %arg4[%add3A_86, %dma_wait3A_134, %dma_wait3A_135] : memref<3488x2x92xi32, #tpu.memory_space<hbm>> -> memref<1x2x92xi32, #tpu.memory_space<hbm>>
          %dma_wait3A_137 = tpu.memref_squeeze %dma_wait3A_136 : memref<1x2x92xi32, #tpu.memory_space<hbm>> -> memref<2x92xi32, #tpu.memory_space<hbm>>
          tpu.wait_dma2 semaphore(%run_scoped3A : memref<!tpu.dma_semaphore, #tpu.memory_space<semaphore_mem>>) src(%dma_wait3A_137 : memref<2x92xi32, #tpu.memory_space<hbm>>) dst(%arg9 : memref<2x92xi32, #tpu.memory_space<vmem>>)
          tpu.yield
        }) : () -> ()
        %dma_start3A_87 = arith.constant 0 : i32
        %dma_start3A_88 = arith.constant 0 : i32
        %dma_start3A_89 = tpu.memref_slice %arg9[%dma_start3A_87, %dma_start3A_88] : memref<2x92xi32, #tpu.memory_space<vmem>> -> memref<1x92xi32, #tpu.memory_space<vmem>>
        %dma_start3A_90 = tpu.memref_squeeze %dma_start3A_89 : memref<1x92xi32, #tpu.memory_space<vmem>> -> memref<92xi32, #tpu.memory_space<vmem>>
        %dma_start3A_91 = arith.constant 0 : i32
        %dma_start3A_92 = arith.constant 0 : i32
        %dma_start3A_93 = tpu.memref_slice %arg3[%dma_start3A_91, %dma_start3A_92] : memref<10000x160xf32, #tpu.memory_space<hbm>> -> memref<10000x160xf32, #tpu.memory_space<hbm>>
        tpu.enqueue_indirect_dma source(%dma_start3A_93 : memref<10000x160xf32, #tpu.memory_space<hbm>>) target(%arg11 : memref<92x160xf32, #tpu.memory_space<vmem>>) offsets(%dma_start3A_90 : memref<92xi32, #tpu.memory_space<vmem>>) semaphore(%arg14 : memref<!tpu.dma_semaphore, #tpu.memory_space<semaphore_mem>>)
        %dma_wait3A_94 = arith.constant 0 : i32
        %dma_wait3A_95 = arith.constant 0 : i32
        %dma_wait3A_96 = tpu.memref_slice %arg8[%dma_wait3A_94, %dma_wait3A_95] : memref<2x92xi32, #tpu.memory_space<vmem>> -> memref<1x92xi32, #tpu.memory_space<vmem>>
        %dma_wait3A_97 = tpu.memref_squeeze %dma_wait3A_96 : memref<1x92xi32, #tpu.memory_space<vmem>> -> memref<92xi32, #tpu.memory_space<vmem>>
        %dma_wait3A_98 = arith.constant 0 : i32
        %dma_wait3A_99 = arith.constant 0 : i32
        %dma_wait3A_100 = tpu.memref_slice %arg3[%dma_wait3A_98, %dma_wait3A_99] : memref<10000x160xf32, #tpu.memory_space<hbm>> -> memref<10000x160xf32, #tpu.memory_space<hbm>>
        tpu.wait_indirect_dma semaphore(%arg13 : memref<!tpu.dma_semaphore, #tpu.memory_space<semaphore_mem>>) src(%dma_wait3A_100 : memref<10000x160xf32, #tpu.memory_space<hbm>>) dst(%arg10 : memref<92x160xf32, #tpu.memory_space<vmem>>)
        %dma_start3A_101 = arith.constant 1 : i32
        %dma_start3A_102 = arith.constant 0 : i32
        %dma_start3A_103 = tpu.memref_slice %arg8[%dma_start3A_101, %dma_start3A_102] : memref<2x92xi32, #tpu.memory_space<vmem>> -> memref<1x92xi32, #tpu.memory_space<vmem>>
        %dma_start3A_104 = tpu.memref_squeeze %dma_start3A_103 : memref<1x92xi32, #tpu.memory_space<vmem>> -> memref<92xi32, #tpu.memory_space<vmem>>
        %dma_start3A_105 = arith.constant 0 : i32
        %dma_start3A_106 = arith.constant 0 : i32
        %dma_start3A_107 = tpu.memref_slice %arg12[%dma_start3A_105, %dma_start3A_106] : memref<10016x160xf32, #tpu.memory_space<vmem_shared>> -> memref<10016x160xf32, #tpu.memory_space<vmem_shared>>
        tpu.enqueue_indirect_dma source(%arg10 : memref<92x160xf32, #tpu.memory_space<vmem>>) target(%dma_start3A_107 : memref<10016x160xf32, #tpu.memory_space<vmem_shared>>) offsets(%dma_start3A_104 : memref<92xi32, #tpu.memory_space<vmem>>) semaphore(%arg15 : memref<!tpu.dma_semaphore, #tpu.memory_space<semaphore_mem>>) {add = true}
        %dma_wait3A_108 = arith.constant 0 : i32
        %dma_wait3A_109 = arith.constant 0 : i32
        %dma_wait3A_110 = tpu.memref_slice %arg9[%dma_wait3A_108, %dma_wait3A_109] : memref<2x92xi32, #tpu.memory_space<vmem>> -> memref<1x92xi32, #tpu.memory_space<vmem>>
        %dma_wait3A_111 = tpu.memref_squeeze %dma_wait3A_110 : memref<1x92xi32, #tpu.memory_space<vmem>> -> memref<92xi32, #tpu.memory_space<vmem>>
        %dma_wait3A_112 = arith.constant 0 : i32
        %dma_wait3A_113 = arith.constant 0 : i32
        %dma_wait3A_114 = tpu.memref_slice %arg3[%dma_wait3A_112, %dma_wait3A_113] : memref<10000x160xf32, #tpu.memory_space<hbm>> -> memref<10000x160xf32, #tpu.memory_space<hbm>>
        tpu.wait_indirect_dma semaphore(%arg14 : memref<!tpu.dma_semaphore, #tpu.memory_space<semaphore_mem>>) src(%dma_wait3A_114 : memref<10000x160xf32, #tpu.memory_space<hbm>>) dst(%arg11 : memref<92x160xf32, #tpu.memory_space<vmem>>)
        %dma_start3A_115 = arith.constant 1 : i32
        %dma_start3A_116 = arith.constant 0 : i32
        %dma_start3A_117 = tpu.memref_slice %arg9[%dma_start3A_115, %dma_start3A_116] : memref<2x92xi32, #tpu.memory_space<vmem>> -> memref<1x92xi32, #tpu.memory_space<vmem>>
        %dma_start3A_118 = tpu.memref_squeeze %dma_start3A_117 : memref<1x92xi32, #tpu.memory_space<vmem>> -> memref<92xi32, #tpu.memory_space<vmem>>
        %dma_start3A_119 = arith.constant 0 : i32
        %dma_start3A_120 = arith.constant 0 : i32
        %dma_start3A_121 = tpu.memref_slice %arg12[%dma_start3A_119, %dma_start3A_120] : memref<10016x160xf32, #tpu.memory_space<vmem_shared>> -> memref<10016x160xf32, #tpu.memory_space<vmem_shared>>
        tpu.enqueue_indirect_dma source(%arg11 : memref<92x160xf32, #tpu.memory_space<vmem>>) target(%dma_start3A_121 : memref<10016x160xf32, #tpu.memory_space<vmem_shared>>) offsets(%dma_start3A_118 : memref<92xi32, #tpu.memory_space<vmem>>) semaphore(%arg16 : memref<!tpu.dma_semaphore, #tpu.memory_space<semaphore_mem>>) {add = true}
      }
      %scan3A_51 = arith.constant 109 : i32
      %dma_wait3A = arith.constant 1 : i32
      %dma_wait3A_52 = arith.constant 0 : i32
      %dma_wait3A_53 = tpu.memref_slice %arg8[%dma_wait3A, %dma_wait3A_52] : memref<2x92xi32, #tpu.memory_space<vmem>> -> memref<1x92xi32, #tpu.memory_space<vmem>>
      %dma_wait3A_54 = tpu.memref_squeeze %dma_wait3A_53 : memref<1x92xi32, #tpu.memory_space<vmem>> -> memref<92xi32, #tpu.memory_space<vmem>>
      %dma_wait3A_55 = arith.constant 0 : i32
      %dma_wait3A_56 = arith.constant 0 : i32
      %dma_wait3A_57 = tpu.memref_slice %arg12[%dma_wait3A_55, %dma_wait3A_56] : memref<10016x160xf32, #tpu.memory_space<vmem_shared>> -> memref<10016x160xf32, #tpu.memory_space<vmem_shared>>
      tpu.wait_indirect_dma semaphore(%arg15 : memref<!tpu.dma_semaphore, #tpu.memory_space<semaphore_mem>>) src(%arg10 : memref<92x160xf32, #tpu.memory_space<vmem>>) dst(%dma_wait3A_57 : memref<10016x160xf32, #tpu.memory_space<vmem_shared>>)
      %dma_wait3A_58 = arith.constant 1 : i32
      %dma_wait3A_59 = arith.constant 0 : i32
      %dma_wait3A_60 = tpu.memref_slice %arg9[%dma_wait3A_58, %dma_wait3A_59] : memref<2x92xi32, #tpu.memory_space<vmem>> -> memref<1x92xi32, #tpu.memory_space<vmem>>
      %dma_wait3A_61 = tpu.memref_squeeze %dma_wait3A_60 : memref<1x92xi32, #tpu.memory_space<vmem>> -> memref<92xi32, #tpu.memory_space<vmem>>
      %dma_wait3A_62 = arith.constant 0 : i32
      %dma_wait3A_63 = arith.constant 0 : i32
      %dma_wait3A_64 = tpu.memref_slice %arg12[%dma_wait3A_62, %dma_wait3A_63] : memref<10016x160xf32, #tpu.memory_space<vmem_shared>> -> memref<10016x160xf32, #tpu.memory_space<vmem_shared>>
      tpu.wait_indirect_dma semaphore(%arg16 : memref<!tpu.dma_semaphore, #tpu.memory_space<semaphore_mem>>) src(%arg11 : memref<92x160xf32, #tpu.memory_space<vmem>>) dst(%dma_wait3A_64 : memref<10016x160xf32, #tpu.memory_space<vmem_shared>>)
    } else {
    }
    %barrier3A_36 = arith.constant 0 : index
    tpu.barrier barrier_id(%barrier3A_36)
    %eq3A_37 = arith.constant 0 : i32
    %eq3A_38 = arith.cmpi eq, %arg0, %eq3A_37 : i32
    %convert_element_type3A_39 = arith.extui %eq3A_38 : i1 to i32
    %cond3A_40 = arith.constant 0 : i32
    %cond3A_41 = arith.cmpi ne, %convert_element_type3A_39, %cond3A_40 : i32
    scf.if %cond3A_41 {
      %while3A_47 = arith.constant 0 : i32
      %while3A_48 = arith.constant 0 : i32
      %while3A_49 = arith.subi %add3A_18, %while3A_48 : i32
      %while3A_50 = arith.addi %while3A_48, %while3A_49 : i32
      %while3A_51 = arith.constant 1 : i32
      %while3A_52 = arith.divsi %while3A_49, %while3A_51 : i32
      %while3A_53 = arith.muli %while3A_52, %while3A_51 : i32
      %while3A_54 = arith.addi %while3A_48, %while3A_53 : i32
      %while3A_55 = arith.constant 1 : i32
      scf.for %while3A_57 = %while3A_48 to %while3A_54 step %while3A_55  : i32 {
        %mul3A_58 = arith.constant 16 : i32
        %mul3A_59 = arith.muli %while3A_57, %mul3A_58 : i32
        %add3A_60 = arith.addi %arg1, %mul3A_59 : i32
        %mul3A_61 = arith.constant 400 : i32
        %mul3A_62 = arith.muli %add3A_60, %mul3A_61 : i32
        "tpu.region"() ({
          %run_scoped3A = tpu.sem_alloc : memref<!tpu.dma_semaphore, #tpu.memory_space<semaphore_mem>>
          %dma_start3A = arith.constant 0 : i32
          %dma_start3A_63 = tpu.memref_slice %arg6[%mul3A_62, %dma_start3A] : memref<10000x160xf32, #tpu.memory_space<hbm>> -> memref<400x160xf32, #tpu.memory_space<hbm>>
          %dma_start3A_64 = arith.constant 0 : i32
          %dma_start3A_65 = tpu.memref_slice %arg12[%mul3A_62, %dma_start3A_64] : memref<10016x160xf32, #tpu.memory_space<vmem_shared>> -> memref<400x160xf32, #tpu.memory_space<vmem_shared>>
          tpu.enqueue_dma source(%dma_start3A_65 : memref<400x160xf32, #tpu.memory_space<vmem_shared>>) target(%dma_start3A_63 : memref<400x160xf32, #tpu.memory_space<hbm>>) target_semaphore(%run_scoped3A : memref<!tpu.dma_semaphore, #tpu.memory_space<semaphore_mem>>)
          %dma_wait3A = arith.constant 0 : i32
          %dma_wait3A_66 = tpu.memref_slice %arg6[%mul3A_62, %dma_wait3A] : memref<10000x160xf32, #tpu.memory_space<hbm>> -> memref<400x160xf32, #tpu.memory_space<hbm>>
          %dma_wait3A_67 = arith.constant 0 : i32
          %dma_wait3A_68 = tpu.memref_slice %arg12[%mul3A_62, %dma_wait3A_67] : memref<10016x160xf32, #tpu.memory_space<vmem_shared>> -> memref<400x160xf32, #tpu.memory_space<vmem_shared>>
          tpu.wait_dma2 semaphore(%run_scoped3A : memref<!tpu.dma_semaphore, #tpu.memory_space<semaphore_mem>>) src(%dma_wait3A_68 : memref<400x160xf32, #tpu.memory_space<vmem_shared>>) dst(%dma_wait3A_66 : memref<400x160xf32, #tpu.memory_space<hbm>>)
          tpu.yield
        }) : () -> ()
      }
      %while3A_56 = arith.constant 1 : i32
      scf.for %while3A_57 = %while3A_54 to %while3A_50 step %while3A_56  : i32 {
        %mul3A_58 = arith.constant 16 : i32
        %mul3A_59 = arith.muli %while3A_57, %mul3A_58 : i32
        %add3A_60 = arith.addi %arg1, %mul3A_59 : i32
        %mul3A_61 = arith.constant 400 : i32
        %mul3A_62 = arith.muli %add3A_60, %mul3A_61 : i32
        "tpu.region"() ({
          %run_scoped3A = tpu.sem_alloc : memref<!tpu.dma_semaphore, #tpu.memory_space<semaphore_mem>>
          %dma_start3A = arith.constant 0 : i32
          %dma_start3A_63 = tpu.memref_slice %arg6[%mul3A_62, %dma_start3A] : memref<10000x160xf32, #tpu.memory_space<hbm>> -> memref<400x160xf32, #tpu.memory_space<hbm>>
          %dma_start3A_64 = arith.constant 0 : i32
          %dma_start3A_65 = tpu.memref_slice %arg12[%mul3A_62, %dma_start3A_64] : memref<10016x160xf32, #tpu.memory_space<vmem_shared>> -> memref<400x160xf32, #tpu.memory_space<vmem_shared>>
          tpu.enqueue_dma source(%dma_start3A_65 : memref<400x160xf32, #tpu.memory_space<vmem_shared>>) target(%dma_start3A_63 : memref<400x160xf32, #tpu.memory_space<hbm>>) target_semaphore(%run_scoped3A : memref<!tpu.dma_semaphore, #tpu.memory_space<semaphore_mem>>)
          %dma_wait3A = arith.constant 0 : i32
          %dma_wait3A_66 = tpu.memref_slice %arg6[%mul3A_62, %dma_wait3A] : memref<10000x160xf32, #tpu.memory_space<hbm>> -> memref<400x160xf32, #tpu.memory_space<hbm>>
          %dma_wait3A_67 = arith.constant 0 : i32
          %dma_wait3A_68 = tpu.memref_slice %arg12[%mul3A_62, %dma_wait3A_67] : memref<10016x160xf32, #tpu.memory_space<vmem_shared>> -> memref<400x160xf32, #tpu.memory_space<vmem_shared>>
          tpu.wait_dma2 semaphore(%run_scoped3A : memref<!tpu.dma_semaphore, #tpu.memory_space<semaphore_mem>>) src(%dma_wait3A_68 : memref<400x160xf32, #tpu.memory_space<vmem_shared>>) dst(%dma_wait3A_66 : memref<400x160xf32, #tpu.memory_space<hbm>>)
          tpu.yield
        }) : () -> ()
      }
    } else {
    }
    %eq3A_42 = arith.constant 1 : i32
    %eq3A_43 = arith.cmpi eq, %arg0, %eq3A_42 : i32
    %convert_element_type3A_44 = arith.extui %eq3A_43 : i1 to i32
    %cond3A_45 = arith.constant 0 : i32
    %cond3A_46 = arith.cmpi ne, %convert_element_type3A_44, %cond3A_45 : i32
    scf.if %cond3A_46 {
      %while3A_47 = arith.constant 0 : i32
      %while3A_48 = arith.constant 0 : i32
      %while3A_49 = arith.subi %add3A_18, %while3A_48 : i32
      %while3A_50 = arith.addi %while3A_48, %while3A_49 : i32
      %while3A_51 = arith.constant 1 : i32
      %while3A_52 = arith.divsi %while3A_49, %while3A_51 : i32
      %while3A_53 = arith.muli %while3A_52, %while3A_51 : i32
      %while3A_54 = arith.addi %while3A_48, %while3A_53 : i32
      %while3A_55 = arith.constant 1 : i32
      scf.for %while3A_57 = %while3A_48 to %while3A_54 step %while3A_55  : i32 {
        %mul3A_58 = arith.constant 16 : i32
        %mul3A_59 = arith.muli %while3A_57, %mul3A_58 : i32
        %add3A_60 = arith.addi %arg1, %mul3A_59 : i32
        %mul3A_61 = arith.constant 400 : i32
        %mul3A_62 = arith.muli %add3A_60, %mul3A_61 : i32
        "tpu.region"() ({
          %run_scoped3A = tpu.sem_alloc : memref<!tpu.dma_semaphore, #tpu.memory_space<semaphore_mem>>
          %dma_start3A = arith.constant 0 : i32
          %dma_start3A_63 = tpu.memref_slice %arg7[%mul3A_62, %dma_start3A] : memref<10000x160xf32, #tpu.memory_space<hbm>> -> memref<400x160xf32, #tpu.memory_space<hbm>>
          %dma_start3A_64 = arith.constant 0 : i32
          %dma_start3A_65 = tpu.memref_slice %arg12[%mul3A_62, %dma_start3A_64] : memref<10016x160xf32, #tpu.memory_space<vmem_shared>> -> memref<400x160xf32, #tpu.memory_space<vmem_shared>>
          tpu.enqueue_dma source(%dma_start3A_65 : memref<400x160xf32, #tpu.memory_space<vmem_shared>>) target(%dma_start3A_63 : memref<400x160xf32, #tpu.memory_space<hbm>>) target_semaphore(%run_scoped3A : memref<!tpu.dma_semaphore, #tpu.memory_space<semaphore_mem>>)
          %dma_wait3A = arith.constant 0 : i32
          %dma_wait3A_66 = tpu.memref_slice %arg7[%mul3A_62, %dma_wait3A] : memref<10000x160xf32, #tpu.memory_space<hbm>> -> memref<400x160xf32, #tpu.memory_space<hbm>>
          %dma_wait3A_67 = arith.constant 0 : i32
          %dma_wait3A_68 = tpu.memref_slice %arg12[%mul3A_62, %dma_wait3A_67] : memref<10016x160xf32, #tpu.memory_space<vmem_shared>> -> memref<400x160xf32, #tpu.memory_space<vmem_shared>>
          tpu.wait_dma2 semaphore(%run_scoped3A : memref<!tpu.dma_semaphore, #tpu.memory_space<semaphore_mem>>) src(%dma_wait3A_68 : memref<400x160xf32, #tpu.memory_space<vmem_shared>>) dst(%dma_wait3A_66 : memref<400x160xf32, #tpu.memory_space<hbm>>)
          tpu.yield
        }) : () -> ()
      }
      %while3A_56 = arith.constant 1 : i32
      scf.for %while3A_57 = %while3A_54 to %while3A_50 step %while3A_56  : i32 {
        %mul3A_58 = arith.constant 16 : i32
        %mul3A_59 = arith.muli %while3A_57, %mul3A_58 : i32
        %add3A_60 = arith.addi %arg1, %mul3A_59 : i32
        %mul3A_61 = arith.constant 400 : i32
        %mul3A_62 = arith.muli %add3A_60, %mul3A_61 : i32
        "tpu.region"() ({
          %run_scoped3A = tpu.sem_alloc : memref<!tpu.dma_semaphore, #tpu.memory_space<semaphore_mem>>
          %dma_start3A = arith.constant 0 : i32
          %dma_start3A_63 = tpu.memref_slice %arg7[%mul3A_62, %dma_start3A] : memref<10000x160xf32, #tpu.memory_space<hbm>> -> memref<400x160xf32, #tpu.memory_space<hbm>>
          %dma_start3A_64 = arith.constant 0 : i32
          %dma_start3A_65 = tpu.memref_slice %arg12[%mul3A_62, %dma_start3A_64] : memref<10016x160xf32, #tpu.memory_space<vmem_shared>> -> memref<400x160xf32, #tpu.memory_space<vmem_shared>>
          tpu.enqueue_dma source(%dma_start3A_65 : memref<400x160xf32, #tpu.memory_space<vmem_shared>>) target(%dma_start3A_63 : memref<400x160xf32, #tpu.memory_space<hbm>>) target_semaphore(%run_scoped3A : memref<!tpu.dma_semaphore, #tpu.memory_space<semaphore_mem>>)
          %dma_wait3A = arith.constant 0 : i32
          %dma_wait3A_66 = tpu.memref_slice %arg7[%mul3A_62, %dma_wait3A] : memref<10000x160xf32, #tpu.memory_space<hbm>> -> memref<400x160xf32, #tpu.memory_space<hbm>>
          %dma_wait3A_67 = arith.constant 0 : i32
          %dma_wait3A_68 = tpu.memref_slice %arg12[%mul3A_62, %dma_wait3A_67] : memref<10016x160xf32, #tpu.memory_space<vmem_shared>> -> memref<400x160xf32, #tpu.memory_space<vmem_shared>>
          tpu.wait_dma2 semaphore(%run_scoped3A : memref<!tpu.dma_semaphore, #tpu.memory_space<semaphore_mem>>) src(%dma_wait3A_68 : memref<400x160xf32, #tpu.memory_space<vmem_shared>>) dst(%dma_wait3A_66 : memref<400x160xf32, #tpu.memory_space<hbm>>)
          tpu.yield
        }) : () -> ()
      }
    } else {
    }
    return
  }
}

#map = affine_map<(d0, d1) -> (0, 0)>
#map1 = affine_map<(d0, d1) -> (0, 0, 0)>
module attributes {stable_mosaic.version = 14 : i64} {
  func.func @_sc_body(%arg0: i32, %arg1: i32, %arg2: memref<10000x160xf32, #tpu.memory_space<hbm>>, %arg3: memref<10000x160xf32, #tpu.memory_space<hbm>>, %arg4: memref<3488x2x92xi32, #tpu.memory_space<hbm>>, %arg5: memref<400x160xf32, #tpu.memory_space<hbm>>, %arg6: memref<10000x160xf32, #tpu.memory_space<hbm>>, %arg7: memref<10000x160xf32, #tpu.memory_space<hbm>>, %arg8: memref<2x92xi32, #tpu.memory_space<vmem>>, %arg9: memref<2x92xi32, #tpu.memory_space<vmem>>, %arg10: memref<92x160xf32, #tpu.memory_space<vmem>>, %arg11: memref<92x160xf32, #tpu.memory_space<vmem>>, %arg12: memref<10016x160xf32, #tpu.memory_space<vmem_shared>>, %arg13: memref<!tpu.dma_semaphore, #tpu.memory_space<semaphore_mem>>, %arg14: memref<!tpu.dma_semaphore, #tpu.memory_space<semaphore_mem>>, %arg15: memref<!tpu.dma_semaphore, #tpu.memory_space<semaphore_mem>>, %arg16: memref<!tpu.dma_semaphore, #tpu.memory_space<semaphore_mem>>) attributes {dimension_semantics = [#tpu.dimension_semantics<core_parallel>, #tpu.dimension_semantics<subcore_parallel>], iteration_bounds = array<i64: 2, 16>, scalar_prefetch = 0 : i64, scratch_operands = 9 : i64, tpu.core_type = #tpu.core_type<sc_vector_subcore>, window_params = [{transform_indices = #map}, {transform_indices = #map}, {transform_indices = #map1}, {transform_indices = #map}, {transform_indices = #map}, {transform_indices = #map}]} {
    %sub3A = arith.constant 24 : i32
    %sub3A_0 = arith.subi %sub3A, %arg1 : i32
    %jit3A = arith.constant 16 : i32
    %div3A = arith.divsi %sub3A_0, %jit3A : i32
    %sign3A = arith.constant 0 : i32
    %sign3A_1 = arith.cmpi sgt, %sub3A_0, %sign3A : i32
    %sign3A_2 = arith.extui %sign3A_1 : i1 to i32
    %sign3A_3 = arith.constant 0 : i32
    %sign3A_4 = arith.cmpi slt, %sub3A_0, %sign3A_3 : i32
    %sign3A_5 = arith.extui %sign3A_4 : i1 to i32
    %sign3A_6 = arith.subi %sign3A_2, %sign3A_5 : i32
    %sign3A_7 = arith.constant 0 : i32
    %sign3A_8 = arith.cmpi sgt, %jit3A, %sign3A_7 : i32
    %sign3A_9 = arith.extui %sign3A_8 : i1 to i32
    %sign3A_10 = arith.constant 0 : i32
    %sign3A_11 = arith.cmpi slt, %jit3A, %sign3A_10 : i32
    %sign3A_12 = arith.extui %sign3A_11 : i1 to i32
    %sign3A_13 = arith.subi %sign3A_9, %sign3A_12 : i32
    %ne3A = arith.cmpi ne, %sign3A_6, %sign3A_13 : i32
    %rem3A = arith.remsi %sub3A_0, %jit3A : i32
    %ne3A_14 = arith.constant 0 : i32
    %ne3A_15 = arith.cmpi ne, %rem3A, %ne3A_14 : i32
    %and3A = arith.andi %ne3A, %ne3A_15 : i1
    %sub3A_16 = arith.constant 1 : i32
    %sub3A_17 = arith.subi %div3A, %sub3A_16 : i32
    %select_n3A = arith.select %and3A, %sub3A_17, %div3A : i32
    %add3A = arith.constant 1 : i32
    %add3A_18 = arith.addi %select_n3A, %add3A : i32
    %while3A = arith.constant 0 : i32
    %while3A_19 = arith.constant 0 : i32
    %while3A_20 = arith.subi %add3A_18, %while3A_19 : i32
    %while3A_21 = arith.addi %while3A_19, %while3A_20 : i32
    %while3A_22 = arith.constant 1 : i32
    %while3A_23 = arith.divsi %while3A_20, %while3A_22 : i32
    %while3A_24 = arith.muli %while3A_23, %while3A_22 : i32
    %while3A_25 = arith.addi %while3A_19, %while3A_24 : i32
    %while3A_26 = arith.constant 1 : i32
    scf.for %while3A_47 = %while3A_19 to %while3A_25 step %while3A_26  : i32 {
      %mul3A_48 = arith.constant 16 : i32
      %mul3A_49 = arith.muli %while3A_47, %mul3A_48 : i32
      %add3A_50 = arith.addi %arg1, %mul3A_49 : i32
      %mul3A_51 = arith.constant 400 : i32
      %mul3A_52 = arith.muli %add3A_50, %mul3A_51 : i32
      "tpu.region"() ({
        %run_scoped3A = tpu.sem_alloc : memref<!tpu.dma_semaphore, #tpu.memory_space<semaphore_mem>>
        %dma_start3A = arith.constant 0 : i32
        %dma_start3A_53 = tpu.memref_slice %arg12[%mul3A_52, %dma_start3A] : memref<10016x160xf32, #tpu.memory_space<vmem_shared>> -> memref<400x160xf32, #tpu.memory_space<vmem_shared>>
        tpu.enqueue_dma source(%arg5 : memref<400x160xf32, #tpu.memory_space<hbm>>) target(%dma_start3A_53 : memref<400x160xf32, #tpu.memory_space<vmem_shared>>) target_semaphore(%run_scoped3A : memref<!tpu.dma_semaphore, #tpu.memory_space<semaphore_mem>>)
        %dma_wait3A = arith.constant 0 : i32
        %dma_wait3A_54 = tpu.memref_slice %arg12[%mul3A_52, %dma_wait3A] : memref<10016x160xf32, #tpu.memory_space<vmem_shared>> -> memref<400x160xf32, #tpu.memory_space<vmem_shared>>
        tpu.wait_dma2 semaphore(%run_scoped3A : memref<!tpu.dma_semaphore, #tpu.memory_space<semaphore_mem>>) src(%arg5 : memref<400x160xf32, #tpu.memory_space<hbm>>) dst(%dma_wait3A_54 : memref<400x160xf32, #tpu.memory_space<vmem_shared>>)
        tpu.yield
      }) : () -> ()
    }
    %while3A_27 = arith.constant 1 : i32
    scf.for %while3A_47 = %while3A_25 to %while3A_21 step %while3A_27  : i32 {
      %mul3A_48 = arith.constant 16 : i32
      %mul3A_49 = arith.muli %while3A_47, %mul3A_48 : i32
      %add3A_50 = arith.addi %arg1, %mul3A_49 : i32
      %mul3A_51 = arith.constant 400 : i32
      %mul3A_52 = arith.muli %add3A_50, %mul3A_51 : i32
      "tpu.region"() ({
        %run_scoped3A = tpu.sem_alloc : memref<!tpu.dma_semaphore, #tpu.memory_space<semaphore_mem>>
        %dma_start3A = arith.constant 0 : i32
        %dma_start3A_53 = tpu.memref_slice %arg12[%mul3A_52, %dma_start3A] : memref<10016x160xf32, #tpu.memory_space<vmem_shared>> -> memref<400x160xf32, #tpu.memory_space<vmem_shared>>
        tpu.enqueue_dma source(%arg5 : memref<400x160xf32, #tpu.memory_space<hbm>>) target(%dma_start3A_53 : memref<400x160xf32, #tpu.memory_space<vmem_shared>>) target_semaphore(%run_scoped3A : memref<!tpu.dma_semaphore, #tpu.memory_space<semaphore_mem>>)
        %dma_wait3A = arith.constant 0 : i32
        %dma_wait3A_54 = tpu.memref_slice %arg12[%mul3A_52, %dma_wait3A] : memref<10016x160xf32, #tpu.memory_space<vmem_shared>> -> memref<400x160xf32, #tpu.memory_space<vmem_shared>>
        tpu.wait_dma2 semaphore(%run_scoped3A : memref<!tpu.dma_semaphore, #tpu.memory_space<semaphore_mem>>) src(%arg5 : memref<400x160xf32, #tpu.memory_space<hbm>>) dst(%dma_wait3A_54 : memref<400x160xf32, #tpu.memory_space<vmem_shared>>)
        tpu.yield
      }) : () -> ()
    }
    %barrier3A = arith.constant 0 : index
    tpu.barrier barrier_id(%barrier3A)
    %mul3A = arith.constant 218 : i32
    %mul3A_28 = arith.muli %arg1, %mul3A : i32
    %eq3A = arith.constant 0 : i32
    %eq3A_29 = arith.cmpi eq, %arg0, %eq3A : i32
    %convert_element_type3A = arith.extui %eq3A_29 : i1 to i32
    %cond3A = arith.constant 0 : i32
    %cond3A_30 = arith.cmpi ne, %convert_element_type3A, %cond3A : i32
    scf.if %cond3A_30 {
      %scan3A = arith.constant 0 : i32
      %scan3A_47 = arith.constant 0 : i32
      %scan3A_48 = arith.constant 109 : i32
      %scan3A_49 = arith.addi %scan3A_47, %scan3A_48 : i32
      %scan3A_50 = arith.constant 1 : i32
      scf.for %scan3A_65 = %scan3A_47 to %scan3A_49 step %scan3A_50  : i32 {
        %mul3A_66 = arith.constant 2 : i32
        %mul3A_67 = arith.muli %mul3A_66, %scan3A_65 : i32
        %gt3A = arith.constant 0 : i32
        %gt3A_68 = arith.cmpi sgt, %scan3A_65, %gt3A : i32
        %convert_element_type3A_69 = arith.extui %gt3A_68 : i1 to i32
        %cond3A_70 = arith.constant 0 : i32
        %cond3A_71 = arith.cmpi ne, %convert_element_type3A_69, %cond3A_70 : i32
        scf.if %cond3A_71 {
          %dma_wait3A_122 = arith.constant 1 : i32
          %dma_wait3A_123 = arith.constant 0 : i32
          %dma_wait3A_124 = tpu.memref_slice %arg8[%dma_wait3A_122, %dma_wait3A_123] : memref<2x92xi32, #tpu.memory_space<vmem>> -> memref<1x92xi32, #tpu.memory_space<vmem>>
          %dma_wait3A_125 = tpu.memref_squeeze %dma_wait3A_124 : memref<1x92xi32, #tpu.memory_space<vmem>> -> memref<92xi32, #tpu.memory_space<vmem>>
          %dma_wait3A_126 = arith.constant 0 : i32
          %dma_wait3A_127 = arith.constant 0 : i32
          %dma_wait3A_128 = tpu.memref_slice %arg12[%dma_wait3A_126, %dma_wait3A_127] : memref<10016x160xf32, #tpu.memory_space<vmem_shared>> -> memref<10016x160xf32, #tpu.memory_space<vmem_shared>>
          tpu.wait_indirect_dma semaphore(%arg15 : memref<!tpu.dma_semaphore, #tpu.memory_space<semaphore_mem>>) src(%arg10 : memref<92x160xf32, #tpu.memory_space<vmem>>) dst(%dma_wait3A_128 : memref<10016x160xf32, #tpu.memory_space<vmem_shared>>)
        } else {
        }
        %add3A_72 = arith.addi %mul3A_28, %mul3A_67 : i32
        "tpu.region"() ({
          %run_scoped3A = tpu.sem_alloc : memref<!tpu.dma_semaphore, #tpu.memory_space<semaphore_mem>>
          %dma_start3A_122 = arith.constant 0 : i32
          %dma_start3A_123 = arith.constant 0 : i32
          %dma_start3A_124 = tpu.memref_slice %arg4[%add3A_72, %dma_start3A_122, %dma_start3A_123] : memref<3488x2x92xi32, #tpu.memory_space<hbm>> -> memref<1x2x92xi32, #tpu.memory_space<hbm>>
          %dma_start3A_125 = tpu.memref_squeeze %dma_start3A_124 : memref<1x2x92xi32, #tpu.memory_space<hbm>> -> memref<2x92xi32, #tpu.memory_space<hbm>>
          %dma_start3A_126 = arith.constant 0 : i32
          %dma_start3A_127 = arith.constant 0 : i32
          %dma_start3A_128 = tpu.memref_slice %arg4[%add3A_72, %dma_start3A_126, %dma_start3A_127] : memref<3488x2x92xi32, #tpu.memory_space<hbm>> -> memref<1x2x92xi32, #tpu.memory_space<hbm>>
          %dma_start3A_129 = tpu.memref_squeeze %dma_start3A_128 : memref<1x2x92xi32, #tpu.memory_space<hbm>> -> memref<2x92xi32, #tpu.memory_space<hbm>>
          tpu.enqueue_dma source(%dma_start3A_129 : memref<2x92xi32, #tpu.memory_space<hbm>>) target(%arg8 : memref<2x92xi32, #tpu.memory_space<vmem>>) target_semaphore(%run_scoped3A : memref<!tpu.dma_semaphore, #tpu.memory_space<semaphore_mem>>)
          %dma_wait3A_130 = arith.constant 0 : i32
          %dma_wait3A_131 = arith.constant 0 : i32
          %dma_wait3A_132 = tpu.memref_slice %arg4[%add3A_72, %dma_wait3A_130, %dma_wait3A_131] : memref<3488x2x92xi32, #tpu.memory_space<hbm>> -> memref<1x2x92xi32, #tpu.memory_space<hbm>>
          %dma_wait3A_133 = tpu.memref_squeeze %dma_wait3A_132 : memref<1x2x92xi32, #tpu.memory_space<hbm>> -> memref<2x92xi32, #tpu.memory_space<hbm>>
          %dma_wait3A_134 = arith.constant 0 : i32
          %dma_wait3A_135 = arith.constant 0 : i32
          %dma_wait3A_136 = tpu.memref_slice %arg4[%add3A_72, %dma_wait3A_134, %dma_wait3A_135] : memref<3488x2x92xi32, #tpu.memory_space<hbm>> -> memref<1x2x92xi32, #tpu.memory_space<hbm>>
          %dma_wait3A_137 = tpu.memref_squeeze %dma_wait3A_136 : memref<1x2x92xi32, #tpu.memory_space<hbm>> -> memref<2x92xi32, #tpu.memory_space<hbm>>
          tpu.wait_dma2 semaphore(%run_scoped3A : memref<!tpu.dma_semaphore, #tpu.memory_space<semaphore_mem>>) src(%dma_wait3A_137 : memref<2x92xi32, #tpu.memory_space<hbm>>) dst(%arg8 : memref<2x92xi32, #tpu.memory_space<vmem>>)
          tpu.yield
        }) : () -> ()
        %dma_start3A = arith.constant 0 : i32
        %dma_start3A_73 = arith.constant 0 : i32
        %dma_start3A_74 = tpu.memref_slice %arg8[%dma_start3A, %dma_start3A_73] : memref<2x92xi32, #tpu.memory_space<vmem>> -> memref<1x92xi32, #tpu.memory_space<vmem>>
        %dma_start3A_75 = tpu.memref_squeeze %dma_start3A_74 : memref<1x92xi32, #tpu.memory_space<vmem>> -> memref<92xi32, #tpu.memory_space<vmem>>
        %dma_start3A_76 = arith.constant 0 : i32
        %dma_start3A_77 = arith.constant 0 : i32
        %dma_start3A_78 = tpu.memref_slice %arg2[%dma_start3A_76, %dma_start3A_77] : memref<10000x160xf32, #tpu.memory_space<hbm>> -> memref<10000x160xf32, #tpu.memory_space<hbm>>
        tpu.enqueue_indirect_dma source(%dma_start3A_78 : memref<10000x160xf32, #tpu.memory_space<hbm>>) target(%arg10 : memref<92x160xf32, #tpu.memory_space<vmem>>) offsets(%dma_start3A_75 : memref<92xi32, #tpu.memory_space<vmem>>) semaphore(%arg13 : memref<!tpu.dma_semaphore, #tpu.memory_space<semaphore_mem>>)
        %gt3A_79 = arith.constant 0 : i32
        %gt3A_80 = arith.cmpi sgt, %scan3A_65, %gt3A_79 : i32
        %convert_element_type3A_81 = arith.extui %gt3A_80 : i1 to i32
        %cond3A_82 = arith.constant 0 : i32
        %cond3A_83 = arith.cmpi ne, %convert_element_type3A_81, %cond3A_82 : i32
        scf.if %cond3A_83 {
          %dma_wait3A_122 = arith.constant 1 : i32
          %dma_wait3A_123 = arith.constant 0 : i32
          %dma_wait3A_124 = tpu.memref_slice %arg9[%dma_wait3A_122, %dma_wait3A_123] : memref<2x92xi32, #tpu.memory_space<vmem>> -> memref<1x92xi32, #tpu.memory_space<vmem>>
          %dma_wait3A_125 = tpu.memref_squeeze %dma_wait3A_124 : memref<1x92xi32, #tpu.memory_space<vmem>> -> memref<92xi32, #tpu.memory_space<vmem>>
          %dma_wait3A_126 = arith.constant 0 : i32
          %dma_wait3A_127 = arith.constant 0 : i32
          %dma_wait3A_128 = tpu.memref_slice %arg12[%dma_wait3A_126, %dma_wait3A_127] : memref<10016x160xf32, #tpu.memory_space<vmem_shared>> -> memref<10016x160xf32, #tpu.memory_space<vmem_shared>>
          tpu.wait_indirect_dma semaphore(%arg16 : memref<!tpu.dma_semaphore, #tpu.memory_space<semaphore_mem>>) src(%arg11 : memref<92x160xf32, #tpu.memory_space<vmem>>) dst(%dma_wait3A_128 : memref<10016x160xf32, #tpu.memory_space<vmem_shared>>)
        } else {
        }
        %add3A_84 = arith.addi %mul3A_28, %mul3A_67 : i32
        %add3A_85 = arith.constant 1 : i32
        %add3A_86 = arith.addi %add3A_84, %add3A_85 : i32
        "tpu.region"() ({
          %run_scoped3A = tpu.sem_alloc : memref<!tpu.dma_semaphore, #tpu.memory_space<semaphore_mem>>
          %dma_start3A_122 = arith.constant 0 : i32
          %dma_start3A_123 = arith.constant 0 : i32
          %dma_start3A_124 = tpu.memref_slice %arg4[%add3A_86, %dma_start3A_122, %dma_start3A_123] : memref<3488x2x92xi32, #tpu.memory_space<hbm>> -> memref<1x2x92xi32, #tpu.memory_space<hbm>>
          %dma_start3A_125 = tpu.memref_squeeze %dma_start3A_124 : memref<1x2x92xi32, #tpu.memory_space<hbm>> -> memref<2x92xi32, #tpu.memory_space<hbm>>
          %dma_start3A_126 = arith.constant 0 : i32
          %dma_start3A_127 = arith.constant 0 : i32
          %dma_start3A_128 = tpu.memref_slice %arg4[%add3A_86, %dma_start3A_126, %dma_start3A_127] : memref<3488x2x92xi32, #tpu.memory_space<hbm>> -> memref<1x2x92xi32, #tpu.memory_space<hbm>>
          %dma_start3A_129 = tpu.memref_squeeze %dma_start3A_128 : memref<1x2x92xi32, #tpu.memory_space<hbm>> -> memref<2x92xi32, #tpu.memory_space<hbm>>
          tpu.enqueue_dma source(%dma_start3A_129 : memref<2x92xi32, #tpu.memory_space<hbm>>) target(%arg9 : memref<2x92xi32, #tpu.memory_space<vmem>>) target_semaphore(%run_scoped3A : memref<!tpu.dma_semaphore, #tpu.memory_space<semaphore_mem>>)
          %dma_wait3A_130 = arith.constant 0 : i32
          %dma_wait3A_131 = arith.constant 0 : i32
          %dma_wait3A_132 = tpu.memref_slice %arg4[%add3A_86, %dma_wait3A_130, %dma_wait3A_131] : memref<3488x2x92xi32, #tpu.memory_space<hbm>> -> memref<1x2x92xi32, #tpu.memory_space<hbm>>
          %dma_wait3A_133 = tpu.memref_squeeze %dma_wait3A_132 : memref<1x2x92xi32, #tpu.memory_space<hbm>> -> memref<2x92xi32, #tpu.memory_space<hbm>>
          %dma_wait3A_134 = arith.constant 0 : i32
          %dma_wait3A_135 = arith.constant 0 : i32
          %dma_wait3A_136 = tpu.memref_slice %arg4[%add3A_86, %dma_wait3A_134, %dma_wait3A_135] : memref<3488x2x92xi32, #tpu.memory_space<hbm>> -> memref<1x2x92xi32, #tpu.memory_space<hbm>>
          %dma_wait3A_137 = tpu.memref_squeeze %dma_wait3A_136 : memref<1x2x92xi32, #tpu.memory_space<hbm>> -> memref<2x92xi32, #tpu.memory_space<hbm>>
          tpu.wait_dma2 semaphore(%run_scoped3A : memref<!tpu.dma_semaphore, #tpu.memory_space<semaphore_mem>>) src(%dma_wait3A_137 : memref<2x92xi32, #tpu.memory_space<hbm>>) dst(%arg9 : memref<2x92xi32, #tpu.memory_space<vmem>>)
          tpu.yield
        }) : () -> ()
        %dma_start3A_87 = arith.constant 0 : i32
        %dma_start3A_88 = arith.constant 0 : i32
        %dma_start3A_89 = tpu.memref_slice %arg9[%dma_start3A_87, %dma_start3A_88] : memref<2x92xi32, #tpu.memory_space<vmem>> -> memref<1x92xi32, #tpu.memory_space<vmem>>
        %dma_start3A_90 = tpu.memref_squeeze %dma_start3A_89 : memref<1x92xi32, #tpu.memory_space<vmem>> -> memref<92xi32, #tpu.memory_space<vmem>>
        %dma_start3A_91 = arith.constant 0 : i32
        %dma_start3A_92 = arith.constant 0 : i32
        %dma_start3A_93 = tpu.memref_slice %arg2[%dma_start3A_91, %dma_start3A_92] : memref<10000x160xf32, #tpu.memory_space<hbm>> -> memref<10000x160xf32, #tpu.memory_space<hbm>>
        tpu.enqueue_indirect_dma source(%dma_start3A_93 : memref<10000x160xf32, #tpu.memory_space<hbm>>) target(%arg11 : memref<92x160xf32, #tpu.memory_space<vmem>>) offsets(%dma_start3A_90 : memref<92xi32, #tpu.memory_space<vmem>>) semaphore(%arg14 : memref<!tpu.dma_semaphore, #tpu.memory_space<semaphore_mem>>)
        %dma_wait3A_94 = arith.constant 0 : i32
        %dma_wait3A_95 = arith.constant 0 : i32
        %dma_wait3A_96 = tpu.memref_slice %arg8[%dma_wait3A_94, %dma_wait3A_95] : memref<2x92xi32, #tpu.memory_space<vmem>> -> memref<1x92xi32, #tpu.memory_space<vmem>>
        %dma_wait3A_97 = tpu.memref_squeeze %dma_wait3A_96 : memref<1x92xi32, #tpu.memory_space<vmem>> -> memref<92xi32, #tpu.memory_space<vmem>>
        %dma_wait3A_98 = arith.constant 0 : i32
        %dma_wait3A_99 = arith.constant 0 : i32
        %dma_wait3A_100 = tpu.memref_slice %arg2[%dma_wait3A_98, %dma_wait3A_99] : memref<10000x160xf32, #tpu.memory_space<hbm>> -> memref<10000x160xf32, #tpu.memory_space<hbm>>
        tpu.wait_indirect_dma semaphore(%arg13 : memref<!tpu.dma_semaphore, #tpu.memory_space<semaphore_mem>>) src(%dma_wait3A_100 : memref<10000x160xf32, #tpu.memory_space<hbm>>) dst(%arg10 : memref<92x160xf32, #tpu.memory_space<vmem>>)
        %dma_start3A_101 = arith.constant 1 : i32
        %dma_start3A_102 = arith.constant 0 : i32
        %dma_start3A_103 = tpu.memref_slice %arg8[%dma_start3A_101, %dma_start3A_102] : memref<2x92xi32, #tpu.memory_space<vmem>> -> memref<1x92xi32, #tpu.memory_space<vmem>>
        %dma_start3A_104 = tpu.memref_squeeze %dma_start3A_103 : memref<1x92xi32, #tpu.memory_space<vmem>> -> memref<92xi32, #tpu.memory_space<vmem>>
        %dma_start3A_105 = arith.constant 0 : i32
        %dma_start3A_106 = arith.constant 0 : i32
        %dma_start3A_107 = tpu.memref_slice %arg12[%dma_start3A_105, %dma_start3A_106] : memref<10016x160xf32, #tpu.memory_space<vmem_shared>> -> memref<10016x160xf32, #tpu.memory_space<vmem_shared>>
        tpu.enqueue_indirect_dma source(%arg10 : memref<92x160xf32, #tpu.memory_space<vmem>>) target(%dma_start3A_107 : memref<10016x160xf32, #tpu.memory_space<vmem_shared>>) offsets(%dma_start3A_104 : memref<92xi32, #tpu.memory_space<vmem>>) semaphore(%arg15 : memref<!tpu.dma_semaphore, #tpu.memory_space<semaphore_mem>>) {add = true}
        %dma_wait3A_108 = arith.constant 0 : i32
        %dma_wait3A_109 = arith.constant 0 : i32
        %dma_wait3A_110 = tpu.memref_slice %arg9[%dma_wait3A_108, %dma_wait3A_109] : memref<2x92xi32, #tpu.memory_space<vmem>> -> memref<1x92xi32, #tpu.memory_space<vmem>>
        %dma_wait3A_111 = tpu.memref_squeeze %dma_wait3A_110 : memref<1x92xi32, #tpu.memory_space<vmem>> -> memref<92xi32, #tpu.memory_space<vmem>>
        %dma_wait3A_112 = arith.constant 0 : i32
        %dma_wait3A_113 = arith.constant 0 : i32
        %dma_wait3A_114 = tpu.memref_slice %arg2[%dma_wait3A_112, %dma_wait3A_113] : memref<10000x160xf32, #tpu.memory_space<hbm>> -> memref<10000x160xf32, #tpu.memory_space<hbm>>
        tpu.wait_indirect_dma semaphore(%arg14 : memref<!tpu.dma_semaphore, #tpu.memory_space<semaphore_mem>>) src(%dma_wait3A_114 : memref<10000x160xf32, #tpu.memory_space<hbm>>) dst(%arg11 : memref<92x160xf32, #tpu.memory_space<vmem>>)
        %dma_start3A_115 = arith.constant 1 : i32
        %dma_start3A_116 = arith.constant 0 : i32
        %dma_start3A_117 = tpu.memref_slice %arg9[%dma_start3A_115, %dma_start3A_116] : memref<2x92xi32, #tpu.memory_space<vmem>> -> memref<1x92xi32, #tpu.memory_space<vmem>>
        %dma_start3A_118 = tpu.memref_squeeze %dma_start3A_117 : memref<1x92xi32, #tpu.memory_space<vmem>> -> memref<92xi32, #tpu.memory_space<vmem>>
        %dma_start3A_119 = arith.constant 0 : i32
        %dma_start3A_120 = arith.constant 0 : i32
        %dma_start3A_121 = tpu.memref_slice %arg12[%dma_start3A_119, %dma_start3A_120] : memref<10016x160xf32, #tpu.memory_space<vmem_shared>> -> memref<10016x160xf32, #tpu.memory_space<vmem_shared>>
        tpu.enqueue_indirect_dma source(%arg11 : memref<92x160xf32, #tpu.memory_space<vmem>>) target(%dma_start3A_121 : memref<10016x160xf32, #tpu.memory_space<vmem_shared>>) offsets(%dma_start3A_118 : memref<92xi32, #tpu.memory_space<vmem>>) semaphore(%arg16 : memref<!tpu.dma_semaphore, #tpu.memory_space<semaphore_mem>>) {add = true}
      }
      %scan3A_51 = arith.constant 109 : i32
      %dma_wait3A = arith.constant 1 : i32
      %dma_wait3A_52 = arith.constant 0 : i32
      %dma_wait3A_53 = tpu.memref_slice %arg8[%dma_wait3A, %dma_wait3A_52] : memref<2x92xi32, #tpu.memory_space<vmem>> -> memref<1x92xi32, #tpu.memory_space<vmem>>
      %dma_wait3A_54 = tpu.memref_squeeze %dma_wait3A_53 : memref<1x92xi32, #tpu.memory_space<vmem>> -> memref<92xi32, #tpu.memory_space<vmem>>
      %dma_wait3A_55 = arith.constant 0 : i32
      %dma_wait3A_56 = arith.constant 0 : i32
      %dma_wait3A_57 = tpu.memref_slice %arg12[%dma_wait3A_55, %dma_wait3A_56] : memref<10016x160xf32, #tpu.memory_space<vmem_shared>> -> memref<10016x160xf32, #tpu.memory_space<vmem_shared>>
      tpu.wait_indirect_dma semaphore(%arg15 : memref<!tpu.dma_semaphore, #tpu.memory_space<semaphore_mem>>) src(%arg10 : memref<92x160xf32, #tpu.memory_space<vmem>>) dst(%dma_wait3A_57 : memref<10016x160xf32, #tpu.memory_space<vmem_shared>>)
      %dma_wait3A_58 = arith.constant 1 : i32
      %dma_wait3A_59 = arith.constant 0 : i32
      %dma_wait3A_60 = tpu.memref_slice %arg9[%dma_wait3A_58, %dma_wait3A_59] : memref<2x92xi32, #tpu.memory_space<vmem>> -> memref<1x92xi32, #tpu.memory_space<vmem>>
      %dma_wait3A_61 = tpu.memref_squeeze %dma_wait3A_60 : memref<1x92xi32, #tpu.memory_space<vmem>> -> memref<92xi32, #tpu.memory_space<vmem>>
      %dma_wait3A_62 = arith.constant 0 : i32
      %dma_wait3A_63 = arith.constant 0 : i32
      %dma_wait3A_64 = tpu.memref_slice %arg12[%dma_wait3A_62, %dma_wait3A_63] : memref<10016x160xf32, #tpu.memory_space<vmem_shared>> -> memref<10016x160xf32, #tpu.memory_space<vmem_shared>>
      tpu.wait_indirect_dma semaphore(%arg16 : memref<!tpu.dma_semaphore, #tpu.memory_space<semaphore_mem>>) src(%arg11 : memref<92x160xf32, #tpu.memory_space<vmem>>) dst(%dma_wait3A_64 : memref<10016x160xf32, #tpu.memory_space<vmem_shared>>)
    } else {
    }
    %eq3A_31 = arith.constant 1 : i32
    %eq3A_32 = arith.cmpi eq, %arg0, %eq3A_31 : i32
    %convert_element_type3A_33 = arith.extui %eq3A_32 : i1 to i32
    %cond3A_34 = arith.constant 0 : i32
    %cond3A_35 = arith.cmpi ne, %convert_element_type3A_33, %cond3A_34 : i32
    scf.if %cond3A_35 {
      %scan3A = arith.constant 0 : i32
      %scan3A_47 = arith.constant 0 : i32
      %scan3A_48 = arith.constant 109 : i32
      %scan3A_49 = arith.addi %scan3A_47, %scan3A_48 : i32
      %scan3A_50 = arith.constant 1 : i32
      scf.for %scan3A_65 = %scan3A_47 to %scan3A_49 step %scan3A_50  : i32 {
        %mul3A_66 = arith.constant 2 : i32
        %mul3A_67 = arith.muli %mul3A_66, %scan3A_65 : i32
        %gt3A = arith.constant 0 : i32
        %gt3A_68 = arith.cmpi sgt, %scan3A_65, %gt3A : i32
        %convert_element_type3A_69 = arith.extui %gt3A_68 : i1 to i32
        %cond3A_70 = arith.constant 0 : i32
        %cond3A_71 = arith.cmpi ne, %convert_element_type3A_69, %cond3A_70 : i32
        scf.if %cond3A_71 {
          %dma_wait3A_122 = arith.constant 1 : i32
          %dma_wait3A_123 = arith.constant 0 : i32
          %dma_wait3A_124 = tpu.memref_slice %arg8[%dma_wait3A_122, %dma_wait3A_123] : memref<2x92xi32, #tpu.memory_space<vmem>> -> memref<1x92xi32, #tpu.memory_space<vmem>>
          %dma_wait3A_125 = tpu.memref_squeeze %dma_wait3A_124 : memref<1x92xi32, #tpu.memory_space<vmem>> -> memref<92xi32, #tpu.memory_space<vmem>>
          %dma_wait3A_126 = arith.constant 0 : i32
          %dma_wait3A_127 = arith.constant 0 : i32
          %dma_wait3A_128 = tpu.memref_slice %arg12[%dma_wait3A_126, %dma_wait3A_127] : memref<10016x160xf32, #tpu.memory_space<vmem_shared>> -> memref<10016x160xf32, #tpu.memory_space<vmem_shared>>
          tpu.wait_indirect_dma semaphore(%arg15 : memref<!tpu.dma_semaphore, #tpu.memory_space<semaphore_mem>>) src(%arg10 : memref<92x160xf32, #tpu.memory_space<vmem>>) dst(%dma_wait3A_128 : memref<10016x160xf32, #tpu.memory_space<vmem_shared>>)
        } else {
        }
        %add3A_72 = arith.addi %mul3A_28, %mul3A_67 : i32
        "tpu.region"() ({
          %run_scoped3A = tpu.sem_alloc : memref<!tpu.dma_semaphore, #tpu.memory_space<semaphore_mem>>
          %dma_start3A_122 = arith.constant 0 : i32
          %dma_start3A_123 = arith.constant 0 : i32
          %dma_start3A_124 = tpu.memref_slice %arg4[%add3A_72, %dma_start3A_122, %dma_start3A_123] : memref<3488x2x92xi32, #tpu.memory_space<hbm>> -> memref<1x2x92xi32, #tpu.memory_space<hbm>>
          %dma_start3A_125 = tpu.memref_squeeze %dma_start3A_124 : memref<1x2x92xi32, #tpu.memory_space<hbm>> -> memref<2x92xi32, #tpu.memory_space<hbm>>
          %dma_start3A_126 = arith.constant 0 : i32
          %dma_start3A_127 = arith.constant 0 : i32
          %dma_start3A_128 = tpu.memref_slice %arg4[%add3A_72, %dma_start3A_126, %dma_start3A_127] : memref<3488x2x92xi32, #tpu.memory_space<hbm>> -> memref<1x2x92xi32, #tpu.memory_space<hbm>>
          %dma_start3A_129 = tpu.memref_squeeze %dma_start3A_128 : memref<1x2x92xi32, #tpu.memory_space<hbm>> -> memref<2x92xi32, #tpu.memory_space<hbm>>
          tpu.enqueue_dma source(%dma_start3A_129 : memref<2x92xi32, #tpu.memory_space<hbm>>) target(%arg8 : memref<2x92xi32, #tpu.memory_space<vmem>>) target_semaphore(%run_scoped3A : memref<!tpu.dma_semaphore, #tpu.memory_space<semaphore_mem>>)
          %dma_wait3A_130 = arith.constant 0 : i32
          %dma_wait3A_131 = arith.constant 0 : i32
          %dma_wait3A_132 = tpu.memref_slice %arg4[%add3A_72, %dma_wait3A_130, %dma_wait3A_131] : memref<3488x2x92xi32, #tpu.memory_space<hbm>> -> memref<1x2x92xi32, #tpu.memory_space<hbm>>
          %dma_wait3A_133 = tpu.memref_squeeze %dma_wait3A_132 : memref<1x2x92xi32, #tpu.memory_space<hbm>> -> memref<2x92xi32, #tpu.memory_space<hbm>>
          %dma_wait3A_134 = arith.constant 0 : i32
          %dma_wait3A_135 = arith.constant 0 : i32
          %dma_wait3A_136 = tpu.memref_slice %arg4[%add3A_72, %dma_wait3A_134, %dma_wait3A_135] : memref<3488x2x92xi32, #tpu.memory_space<hbm>> -> memref<1x2x92xi32, #tpu.memory_space<hbm>>
          %dma_wait3A_137 = tpu.memref_squeeze %dma_wait3A_136 : memref<1x2x92xi32, #tpu.memory_space<hbm>> -> memref<2x92xi32, #tpu.memory_space<hbm>>
          tpu.wait_dma2 semaphore(%run_scoped3A : memref<!tpu.dma_semaphore, #tpu.memory_space<semaphore_mem>>) src(%dma_wait3A_137 : memref<2x92xi32, #tpu.memory_space<hbm>>) dst(%arg8 : memref<2x92xi32, #tpu.memory_space<vmem>>)
          tpu.yield
        }) : () -> ()
        %dma_start3A = arith.constant 0 : i32
        %dma_start3A_73 = arith.constant 0 : i32
        %dma_start3A_74 = tpu.memref_slice %arg8[%dma_start3A, %dma_start3A_73] : memref<2x92xi32, #tpu.memory_space<vmem>> -> memref<1x92xi32, #tpu.memory_space<vmem>>
        %dma_start3A_75 = tpu.memref_squeeze %dma_start3A_74 : memref<1x92xi32, #tpu.memory_space<vmem>> -> memref<92xi32, #tpu.memory_space<vmem>>
        %dma_start3A_76 = arith.constant 0 : i32
        %dma_start3A_77 = arith.constant 0 : i32
        %dma_start3A_78 = tpu.memref_slice %arg3[%dma_start3A_76, %dma_start3A_77] : memref<10000x160xf32, #tpu.memory_space<hbm>> -> memref<10000x160xf32, #tpu.memory_space<hbm>>
        tpu.enqueue_indirect_dma source(%dma_start3A_78 : memref<10000x160xf32, #tpu.memory_space<hbm>>) target(%arg10 : memref<92x160xf32, #tpu.memory_space<vmem>>) offsets(%dma_start3A_75 : memref<92xi32, #tpu.memory_space<vmem>>) semaphore(%arg13 : memref<!tpu.dma_semaphore, #tpu.memory_space<semaphore_mem>>)
        %gt3A_79 = arith.constant 0 : i32
        %gt3A_80 = arith.cmpi sgt, %scan3A_65, %gt3A_79 : i32
        %convert_element_type3A_81 = arith.extui %gt3A_80 : i1 to i32
        %cond3A_82 = arith.constant 0 : i32
        %cond3A_83 = arith.cmpi ne, %convert_element_type3A_81, %cond3A_82 : i32
        scf.if %cond3A_83 {
          %dma_wait3A_122 = arith.constant 1 : i32
          %dma_wait3A_123 = arith.constant 0 : i32
          %dma_wait3A_124 = tpu.memref_slice %arg9[%dma_wait3A_122, %dma_wait3A_123] : memref<2x92xi32, #tpu.memory_space<vmem>> -> memref<1x92xi32, #tpu.memory_space<vmem>>
          %dma_wait3A_125 = tpu.memref_squeeze %dma_wait3A_124 : memref<1x92xi32, #tpu.memory_space<vmem>> -> memref<92xi32, #tpu.memory_space<vmem>>
          %dma_wait3A_126 = arith.constant 0 : i32
          %dma_wait3A_127 = arith.constant 0 : i32
          %dma_wait3A_128 = tpu.memref_slice %arg12[%dma_wait3A_126, %dma_wait3A_127] : memref<10016x160xf32, #tpu.memory_space<vmem_shared>> -> memref<10016x160xf32, #tpu.memory_space<vmem_shared>>
          tpu.wait_indirect_dma semaphore(%arg16 : memref<!tpu.dma_semaphore, #tpu.memory_space<semaphore_mem>>) src(%arg11 : memref<92x160xf32, #tpu.memory_space<vmem>>) dst(%dma_wait3A_128 : memref<10016x160xf32, #tpu.memory_space<vmem_shared>>)
        } else {
        }
        %add3A_84 = arith.addi %mul3A_28, %mul3A_67 : i32
        %add3A_85 = arith.constant 1 : i32
        %add3A_86 = arith.addi %add3A_84, %add3A_85 : i32
        "tpu.region"() ({
          %run_scoped3A = tpu.sem_alloc : memref<!tpu.dma_semaphore, #tpu.memory_space<semaphore_mem>>
          %dma_start3A_122 = arith.constant 0 : i32
          %dma_start3A_123 = arith.constant 0 : i32
          %dma_start3A_124 = tpu.memref_slice %arg4[%add3A_86, %dma_start3A_122, %dma_start3A_123] : memref<3488x2x92xi32, #tpu.memory_space<hbm>> -> memref<1x2x92xi32, #tpu.memory_space<hbm>>
          %dma_start3A_125 = tpu.memref_squeeze %dma_start3A_124 : memref<1x2x92xi32, #tpu.memory_space<hbm>> -> memref<2x92xi32, #tpu.memory_space<hbm>>
          %dma_start3A_126 = arith.constant 0 : i32
          %dma_start3A_127 = arith.constant 0 : i32
          %dma_start3A_128 = tpu.memref_slice %arg4[%add3A_86, %dma_start3A_126, %dma_start3A_127] : memref<3488x2x92xi32, #tpu.memory_space<hbm>> -> memref<1x2x92xi32, #tpu.memory_space<hbm>>
          %dma_start3A_129 = tpu.memref_squeeze %dma_start3A_128 : memref<1x2x92xi32, #tpu.memory_space<hbm>> -> memref<2x92xi32, #tpu.memory_space<hbm>>
          tpu.enqueue_dma source(%dma_start3A_129 : memref<2x92xi32, #tpu.memory_space<hbm>>) target(%arg9 : memref<2x92xi32, #tpu.memory_space<vmem>>) target_semaphore(%run_scoped3A : memref<!tpu.dma_semaphore, #tpu.memory_space<semaphore_mem>>)
          %dma_wait3A_130 = arith.constant 0 : i32
          %dma_wait3A_131 = arith.constant 0 : i32
          %dma_wait3A_132 = tpu.memref_slice %arg4[%add3A_86, %dma_wait3A_130, %dma_wait3A_131] : memref<3488x2x92xi32, #tpu.memory_space<hbm>> -> memref<1x2x92xi32, #tpu.memory_space<hbm>>
          %dma_wait3A_133 = tpu.memref_squeeze %dma_wait3A_132 : memref<1x2x92xi32, #tpu.memory_space<hbm>> -> memref<2x92xi32, #tpu.memory_space<hbm>>
          %dma_wait3A_134 = arith.constant 0 : i32
          %dma_wait3A_135 = arith.constant 0 : i32
          %dma_wait3A_136 = tpu.memref_slice %arg4[%add3A_86, %dma_wait3A_134, %dma_wait3A_135] : memref<3488x2x92xi32, #tpu.memory_space<hbm>> -> memref<1x2x92xi32, #tpu.memory_space<hbm>>
          %dma_wait3A_137 = tpu.memref_squeeze %dma_wait3A_136 : memref<1x2x92xi32, #tpu.memory_space<hbm>> -> memref<2x92xi32, #tpu.memory_space<hbm>>
          tpu.wait_dma2 semaphore(%run_scoped3A : memref<!tpu.dma_semaphore, #tpu.memory_space<semaphore_mem>>) src(%dma_wait3A_137 : memref<2x92xi32, #tpu.memory_space<hbm>>) dst(%arg9 : memref<2x92xi32, #tpu.memory_space<vmem>>)
          tpu.yield
        }) : () -> ()
        %dma_start3A_87 = arith.constant 0 : i32
        %dma_start3A_88 = arith.constant 0 : i32
        %dma_start3A_89 = tpu.memref_slice %arg9[%dma_start3A_87, %dma_start3A_88] : memref<2x92xi32, #tpu.memory_space<vmem>> -> memref<1x92xi32, #tpu.memory_space<vmem>>
        %dma_start3A_90 = tpu.memref_squeeze %dma_start3A_89 : memref<1x92xi32, #tpu.memory_space<vmem>> -> memref<92xi32, #tpu.memory_space<vmem>>
        %dma_start3A_91 = arith.constant 0 : i32
        %dma_start3A_92 = arith.constant 0 : i32
        %dma_start3A_93 = tpu.memref_slice %arg3[%dma_start3A_91, %dma_start3A_92] : memref<10000x160xf32, #tpu.memory_space<hbm>> -> memref<10000x160xf32, #tpu.memory_space<hbm>>
        tpu.enqueue_indirect_dma source(%dma_start3A_93 : memref<10000x160xf32, #tpu.memory_space<hbm>>) target(%arg11 : memref<92x160xf32, #tpu.memory_space<vmem>>) offsets(%dma_start3A_90 : memref<92xi32, #tpu.memory_space<vmem>>) semaphore(%arg14 : memref<!tpu.dma_semaphore, #tpu.memory_space<semaphore_mem>>)
        %dma_wait3A_94 = arith.constant 0 : i32
        %dma_wait3A_95 = arith.constant 0 : i32
        %dma_wait3A_96 = tpu.memref_slice %arg8[%dma_wait3A_94, %dma_wait3A_95] : memref<2x92xi32, #tpu.memory_space<vmem>> -> memref<1x92xi32, #tpu.memory_space<vmem>>
        %dma_wait3A_97 = tpu.memref_squeeze %dma_wait3A_96 : memref<1x92xi32, #tpu.memory_space<vmem>> -> memref<92xi32, #tpu.memory_space<vmem>>
        %dma_wait3A_98 = arith.constant 0 : i32
        %dma_wait3A_99 = arith.constant 0 : i32
        %dma_wait3A_100 = tpu.memref_slice %arg3[%dma_wait3A_98, %dma_wait3A_99] : memref<10000x160xf32, #tpu.memory_space<hbm>> -> memref<10000x160xf32, #tpu.memory_space<hbm>>
        tpu.wait_indirect_dma semaphore(%arg13 : memref<!tpu.dma_semaphore, #tpu.memory_space<semaphore_mem>>) src(%dma_wait3A_100 : memref<10000x160xf32, #tpu.memory_space<hbm>>) dst(%arg10 : memref<92x160xf32, #tpu.memory_space<vmem>>)
        %dma_start3A_101 = arith.constant 1 : i32
        %dma_start3A_102 = arith.constant 0 : i32
        %dma_start3A_103 = tpu.memref_slice %arg8[%dma_start3A_101, %dma_start3A_102] : memref<2x92xi32, #tpu.memory_space<vmem>> -> memref<1x92xi32, #tpu.memory_space<vmem>>
        %dma_start3A_104 = tpu.memref_squeeze %dma_start3A_103 : memref<1x92xi32, #tpu.memory_space<vmem>> -> memref<92xi32, #tpu.memory_space<vmem>>
        %dma_start3A_105 = arith.constant 0 : i32
        %dma_start3A_106 = arith.constant 0 : i32
        %dma_start3A_107 = tpu.memref_slice %arg12[%dma_start3A_105, %dma_start3A_106] : memref<10016x160xf32, #tpu.memory_space<vmem_shared>> -> memref<10016x160xf32, #tpu.memory_space<vmem_shared>>
        tpu.enqueue_indirect_dma source(%arg10 : memref<92x160xf32, #tpu.memory_space<vmem>>) target(%dma_start3A_107 : memref<10016x160xf32, #tpu.memory_space<vmem_shared>>) offsets(%dma_start3A_104 : memref<92xi32, #tpu.memory_space<vmem>>) semaphore(%arg15 : memref<!tpu.dma_semaphore, #tpu.memory_space<semaphore_mem>>) {add = true}
        %dma_wait3A_108 = arith.constant 0 : i32
        %dma_wait3A_109 = arith.constant 0 : i32
        %dma_wait3A_110 = tpu.memref_slice %arg9[%dma_wait3A_108, %dma_wait3A_109] : memref<2x92xi32, #tpu.memory_space<vmem>> -> memref<1x92xi32, #tpu.memory_space<vmem>>
        %dma_wait3A_111 = tpu.memref_squeeze %dma_wait3A_110 : memref<1x92xi32, #tpu.memory_space<vmem>> -> memref<92xi32, #tpu.memory_space<vmem>>
        %dma_wait3A_112 = arith.constant 0 : i32
        %dma_wait3A_113 = arith.constant 0 : i32
        %dma_wait3A_114 = tpu.memref_slice %arg3[%dma_wait3A_112, %dma_wait3A_113] : memref<10000x160xf32, #tpu.memory_space<hbm>> -> memref<10000x160xf32, #tpu.memory_space<hbm>>
        tpu.wait_indirect_dma semaphore(%arg14 : memref<!tpu.dma_semaphore, #tpu.memory_space<semaphore_mem>>) src(%dma_wait3A_114 : memref<10000x160xf32, #tpu.memory_space<hbm>>) dst(%arg11 : memref<92x160xf32, #tpu.memory_space<vmem>>)
        %dma_start3A_115 = arith.constant 1 : i32
        %dma_start3A_116 = arith.constant 0 : i32
        %dma_start3A_117 = tpu.memref_slice %arg9[%dma_start3A_115, %dma_start3A_116] : memref<2x92xi32, #tpu.memory_space<vmem>> -> memref<1x92xi32, #tpu.memory_space<vmem>>
        %dma_start3A_118 = tpu.memref_squeeze %dma_start3A_117 : memref<1x92xi32, #tpu.memory_space<vmem>> -> memref<92xi32, #tpu.memory_space<vmem>>
        %dma_start3A_119 = arith.constant 0 : i32
        %dma_start3A_120 = arith.constant 0 : i32
        %dma_start3A_121 = tpu.memref_slice %arg12[%dma_start3A_119, %dma_start3A_120] : memref<10016x160xf32, #tpu.memory_space<vmem_shared>> -> memref<10016x160xf32, #tpu.memory_space<vmem_shared>>
        tpu.enqueue_indirect_dma source(%arg11 : memref<92x160xf32, #tpu.memory_space<vmem>>) target(%dma_start3A_121 : memref<10016x160xf32, #tpu.memory_space<vmem_shared>>) offsets(%dma_start3A_118 : memref<92xi32, #tpu.memory_space<vmem>>) semaphore(%arg16 : memref<!tpu.dma_semaphore, #tpu.memory_space<semaphore_mem>>) {add = true}
      }
      %scan3A_51 = arith.constant 109 : i32
      %dma_wait3A = arith.constant 1 : i32
      %dma_wait3A_52 = arith.constant 0 : i32
      %dma_wait3A_53 = tpu.memref_slice %arg8[%dma_wait3A, %dma_wait3A_52] : memref<2x92xi32, #tpu.memory_space<vmem>> -> memref<1x92xi32, #tpu.memory_space<vmem>>
      %dma_wait3A_54 = tpu.memref_squeeze %dma_wait3A_53 : memref<1x92xi32, #tpu.memory_space<vmem>> -> memref<92xi32, #tpu.memory_space<vmem>>
      %dma_wait3A_55 = arith.constant 0 : i32
      %dma_wait3A_56 = arith.constant 0 : i32
      %dma_wait3A_57 = tpu.memref_slice %arg12[%dma_wait3A_55, %dma_wait3A_56] : memref<10016x160xf32, #tpu.memory_space<vmem_shared>> -> memref<10016x160xf32, #tpu.memory_space<vmem_shared>>
      tpu.wait_indirect_dma semaphore(%arg15 : memref<!tpu.dma_semaphore, #tpu.memory_space<semaphore_mem>>) src(%arg10 : memref<92x160xf32, #tpu.memory_space<vmem>>) dst(%dma_wait3A_57 : memref<10016x160xf32, #tpu.memory_space<vmem_shared>>)
      %dma_wait3A_58 = arith.constant 1 : i32
      %dma_wait3A_59 = arith.constant 0 : i32
      %dma_wait3A_60 = tpu.memref_slice %arg9[%dma_wait3A_58, %dma_wait3A_59] : memref<2x92xi32, #tpu.memory_space<vmem>> -> memref<1x92xi32, #tpu.memory_space<vmem>>
      %dma_wait3A_61 = tpu.memref_squeeze %dma_wait3A_60 : memref<1x92xi32, #tpu.memory_space<vmem>> -> memref<92xi32, #tpu.memory_space<vmem>>
      %dma_wait3A_62 = arith.constant 0 : i32
      %dma_wait3A_63 = arith.constant 0 : i32
      %dma_wait3A_64 = tpu.memref_slice %arg12[%dma_wait3A_62, %dma_wait3A_63] : memref<10016x160xf32, #tpu.memory_space<vmem_shared>> -> memref<10016x160xf32, #tpu.memory_space<vmem_shared>>
      tpu.wait_indirect_dma semaphore(%arg16 : memref<!tpu.dma_semaphore, #tpu.memory_space<semaphore_mem>>) src(%arg11 : memref<92x160xf32, #tpu.memory_space<vmem>>) dst(%dma_wait3A_64 : memref<10016x160xf32, #tpu.memory_space<vmem_shared>>)
    } else {
    }
    %barrier3A_36 = arith.constant 0 : index
    tpu.barrier barrier_id(%barrier3A_36)
    %eq3A_37 = arith.constant 0 : i32
    %eq3A_38 = arith.cmpi eq, %arg0, %eq3A_37 : i32
    %convert_element_type3A_39 = arith.extui %eq3A_38 : i1 to i32
    %cond3A_40 = arith.constant 0 : i32
    %cond3A_41 = arith.cmpi ne, %convert_element_type3A_39, %cond3A_40 : i32
    scf.if %cond3A_41 {
      %while3A_47 = arith.constant 0 : i32
      %while3A_48 = arith.constant 0 : i32
      %while3A_49 = arith.subi %add3A_18, %while3A_48 : i32
      %while3A_50 = arith.addi %while3A_48, %while3A_49 : i32
      %while3A_51 = arith.constant 1 : i32
      %while3A_52 = arith.divsi %while3A_49, %while3A_51 : i32
      %while3A_53 = arith.muli %while3A_52, %while3A_51 : i32
      %while3A_54 = arith.addi %while3A_48, %while3A_53 : i32
      %while3A_55 = arith.constant 1 : i32
      scf.for %while3A_57 = %while3A_48 to %while3A_54 step %while3A_55  : i32 {
        %mul3A_58 = arith.constant 16 : i32
        %mul3A_59 = arith.muli %while3A_57, %mul3A_58 : i32
        %add3A_60 = arith.addi %arg1, %mul3A_59 : i32
        %mul3A_61 = arith.constant 400 : i32
        %mul3A_62 = arith.muli %add3A_60, %mul3A_61 : i32
        "tpu.region"() ({
          %run_scoped3A = tpu.sem_alloc : memref<!tpu.dma_semaphore, #tpu.memory_space<semaphore_mem>>
          %dma_start3A = arith.constant 0 : i32
          %dma_start3A_63 = tpu.memref_slice %arg6[%mul3A_62, %dma_start3A] : memref<10000x160xf32, #tpu.memory_space<hbm>> -> memref<400x160xf32, #tpu.memory_space<hbm>>
          %dma_start3A_64 = arith.constant 0 : i32
          %dma_start3A_65 = tpu.memref_slice %arg12[%mul3A_62, %dma_start3A_64] : memref<10016x160xf32, #tpu.memory_space<vmem_shared>> -> memref<400x160xf32, #tpu.memory_space<vmem_shared>>
          tpu.enqueue_dma source(%dma_start3A_65 : memref<400x160xf32, #tpu.memory_space<vmem_shared>>) target(%dma_start3A_63 : memref<400x160xf32, #tpu.memory_space<hbm>>) target_semaphore(%run_scoped3A : memref<!tpu.dma_semaphore, #tpu.memory_space<semaphore_mem>>)
          %dma_wait3A = arith.constant 0 : i32
          %dma_wait3A_66 = tpu.memref_slice %arg6[%mul3A_62, %dma_wait3A] : memref<10000x160xf32, #tpu.memory_space<hbm>> -> memref<400x160xf32, #tpu.memory_space<hbm>>
          %dma_wait3A_67 = arith.constant 0 : i32
          %dma_wait3A_68 = tpu.memref_slice %arg12[%mul3A_62, %dma_wait3A_67] : memref<10016x160xf32, #tpu.memory_space<vmem_shared>> -> memref<400x160xf32, #tpu.memory_space<vmem_shared>>
          tpu.wait_dma2 semaphore(%run_scoped3A : memref<!tpu.dma_semaphore, #tpu.memory_space<semaphore_mem>>) src(%dma_wait3A_68 : memref<400x160xf32, #tpu.memory_space<vmem_shared>>) dst(%dma_wait3A_66 : memref<400x160xf32, #tpu.memory_space<hbm>>)
          tpu.yield
        }) : () -> ()
      }
      %while3A_56 = arith.constant 1 : i32
      scf.for %while3A_57 = %while3A_54 to %while3A_50 step %while3A_56  : i32 {
        %mul3A_58 = arith.constant 16 : i32
        %mul3A_59 = arith.muli %while3A_57, %mul3A_58 : i32
        %add3A_60 = arith.addi %arg1, %mul3A_59 : i32
        %mul3A_61 = arith.constant 400 : i32
        %mul3A_62 = arith.muli %add3A_60, %mul3A_61 : i32
        "tpu.region"() ({
          %run_scoped3A = tpu.sem_alloc : memref<!tpu.dma_semaphore, #tpu.memory_space<semaphore_mem>>
          %dma_start3A = arith.constant 0 : i32
          %dma_start3A_63 = tpu.memref_slice %arg6[%mul3A_62, %dma_start3A] : memref<10000x160xf32, #tpu.memory_space<hbm>> -> memref<400x160xf32, #tpu.memory_space<hbm>>
          %dma_start3A_64 = arith.constant 0 : i32
          %dma_start3A_65 = tpu.memref_slice %arg12[%mul3A_62, %dma_start3A_64] : memref<10016x160xf32, #tpu.memory_space<vmem_shared>> -> memref<400x160xf32, #tpu.memory_space<vmem_shared>>
          tpu.enqueue_dma source(%dma_start3A_65 : memref<400x160xf32, #tpu.memory_space<vmem_shared>>) target(%dma_start3A_63 : memref<400x160xf32, #tpu.memory_space<hbm>>) target_semaphore(%run_scoped3A : memref<!tpu.dma_semaphore, #tpu.memory_space<semaphore_mem>>)
          %dma_wait3A = arith.constant 0 : i32
          %dma_wait3A_66 = tpu.memref_slice %arg6[%mul3A_62, %dma_wait3A] : memref<10000x160xf32, #tpu.memory_space<hbm>> -> memref<400x160xf32, #tpu.memory_space<hbm>>
          %dma_wait3A_67 = arith.constant 0 : i32
          %dma_wait3A_68 = tpu.memref_slice %arg12[%mul3A_62, %dma_wait3A_67] : memref<10016x160xf32, #tpu.memory_space<vmem_shared>> -> memref<400x160xf32, #tpu.memory_space<vmem_shared>>
          tpu.wait_dma2 semaphore(%run_scoped3A : memref<!tpu.dma_semaphore, #tpu.memory_space<semaphore_mem>>) src(%dma_wait3A_68 : memref<400x160xf32, #tpu.memory_space<vmem_shared>>) dst(%dma_wait3A_66 : memref<400x160xf32, #tpu.memory_space<hbm>>)
          tpu.yield
        }) : () -> ()
      }
    } else {
    }
    %eq3A_42 = arith.constant 1 : i32
    %eq3A_43 = arith.cmpi eq, %arg0, %eq3A_42 : i32
    %convert_element_type3A_44 = arith.extui %eq3A_43 : i1 to i32
    %cond3A_45 = arith.constant 0 : i32
    %cond3A_46 = arith.cmpi ne, %convert_element_type3A_44, %cond3A_45 : i32
    scf.if %cond3A_46 {
      %while3A_47 = arith.constant 0 : i32
      %while3A_48 = arith.constant 0 : i32
      %while3A_49 = arith.subi %add3A_18, %while3A_48 : i32
      %while3A_50 = arith.addi %while3A_48, %while3A_49 : i32
      %while3A_51 = arith.constant 1 : i32
      %while3A_52 = arith.divsi %while3A_49, %while3A_51 : i32
      %while3A_53 = arith.muli %while3A_52, %while3A_51 : i32
      %while3A_54 = arith.addi %while3A_48, %while3A_53 : i32
      %while3A_55 = arith.constant 1 : i32
      scf.for %while3A_57 = %while3A_48 to %while3A_54 step %while3A_55  : i32 {
        %mul3A_58 = arith.constant 16 : i32
        %mul3A_59 = arith.muli %while3A_57, %mul3A_58 : i32
        %add3A_60 = arith.addi %arg1, %mul3A_59 : i32
        %mul3A_61 = arith.constant 400 : i32
        %mul3A_62 = arith.muli %add3A_60, %mul3A_61 : i32
        "tpu.region"() ({
          %run_scoped3A = tpu.sem_alloc : memref<!tpu.dma_semaphore, #tpu.memory_space<semaphore_mem>>
          %dma_start3A = arith.constant 0 : i32
          %dma_start3A_63 = tpu.memref_slice %arg7[%mul3A_62, %dma_start3A] : memref<10000x160xf32, #tpu.memory_space<hbm>> -> memref<400x160xf32, #tpu.memory_space<hbm>>
          %dma_start3A_64 = arith.constant 0 : i32
          %dma_start3A_65 = tpu.memref_slice %arg12[%mul3A_62, %dma_start3A_64] : memref<10016x160xf32, #tpu.memory_space<vmem_shared>> -> memref<400x160xf32, #tpu.memory_space<vmem_shared>>
          tpu.enqueue_dma source(%dma_start3A_65 : memref<400x160xf32, #tpu.memory_space<vmem_shared>>) target(%dma_start3A_63 : memref<400x160xf32, #tpu.memory_space<hbm>>) target_semaphore(%run_scoped3A : memref<!tpu.dma_semaphore, #tpu.memory_space<semaphore_mem>>)
          %dma_wait3A = arith.constant 0 : i32
          %dma_wait3A_66 = tpu.memref_slice %arg7[%mul3A_62, %dma_wait3A] : memref<10000x160xf32, #tpu.memory_space<hbm>> -> memref<400x160xf32, #tpu.memory_space<hbm>>
          %dma_wait3A_67 = arith.constant 0 : i32
          %dma_wait3A_68 = tpu.memref_slice %arg12[%mul3A_62, %dma_wait3A_67] : memref<10016x160xf32, #tpu.memory_space<vmem_shared>> -> memref<400x160xf32, #tpu.memory_space<vmem_shared>>
          tpu.wait_dma2 semaphore(%run_scoped3A : memref<!tpu.dma_semaphore, #tpu.memory_space<semaphore_mem>>) src(%dma_wait3A_68 : memref<400x160xf32, #tpu.memory_space<vmem_shared>>) dst(%dma_wait3A_66 : memref<400x160xf32, #tpu.memory_space<hbm>>)
          tpu.yield
        }) : () -> ()
      }
      %while3A_56 = arith.constant 1 : i32
      scf.for %while3A_57 = %while3A_54 to %while3A_50 step %while3A_56  : i32 {
        %mul3A_58 = arith.constant 16 : i32
        %mul3A_59 = arith.muli %while3A_57, %mul3A_58 : i32
        %add3A_60 = arith.addi %arg1, %mul3A_59 : i32
        %mul3A_61 = arith.constant 400 : i32
        %mul3A_62 = arith.muli %add3A_60, %mul3A_61 : i32
        "tpu.region"() ({
          %run_scoped3A = tpu.sem_alloc : memref<!tpu.dma_semaphore, #tpu.memory_space<semaphore_mem>>
          %dma_start3A = arith.constant 0 : i32
          %dma_start3A_63 = tpu.memref_slice %arg7[%mul3A_62, %dma_start3A] : memref<10000x160xf32, #tpu.memory_space<hbm>> -> memref<400x160xf32, #tpu.memory_space<hbm>>
          %dma_start3A_64 = arith.constant 0 : i32
          %dma_start3A_65 = tpu.memref_slice %arg12[%mul3A_62, %dma_start3A_64] : memref<10016x160xf32, #tpu.memory_space<vmem_shared>> -> memref<400x160xf32, #tpu.memory_space<vmem_shared>>
          tpu.enqueue_dma source(%dma_start3A_65 : memref<400x160xf32, #tpu.memory_space<vmem_shared>>) target(%dma_start3A_63 : memref<400x160xf32, #tpu.memory_space<hbm>>) target_semaphore(%run_scoped3A : memref<!tpu.dma_semaphore, #tpu.memory_space<semaphore_mem>>)
          %dma_wait3A = arith.constant 0 : i32
          %dma_wait3A_66 = tpu.memref_slice %arg7[%mul3A_62, %dma_wait3A] : memref<10000x160xf32, #tpu.memory_space<hbm>> -> memref<400x160xf32, #tpu.memory_space<hbm>>
          %dma_wait3A_67 = arith.constant 0 : i32
          %dma_wait3A_68 = tpu.memref_slice %arg12[%mul3A_62, %dma_wait3A_67] : memref<10016x160xf32, #tpu.memory_space<vmem_shared>> -> memref<400x160xf32, #tpu.memory_space<vmem_shared>>
          tpu.wait_dma2 semaphore(%run_scoped3A : memref<!tpu.dma_semaphore, #tpu.memory_space<semaphore_mem>>) src(%dma_wait3A_68 : memref<400x160xf32, #tpu.memory_space<vmem_shared>>) dst(%dma_wait3A_66 : memref<400x160xf32, #tpu.memory_space<hbm>>)
          tpu.yield
        }) : () -> ()
      }
    } else {
    }
    return
  }
}

module attributes {stable_mosaic.version = 14 : i64} {
  func.func @_lift_msg_body(%arg0: i32, %arg1: memref<10000x10xf32, #tpu.memory_space<vmem>>, %arg2: memref<10x300xf32, #tpu.memory_space<vmem>>, %arg3: memref<1x300xf32, #tpu.memory_space<vmem>>, %arg4: memref<300x160xf32, #tpu.memory_space<vmem>>, %arg5: memref<1x160xf32, #tpu.memory_space<vmem>>, %arg6: memref<300x160xf32, #tpu.memory_space<vmem>>, %arg7: memref<1x160xf32, #tpu.memory_space<vmem>>, %arg8: memref<2000x160xf32, #tpu.memory_space<vmem>>, %arg9: memref<2000x160xf32, #tpu.memory_space<vmem>>) attributes {dimension_semantics = [#tpu.dimension_semantics<arbitrary>], iteration_bounds = array<i64: 5>, scalar_prefetch = 0 : i64, scratch_operands = 0 : i64, tpu.core_type = #tpu.core_type<tc>, window_params = [{pipeline_mode = #tpu.pipeline_mode<synchronous>, transform_indices = @transform_0, window_bounds = array<i64: 10000, 10>}, {pipeline_mode = #tpu.pipeline_mode<synchronous>, transform_indices = @transform_1, window_bounds = array<i64: 10, 300>}, {pipeline_mode = #tpu.pipeline_mode<synchronous>, transform_indices = @transform_2, window_bounds = array<i64: 1, 300>}, {pipeline_mode = #tpu.pipeline_mode<synchronous>, transform_indices = @transform_3, window_bounds = array<i64: 300, 160>}, {pipeline_mode = #tpu.pipeline_mode<synchronous>, transform_indices = @transform_4, window_bounds = array<i64: 1, 160>}, {pipeline_mode = #tpu.pipeline_mode<synchronous>, transform_indices = @transform_5, window_bounds = array<i64: 300, 160>}, {pipeline_mode = #tpu.pipeline_mode<synchronous>, transform_indices = @transform_6, window_bounds = array<i64: 1, 160>}, {transform_indices = @transform_7, window_bounds = array<i64: 2000, 160>}, {transform_indices = @transform_8, window_bounds = array<i64: 2000, 160>}]} {
    %mul3A = arith.constant 2000 : i32
    %mul3A_0 = arith.muli %arg0, %mul3A : i32
    %get3A = arith.index_cast %mul3A_0 : i32 to index
    %get3A_1 = arith.constant 0 : index
    %get3A_2 = vector.load %arg1[%get3A, %get3A_1] : memref<10000x10xf32, #tpu.memory_space<vmem>>, vector<2000x10xf32>
    %get3A_3 = arith.constant 0 : index
    %get3A_4 = arith.constant 0 : index
    %get3A_5 = vector.load %arg2[%get3A_3, %get3A_4] : memref<10x300xf32, #tpu.memory_space<vmem>>, vector<10x300xf32>
    %dot_general3A = arith.constant dense<0.000000e+00> : vector<2000x300xf32>
    %dot_general3A_6 = tpu.matmul %get3A_2, %get3A_5, %dot_general3A {dimension_numbers = #tpu.dot_dimension_numbers<[1], [0], [0], [1], [0, 0, 1, 1], [], []>, transpose_lhs_hint = false} : vector<2000x10xf32>, vector<10x300xf32>, vector<2000x300xf32> -> vector<2000x300xf32>
    %get3A_7 = arith.constant 0 : index
    %get3A_8 = arith.constant 0 : index
    %get3A_9 = vector.load %arg3[%get3A_7, %get3A_8] : memref<1x300xf32, #tpu.memory_space<vmem>>, vector<1x300xf32>
    %add3A = vector.broadcast %get3A_9 : vector<1x300xf32> to vector<2000x300xf32>
    %add3A_10 = arith.addf %dot_general3A_6, %add3A : vector<2000x300xf32>
    %get3A_11 = arith.constant 0 : index
    %get3A_12 = arith.constant 0 : index
    %get3A_13 = vector.load %arg4[%get3A_11, %get3A_12] : memref<300x160xf32, #tpu.memory_space<vmem>>, vector<300x160xf32>
    %dot_general3A_14 = arith.constant dense<0.000000e+00> : vector<2000x160xf32>
    %dot_general3A_15 = tpu.matmul %add3A_10, %get3A_13, %dot_general3A_14 {dimension_numbers = #tpu.dot_dimension_numbers<[1], [0], [0], [1], [0, 0, 1, 1], [], []>, transpose_lhs_hint = false} : vector<2000x300xf32>, vector<300x160xf32>, vector<2000x160xf32> -> vector<2000x160xf32>
    %get3A_16 = arith.constant 0 : index
    %get3A_17 = arith.constant 0 : index
    %get3A_18 = vector.load %arg5[%get3A_16, %get3A_17] : memref<1x160xf32, #tpu.memory_space<vmem>>, vector<1x160xf32>
    %add3A_19 = vector.broadcast %get3A_18 : vector<1x160xf32> to vector<2000x160xf32>
    %add3A_20 = arith.addf %dot_general3A_15, %add3A_19 : vector<2000x160xf32>
    %get3A_21 = arith.constant 0 : index
    %get3A_22 = arith.constant 0 : index
    %get3A_23 = vector.load %arg6[%get3A_21, %get3A_22] : memref<300x160xf32, #tpu.memory_space<vmem>>, vector<300x160xf32>
    %dot_general3A_24 = arith.constant dense<0.000000e+00> : vector<2000x160xf32>
    %dot_general3A_25 = tpu.matmul %add3A_10, %get3A_23, %dot_general3A_24 {dimension_numbers = #tpu.dot_dimension_numbers<[1], [0], [0], [1], [0, 0, 1, 1], [], []>, transpose_lhs_hint = false} : vector<2000x300xf32>, vector<300x160xf32>, vector<2000x160xf32> -> vector<2000x160xf32>
    %get3A_26 = arith.constant 0 : index
    %get3A_27 = arith.constant 0 : index
    %get3A_28 = vector.load %arg7[%get3A_26, %get3A_27] : memref<1x160xf32, #tpu.memory_space<vmem>>, vector<1x160xf32>
    %add3A_29 = vector.broadcast %get3A_28 : vector<1x160xf32> to vector<2000x160xf32>
    %add3A_30 = arith.addf %dot_general3A_25, %add3A_29 : vector<2000x160xf32>
    %max3A = arith.constant 0.000000e+00 : f32
    %max3A_31 = vector.broadcast %max3A : f32 to vector<2000x160xf32>
    %max3A_32 = arith.maximumf %add3A_20, %max3A_31 : vector<2000x160xf32>
    %swap3A = arith.constant 0 : index
    %swap3A_33 = arith.constant 0 : index
    %swap3A_34 = vector.load %arg8[%swap3A, %swap3A_33] : memref<2000x160xf32, #tpu.memory_space<vmem>>, vector<2000x160xf32>
    tpu.vector_store %arg8[%swap3A, %swap3A_33], %max3A_32 {strides = array<i32>} : memref<2000x160xf32, #tpu.memory_space<vmem>>, vector<2000x160xf32>,
    %max3A_35 = arith.constant 0.000000e+00 : f32
    %max3A_36 = vector.broadcast %max3A_35 : f32 to vector<2000x160xf32>
    %max3A_37 = arith.maximumf %add3A_30, %max3A_36 : vector<2000x160xf32>
    %swap3A_38 = arith.constant 0 : index
    %swap3A_39 = arith.constant 0 : index
    %swap3A_40 = vector.load %arg9[%swap3A_38, %swap3A_39] : memref<2000x160xf32, #tpu.memory_space<vmem>>, vector<2000x160xf32>
    tpu.vector_store %arg9[%swap3A_38, %swap3A_39], %max3A_37 {strides = array<i32>} : memref<2000x160xf32, #tpu.memory_space<vmem>>, vector<2000x160xf32>,
    return
  }
  func.func @transform_0(%arg0: i32) -> (i32, i32) {
    %c0_i32 = arith.constant 0 : i32
    %c0_i32_0 = arith.constant 0 : i32
    %c0_i32_1 = arith.constant 0 : i32
    return %c0_i32, %c0_i32_0 : i32, i32
  }
  func.func @transform_1(%arg0: i32) -> (i32, i32) {
    %c0_i32 = arith.constant 0 : i32
    %c0_i32_0 = arith.constant 0 : i32
    %c0_i32_1 = arith.constant 0 : i32
    return %c0_i32, %c0_i32_0 : i32, i32
  }
  func.func @transform_2(%arg0: i32) -> (i32, i32) {
    %c0_i32 = arith.constant 0 : i32
    %c0_i32_0 = arith.constant 0 : i32
    %c0_i32_1 = arith.constant 0 : i32
    return %c0_i32, %c0_i32_0 : i32, i32
  }
  func.func @transform_3(%arg0: i32) -> (i32, i32) {
    %c0_i32 = arith.constant 0 : i32
    %c0_i32_0 = arith.constant 0 : i32
    %c0_i32_1 = arith.constant 0 : i32
    return %c0_i32, %c0_i32_0 : i32, i32
  }
  func.func @transform_4(%arg0: i32) -> (i32, i32) {
    %c0_i32 = arith.constant 0 : i32
    %c0_i32_0 = arith.constant 0 : i32
    %c0_i32_1 = arith.constant 0 : i32
    return %c0_i32, %c0_i32_0 : i32, i32
  }
  func.func @transform_5(%arg0: i32) -> (i32, i32) {
    %c0_i32 = arith.constant 0 : i32
    %c0_i32_0 = arith.constant 0 : i32
    %c0_i32_1 = arith.constant 0 : i32
    return %c0_i32, %c0_i32_0 : i32, i32
  }
  func.func @transform_6(%arg0: i32) -> (i32, i32) {
    %c0_i32 = arith.constant 0 : i32
    %c0_i32_0 = arith.constant 0 : i32
    %c0_i32_1 = arith.constant 0 : i32
    return %c0_i32, %c0_i32_0 : i32, i32
  }
  func.func @transform_7(%arg0: i32) -> (i32, i32) {
    %c0_i32 = arith.constant 0 : i32
    %c0_i32_0 = arith.constant 0 : i32
    return %arg0, %c0_i32 : i32, i32
  }
  func.func @transform_8(%arg0: i32) -> (i32, i32) {
    %c0_i32 = arith.constant 0 : i32
    %c0_i32_0 = arith.constant 0 : i32
    return %arg0, %c0_i32 : i32, i32
  }
}

module attributes {stable_mosaic.version = 14 : i64} {
  func.func @_mid_body(%arg0: i32, %arg1: memref<2000x160xf32, #tpu.memory_space<vmem>>, %arg2: memref<2000x160xf32, #tpu.memory_space<vmem>>, %arg3: memref<160x300xf32, #tpu.memory_space<vmem>>, %arg4: memref<160x300xf32, #tpu.memory_space<vmem>>, %arg5: memref<1x300xf32, #tpu.memory_space<vmem>>, %arg6: memref<300x160xf32, #tpu.memory_space<vmem>>, %arg7: memref<1x160xf32, #tpu.memory_space<vmem>>, %arg8: memref<300x160xf32, #tpu.memory_space<vmem>>, %arg9: memref<1x160xf32, #tpu.memory_space<vmem>>, %arg10: memref<2000x160xf32, #tpu.memory_space<vmem>>, %arg11: memref<2000x160xf32, #tpu.memory_space<vmem>>) attributes {dimension_semantics = [#tpu.dimension_semantics<arbitrary>], iteration_bounds = array<i64: 5>, scalar_prefetch = 0 : i64, scratch_operands = 0 : i64, tpu.core_type = #tpu.core_type<tc>, window_params = [{transform_indices = @transform_0, window_bounds = array<i64: 2000, 160>}, {transform_indices = @transform_1, window_bounds = array<i64: 2000, 160>}, {pipeline_mode = #tpu.pipeline_mode<synchronous>, transform_indices = @transform_2, window_bounds = array<i64: 160, 300>}, {pipeline_mode = #tpu.pipeline_mode<synchronous>, transform_indices = @transform_3, window_bounds = array<i64: 160, 300>}, {pipeline_mode = #tpu.pipeline_mode<synchronous>, transform_indices = @transform_4, window_bounds = array<i64: 1, 300>}, {pipeline_mode = #tpu.pipeline_mode<synchronous>, transform_indices = @transform_5, window_bounds = array<i64: 300, 160>}, {pipeline_mode = #tpu.pipeline_mode<synchronous>, transform_indices = @transform_6, window_bounds = array<i64: 1, 160>}, {pipeline_mode = #tpu.pipeline_mode<synchronous>, transform_indices = @transform_7, window_bounds = array<i64: 300, 160>}, {pipeline_mode = #tpu.pipeline_mode<synchronous>, transform_indices = @transform_8, window_bounds = array<i64: 1, 160>}, {transform_indices = @transform_9, window_bounds = array<i64: 2000, 160>}, {transform_indices = @transform_10, window_bounds = array<i64: 2000, 160>}]} {
    %get3A = arith.constant 0 : index
    %get3A_0 = arith.constant 0 : index
    %get3A_1 = vector.load %arg1[%get3A, %get3A_0] : memref<2000x160xf32, #tpu.memory_space<vmem>>, vector<2000x160xf32>
    %get3A_2 = arith.constant 0 : index
    %get3A_3 = arith.constant 0 : index
    %get3A_4 = vector.load %arg3[%get3A_2, %get3A_3] : memref<160x300xf32, #tpu.memory_space<vmem>>, vector<160x300xf32>
    %dot_general3A = arith.constant dense<0.000000e+00> : vector<2000x300xf32>
    %dot_general3A_5 = tpu.matmul %get3A_1, %get3A_4, %dot_general3A {dimension_numbers = #tpu.dot_dimension_numbers<[1], [0], [0], [1], [0, 0, 1, 1], [], []>, transpose_lhs_hint = false} : vector<2000x160xf32>, vector<160x300xf32>, vector<2000x300xf32> -> vector<2000x300xf32>
    %get3A_6 = arith.constant 0 : index
    %get3A_7 = arith.constant 0 : index
    %get3A_8 = vector.load %arg2[%get3A_6, %get3A_7] : memref<2000x160xf32, #tpu.memory_space<vmem>>, vector<2000x160xf32>
    %get3A_9 = arith.constant 0 : index
    %get3A_10 = arith.constant 0 : index
    %get3A_11 = vector.load %arg4[%get3A_9, %get3A_10] : memref<160x300xf32, #tpu.memory_space<vmem>>, vector<160x300xf32>
    %dot_general3A_12 = arith.constant dense<0.000000e+00> : vector<2000x300xf32>
    %dot_general3A_13 = tpu.matmul %get3A_8, %get3A_11, %dot_general3A_12 {dimension_numbers = #tpu.dot_dimension_numbers<[1], [0], [0], [1], [0, 0, 1, 1], [], []>, transpose_lhs_hint = false} : vector<2000x160xf32>, vector<160x300xf32>, vector<2000x300xf32> -> vector<2000x300xf32>
    %add3A = arith.addf %dot_general3A_5, %dot_general3A_13 : vector<2000x300xf32>
    %get3A_14 = arith.constant 0 : index
    %get3A_15 = arith.constant 0 : index
    %get3A_16 = vector.load %arg5[%get3A_14, %get3A_15] : memref<1x300xf32, #tpu.memory_space<vmem>>, vector<1x300xf32>
    %add3A_17 = vector.broadcast %get3A_16 : vector<1x300xf32> to vector<2000x300xf32>
    %add3A_18 = arith.addf %add3A, %add3A_17 : vector<2000x300xf32>
    %max3A = arith.constant 0.000000e+00 : f32
    %max3A_19 = vector.broadcast %max3A : f32 to vector<2000x300xf32>
    %max3A_20 = arith.maximumf %add3A_18, %max3A_19 : vector<2000x300xf32>
    %get3A_21 = arith.constant 0 : index
    %get3A_22 = arith.constant 0 : index
    %get3A_23 = vector.load %arg6[%get3A_21, %get3A_22] : memref<300x160xf32, #tpu.memory_space<vmem>>, vector<300x160xf32>
    %dot_general3A_24 = arith.constant dense<0.000000e+00> : vector<2000x160xf32>
    %dot_general3A_25 = tpu.matmul %max3A_20, %get3A_23, %dot_general3A_24 {dimension_numbers = #tpu.dot_dimension_numbers<[1], [0], [0], [1], [0, 0, 1, 1], [], []>, transpose_lhs_hint = false} : vector<2000x300xf32>, vector<300x160xf32>, vector<2000x160xf32> -> vector<2000x160xf32>
    %get3A_26 = arith.constant 0 : index
    %get3A_27 = arith.constant 0 : index
    %get3A_28 = vector.load %arg7[%get3A_26, %get3A_27] : memref<1x160xf32, #tpu.memory_space<vmem>>, vector<1x160xf32>
    %add3A_29 = vector.broadcast %get3A_28 : vector<1x160xf32> to vector<2000x160xf32>
    %add3A_30 = arith.addf %dot_general3A_25, %add3A_29 : vector<2000x160xf32>
    %get3A_31 = arith.constant 0 : index
    %get3A_32 = arith.constant 0 : index
    %get3A_33 = vector.load %arg8[%get3A_31, %get3A_32] : memref<300x160xf32, #tpu.memory_space<vmem>>, vector<300x160xf32>
    %dot_general3A_34 = arith.constant dense<0.000000e+00> : vector<2000x160xf32>
    %dot_general3A_35 = tpu.matmul %max3A_20, %get3A_33, %dot_general3A_34 {dimension_numbers = #tpu.dot_dimension_numbers<[1], [0], [0], [1], [0, 0, 1, 1], [], []>, transpose_lhs_hint = false} : vector<2000x300xf32>, vector<300x160xf32>, vector<2000x160xf32> -> vector<2000x160xf32>
    %get3A_36 = arith.constant 0 : index
    %get3A_37 = arith.constant 0 : index
    %get3A_38 = vector.load %arg9[%get3A_36, %get3A_37] : memref<1x160xf32, #tpu.memory_space<vmem>>, vector<1x160xf32>
    %add3A_39 = vector.broadcast %get3A_38 : vector<1x160xf32> to vector<2000x160xf32>
    %add3A_40 = arith.addf %dot_general3A_35, %add3A_39 : vector<2000x160xf32>
    %max3A_41 = arith.constant 0.000000e+00 : f32
    %max3A_42 = vector.broadcast %max3A_41 : f32 to vector<2000x160xf32>
    %max3A_43 = arith.maximumf %add3A_30, %max3A_42 : vector<2000x160xf32>
    %swap3A = arith.constant 0 : index
    %swap3A_44 = arith.constant 0 : index
    %swap3A_45 = vector.load %arg10[%swap3A, %swap3A_44] : memref<2000x160xf32, #tpu.memory_space<vmem>>, vector<2000x160xf32>
    tpu.vector_store %arg10[%swap3A, %swap3A_44], %max3A_43 {strides = array<i32>} : memref<2000x160xf32, #tpu.memory_space<vmem>>, vector<2000x160xf32>,
    %max3A_46 = arith.constant 0.000000e+00 : f32
    %max3A_47 = vector.broadcast %max3A_46 : f32 to vector<2000x160xf32>
    %max3A_48 = arith.maximumf %add3A_40, %max3A_47 : vector<2000x160xf32>
    %swap3A_49 = arith.constant 0 : index
    %swap3A_50 = arith.constant 0 : index
    %swap3A_51 = vector.load %arg11[%swap3A_49, %swap3A_50] : memref<2000x160xf32, #tpu.memory_space<vmem>>, vector<2000x160xf32>
    tpu.vector_store %arg11[%swap3A_49, %swap3A_50], %max3A_48 {strides = array<i32>} : memref<2000x160xf32, #tpu.memory_space<vmem>>, vector<2000x160xf32>,
    return
  }
  func.func @transform_0(%arg0: i32) -> (i32, i32) {
    %c0_i32 = arith.constant 0 : i32
    %c0_i32_0 = arith.constant 0 : i32
    return %arg0, %c0_i32 : i32, i32
  }
  func.func @transform_1(%arg0: i32) -> (i32, i32) {
    %c0_i32 = arith.constant 0 : i32
    %c0_i32_0 = arith.constant 0 : i32
    return %arg0, %c0_i32 : i32, i32
  }
  func.func @transform_2(%arg0: i32) -> (i32, i32) {
    %c0_i32 = arith.constant 0 : i32
    %c0_i32_0 = arith.constant 0 : i32
    %c0_i32_1 = arith.constant 0 : i32
    return %c0_i32, %c0_i32_0 : i32, i32
  }
  func.func @transform_3(%arg0: i32) -> (i32, i32) {
    %c0_i32 = arith.constant 0 : i32
    %c0_i32_0 = arith.constant 0 : i32
    %c0_i32_1 = arith.constant 0 : i32
    return %c0_i32, %c0_i32_0 : i32, i32
  }
  func.func @transform_4(%arg0: i32) -> (i32, i32) {
    %c0_i32 = arith.constant 0 : i32
    %c0_i32_0 = arith.constant 0 : i32
    %c0_i32_1 = arith.constant 0 : i32
    return %c0_i32, %c0_i32_0 : i32, i32
  }
  func.func @transform_5(%arg0: i32) -> (i32, i32) {
    %c0_i32 = arith.constant 0 : i32
    %c0_i32_0 = arith.constant 0 : i32
    %c0_i32_1 = arith.constant 0 : i32
    return %c0_i32, %c0_i32_0 : i32, i32
  }
  func.func @transform_6(%arg0: i32) -> (i32, i32) {
    %c0_i32 = arith.constant 0 : i32
    %c0_i32_0 = arith.constant 0 : i32
    %c0_i32_1 = arith.constant 0 : i32
    return %c0_i32, %c0_i32_0 : i32, i32
  }
  func.func @transform_7(%arg0: i32) -> (i32, i32) {
    %c0_i32 = arith.constant 0 : i32
    %c0_i32_0 = arith.constant 0 : i32
    %c0_i32_1 = arith.constant 0 : i32
    return %c0_i32, %c0_i32_0 : i32, i32
  }
  func.func @transform_8(%arg0: i32) -> (i32, i32) {
    %c0_i32 = arith.constant 0 : i32
    %c0_i32_0 = arith.constant 0 : i32
    %c0_i32_1 = arith.constant 0 : i32
    return %c0_i32, %c0_i32_0 : i32, i32
  }
  func.func @transform_9(%arg0: i32) -> (i32, i32) {
    %c0_i32 = arith.constant 0 : i32
    %c0_i32_0 = arith.constant 0 : i32
    return %arg0, %c0_i32 : i32, i32
  }
  func.func @transform_10(%arg0: i32) -> (i32, i32) {
    %c0_i32 = arith.constant 0 : i32
    %c0_i32_0 = arith.constant 0 : i32
    return %arg0, %c0_i32 : i32, i32
  }
}

module attributes {stable_mosaic.version = 14 : i64} {
  func.func @_readout_body(%arg0: i32, %arg1: memref<2000x160xf32, #tpu.memory_space<vmem>>, %arg2: memref<2000x160xf32, #tpu.memory_space<vmem>>, %arg3: memref<160x300xf32, #tpu.memory_space<vmem>>, %arg4: memref<160x300xf32, #tpu.memory_space<vmem>>, %arg5: memref<1x300xf32, #tpu.memory_space<vmem>>, %arg6: memref<300x31xf32, #tpu.memory_space<vmem>>, %arg7: memref<1x31xf32, #tpu.memory_space<vmem>>, %arg8: memref<10000x1xi32, #tpu.memory_space<vmem>>, %arg9: memref<10x31xf32, #tpu.memory_space<vmem>>) attributes {dimension_semantics = [#tpu.dimension_semantics<arbitrary>], iteration_bounds = array<i64: 5>, scalar_prefetch = 0 : i64, scratch_operands = 0 : i64, tpu.core_type = #tpu.core_type<tc>, window_params = [{transform_indices = @transform_0, window_bounds = array<i64: 2000, 160>}, {transform_indices = @transform_1, window_bounds = array<i64: 2000, 160>}, {pipeline_mode = #tpu.pipeline_mode<synchronous>, transform_indices = @transform_2, window_bounds = array<i64: 160, 300>}, {pipeline_mode = #tpu.pipeline_mode<synchronous>, transform_indices = @transform_3, window_bounds = array<i64: 160, 300>}, {pipeline_mode = #tpu.pipeline_mode<synchronous>, transform_indices = @transform_4, window_bounds = array<i64: 1, 300>}, {pipeline_mode = #tpu.pipeline_mode<synchronous>, transform_indices = @transform_5, window_bounds = array<i64: 300, 31>}, {pipeline_mode = #tpu.pipeline_mode<synchronous>, transform_indices = @transform_6, window_bounds = array<i64: 1, 31>}, {pipeline_mode = #tpu.pipeline_mode<synchronous>, transform_indices = @transform_7, window_bounds = array<i64: 10000, 1>}, {pipeline_mode = #tpu.pipeline_mode<synchronous>, transform_indices = @transform_8, window_bounds = array<i64: 10, 31>}]} {
    %get3A = arith.constant 0 : index
    %get3A_0 = arith.constant 0 : index
    %get3A_1 = vector.load %arg1[%get3A, %get3A_0] : memref<2000x160xf32, #tpu.memory_space<vmem>>, vector<2000x160xf32>
    %get3A_2 = arith.constant 0 : index
    %get3A_3 = arith.constant 0 : index
    %get3A_4 = vector.load %arg3[%get3A_2, %get3A_3] : memref<160x300xf32, #tpu.memory_space<vmem>>, vector<160x300xf32>
    %dot_general3A = arith.constant dense<0.000000e+00> : vector<2000x300xf32>
    %dot_general3A_5 = tpu.matmul %get3A_1, %get3A_4, %dot_general3A {dimension_numbers = #tpu.dot_dimension_numbers<[1], [0], [0], [1], [0, 0, 1, 1], [], []>, transpose_lhs_hint = false} : vector<2000x160xf32>, vector<160x300xf32>, vector<2000x300xf32> -> vector<2000x300xf32>
    %get3A_6 = arith.constant 0 : index
    %get3A_7 = arith.constant 0 : index
    %get3A_8 = vector.load %arg2[%get3A_6, %get3A_7] : memref<2000x160xf32, #tpu.memory_space<vmem>>, vector<2000x160xf32>
    %get3A_9 = arith.constant 0 : index
    %get3A_10 = arith.constant 0 : index
    %get3A_11 = vector.load %arg4[%get3A_9, %get3A_10] : memref<160x300xf32, #tpu.memory_space<vmem>>, vector<160x300xf32>
    %dot_general3A_12 = arith.constant dense<0.000000e+00> : vector<2000x300xf32>
    %dot_general3A_13 = tpu.matmul %get3A_8, %get3A_11, %dot_general3A_12 {dimension_numbers = #tpu.dot_dimension_numbers<[1], [0], [0], [1], [0, 0, 1, 1], [], []>, transpose_lhs_hint = false} : vector<2000x160xf32>, vector<160x300xf32>, vector<2000x300xf32> -> vector<2000x300xf32>
    %add3A = arith.addf %dot_general3A_5, %dot_general3A_13 : vector<2000x300xf32>
    %get3A_14 = arith.constant 0 : index
    %get3A_15 = arith.constant 0 : index
    %get3A_16 = vector.load %arg5[%get3A_14, %get3A_15] : memref<1x300xf32, #tpu.memory_space<vmem>>, vector<1x300xf32>
    %add3A_17 = vector.broadcast %get3A_16 : vector<1x300xf32> to vector<2000x300xf32>
    %add3A_18 = arith.addf %add3A, %add3A_17 : vector<2000x300xf32>
    %max3A = arith.constant 0.000000e+00 : f32
    %max3A_19 = vector.broadcast %max3A : f32 to vector<2000x300xf32>
    %max3A_20 = arith.maximumf %add3A_18, %max3A_19 : vector<2000x300xf32>
    %get3A_21 = arith.constant 0 : index
    %get3A_22 = arith.constant 0 : index
    %get3A_23 = vector.load %arg6[%get3A_21, %get3A_22] : memref<300x31xf32, #tpu.memory_space<vmem>>, vector<300x31xf32>
    %dot_general3A_24 = arith.constant dense<0.000000e+00> : vector<2000x31xf32>
    %dot_general3A_25 = tpu.matmul %max3A_20, %get3A_23, %dot_general3A_24 {dimension_numbers = #tpu.dot_dimension_numbers<[1], [0], [0], [1], [0, 0, 1, 1], [], []>, transpose_lhs_hint = false} : vector<2000x300xf32>, vector<300x31xf32>, vector<2000x31xf32> -> vector<2000x31xf32>
    %get3A_26 = arith.constant 0 : index
    %get3A_27 = arith.constant 0 : index
    %get3A_28 = vector.load %arg7[%get3A_26, %get3A_27] : memref<1x31xf32, #tpu.memory_space<vmem>>, vector<1x31xf32>
    %add3A_29 = vector.broadcast %get3A_28 : vector<1x31xf32> to vector<2000x31xf32>
    %add3A_30 = arith.addf %dot_general3A_25, %add3A_29 : vector<2000x31xf32>
    %mul3A = arith.constant 2000 : i32
    %mul3A_31 = arith.muli %arg0, %mul3A : i32
    %get3A_32 = arith.index_cast %mul3A_31 : i32 to index
    %get3A_33 = arith.constant 0 : index
    %get3A_34 = vector.load %arg8[%get3A_32, %get3A_33] : memref<10000x1xi32, #tpu.memory_space<vmem>>, vector<2000x1xi32>
    %iota3A = tpu.iota {dimensions = array<i32: 1>} : vector<2000x10xi32>
    %eq3A = vector.broadcast %get3A_34 : vector<2000x1xi32> to vector<2000x10xi32>
    %eq3A_35 = arith.cmpi eq, %eq3A, %iota3A : vector<2000x10xi32>
    %convert_element_type3A = arith.extui %eq3A_35 : vector<2000x10xi1> to vector<2000x10xi32>
    %convert_element_type3A_36 = arith.sitofp %convert_element_type3A : vector<2000x10xi32> to vector<2000x10xf32>
    %dot_general3A_37 = arith.constant dense<0.000000e+00> : vector<10x31xf32>
    %dot_general3A_38 = tpu.matmul %convert_element_type3A_36, %add3A_30, %dot_general3A_37 {dimension_numbers = #tpu.dot_dimension_numbers<[0], [0], [1], [1], [0, 1, 1, 1], [], []>, transpose_lhs_hint = false} : vector<2000x10xf32>, vector<2000x31xf32>, vector<10x31xf32> -> vector<10x31xf32>
    %eq3A_39 = arith.constant 0 : i32
    %eq3A_40 = arith.cmpi eq, %arg0, %eq3A_39 : i32
    %convert_element_type3A_41 = arith.extui %eq3A_40 : i1 to i32
    %cond3A = arith.constant 0 : i32
    %cond3A_42 = arith.cmpi ne, %convert_element_type3A_41, %cond3A : i32
    scf.if %cond3A_42 {
      %broadcast_in_dim3A = arith.constant 0.000000e+00 : f32
      %broadcast_in_dim3A_49 = vector.broadcast %broadcast_in_dim3A : f32 to vector<10x31xf32>
      %swap3A_50 = arith.constant 0 : index
      %swap3A_51 = arith.constant 0 : index
      %swap3A_52 = vector.load %arg9[%swap3A_50, %swap3A_51] : memref<10x31xf32, #tpu.memory_space<vmem>>, vector<10x31xf32>
      tpu.vector_store %arg9[%swap3A_50, %swap3A_51], %broadcast_in_dim3A_49 {strides = array<i32>} : memref<10x31xf32, #tpu.memory_space<vmem>>, vector<10x31xf32>,
    } else {
    }
    %get3A_43 = arith.constant 0 : index
    %get3A_44 = arith.constant 0 : index
    %get3A_45 = vector.load %arg9[%get3A_43, %get3A_44] : memref<10x31xf32, #tpu.memory_space<vmem>>, vector<10x31xf32>
    %add3A_46 = arith.addf %get3A_45, %dot_general3A_38 : vector<10x31xf32>
    %swap3A = arith.constant 0 : index
    %swap3A_47 = arith.constant 0 : index
    %swap3A_48 = vector.load %arg9[%swap3A, %swap3A_47] : memref<10x31xf32, #tpu.memory_space<vmem>>, vector<10x31xf32>
    tpu.vector_store %arg9[%swap3A, %swap3A_47], %add3A_46 {strides = array<i32>} : memref<10x31xf32, #tpu.memory_space<vmem>>, vector<10x31xf32>,
    return
  }
  func.func @transform_0(%arg0: i32) -> (i32, i32) {
    %c0_i32 = arith.constant 0 : i32
    %c0_i32_0 = arith.constant 0 : i32
    return %arg0, %c0_i32 : i32, i32
  }
  func.func @transform_1(%arg0: i32) -> (i32, i32) {
    %c0_i32 = arith.constant 0 : i32
    %c0_i32_0 = arith.constant 0 : i32
    return %arg0, %c0_i32 : i32, i32
  }
  func.func @transform_2(%arg0: i32) -> (i32, i32) {
    %c0_i32 = arith.constant 0 : i32
    %c0_i32_0 = arith.constant 0 : i32
    %c0_i32_1 = arith.constant 0 : i32
    return %c0_i32, %c0_i32_0 : i32, i32
  }
  func.func @transform_3(%arg0: i32) -> (i32, i32) {
    %c0_i32 = arith.constant 0 : i32
    %c0_i32_0 = arith.constant 0 : i32
    %c0_i32_1 = arith.constant 0 : i32
    return %c0_i32, %c0_i32_0 : i32, i32
  }
  func.func @transform_4(%arg0: i32) -> (i32, i32) {
    %c0_i32 = arith.constant 0 : i32
    %c0_i32_0 = arith.constant 0 : i32
    %c0_i32_1 = arith.constant 0 : i32
    return %c0_i32, %c0_i32_0 : i32, i32
  }
  func.func @transform_5(%arg0: i32) -> (i32, i32) {
    %c0_i32 = arith.constant 0 : i32
    %c0_i32_0 = arith.constant 0 : i32
    %c0_i32_1 = arith.constant 0 : i32
    return %c0_i32, %c0_i32_0 : i32, i32
  }
  func.func @transform_6(%arg0: i32) -> (i32, i32) {
    %c0_i32 = arith.constant 0 : i32
    %c0_i32_0 = arith.constant 0 : i32
    %c0_i32_1 = arith.constant 0 : i32
    return %c0_i32, %c0_i32_0 : i32, i32
  }
  func.func @transform_7(%arg0: i32) -> (i32, i32) {
    %c0_i32 = arith.constant 0 : i32
    %c0_i32_0 = arith.constant 0 : i32
    %c0_i32_1 = arith.constant 0 : i32
    return %c0_i32, %c0_i32_0 : i32, i32
  }
  func.func @transform_8(%arg0: i32) -> (i32, i32) {
    %c0_i32 = arith.constant 0 : i32
    %c0_i32_0 = arith.constant 0 : i32
    %c0_i32_1 = arith.constant 0 : i32
    return %c0_i32, %c0_i32_0 : i32, i32
  }
}

</mosaic_0001>

<sc_bundles>
// kernel: kernel.12.cloned.1.call-start
scs
__scs_entry_jumppad:
0x0: {  	(pc) =	sbr.rel $0x88, $3  }
0x1: {  	(tag) =	ssettag $0x0;
	lr =	simm.s32 $0x1  }
0x2: {  	[smem:$0x3F8E] =	sst lr;
	_ =	strace $0xD0000000  }
0x3: {  	_ = 	snop  }
0x4: {  	_ = 	snop  }
0x5: {  	_ = 	snop  }
0x6: {  	_ = 	snop  }
0x7: {  	_ = 	snop  }
__scs_overlays_trampoline_lowered:
0x8: {  	[smem:$0x3F9D] =	sst s0  }
0x9: {  	[smem:$0x3F9E] =	sst s1  }
0xa: {  	[smem:$0x3F9F] =	sst s2  }
0xb: {  	[smem:$0x3FA0] =	sst s3  }
0xc: {  	[smem:$0x3FA1] =	sst s4  }
0xd: {  	[smem:$0x3FA2] =	sst s5  }
0xe: {  	[smem:$0x3FA3] =	sst s6  }
0xf: {  	[smem:$0x3FA4] =	sst s7  }
0x10: {  	[smem:$0x3FA5] =	sst s8  }
0x11: {  	[smem:$0x3FA6] =	sst s9;
	s0 =	simm.s32 @!p0 $0x0  }
0x12: {  	s1 =	sld [smem:$0x3F8C];
	s0 =	simm.s32 @p0 $0x1  }
0x13: {  	[smem:$0x3FA7] =	sst s0;
	s0 =	simm.s32 @!p1 $0x0  }
0x14: {  	s2 =	sld [smem:$0x3F8B];
	s0 =	simm.s32 @p1 $0x1  }
0x15: {  	[smem:$0x3FA8] =	sst s0;
	s0 =	simm.s32 @!p2 $0x0  }
0x16: {  	s3 =	sld [smem:$0x3FDB];
	s0 =	simm.s32 @p2 $0x1  }
0x17: {  	s4 =	simm.s32 $0x1BF5;
	[smem:$0x3FAA] =	sst s0  }
0x18: {  	s0 =	sld [smem:$0x3F8D];
	_ =	swait.ge [sflag:s4], $0x0  }
0x19: {  	s7 =	sld [smem:$0x3F8E]  }
0x1a: {  	s8 =	sadd.s32 $0xFFFFE003, lr  }
0x1b: {  	s9 =	sadd.s32 $0xFFFFFEF7, lr;
	s5 =	simm.s32 $0xFFFFFFFF;
	p2 =	slt.u32 s8, $0xFFFFF086  }
0x1c: {  	p1 =	slt.u32 s9, $0xF7A;
	s5 =	simm.s32 @!p2 $0x0  }
0x1d: {  	s5 =	simm.s32 @p1 $0x1;
	p0 =	seq.s32 s7, s2  }
0x1e: {  	s7 =	smul.u32 @!p0 $0xF7A, s2;
	p2 =	seq.s32 @!p0 s5, $0x0  }
0x1f: {  	s9 =	smul.u32 $0xF7A, s1;
	s8 =	simm.s32 @!p0 $0x1BF5;
	p2 =	por !p2, p0  }
0x20: {  	[sflag:s8] =	ssyncset.s32 @!p0 $0xFFFFF086;
	s6 =	sadd.s32 @!p0 s3, s7;
	s7 =	simm.s32 @!p0 $0x108  }
0x21: {  	s3 =	sadd.s32 s3, s9;
	s6 =	sadd.s32 @!p0 $0x88, s6;
	s7 =	simm.s32 @p2 $0x1082  }
0x22: {  	[simem:s7], [sflag:s8] =	dma.local @!p0 [hbm:s6], $0xF7A  }
0x23: {  	s9 =	sor.u32 $0xD0000000, s2;
	s6 =	simm.s32 $0x108;
	_ =	swait.ge @!p0 [sflag:s8], $0x0  }
0x24: {  	s3 =	sadd.s32 $0x88, s3;
	s6 =	simm.s32 @!p1 $0x1082;
	[sflag:s4] =	ssyncset.s32 $0xFFFFF086  }
0x25: {  	[simem:s6], [sflag:s4] =	dma.local [hbm:s3], $0xF7A  }
0x26: {  	[smem:$0x3F8E] =	sst s1;
	(tag) =	ssettag s2;
	_ =	strace s9  }
0x27: {  	s1 =	sld [smem:$0x3F9E]  }
0x28: {  	s2 =	sld [smem:$0x3F9F]  }
0x29: {  	s4 =	sld [smem:$0x3FA1]  }
0x2a: {  	p0 =	seq.s32 s5, $0x0;
	s5 =	sld [smem:$0x3FA2]  }
0x2b: {  	s6 =	sld [smem:$0x3FA3]  }
0x2c: {  	s7 =	sld [smem:$0x3FA4]  }
0x2d: {  	s3 =	simm.s32 $0x108;
	s8 =	sld [smem:$0x3FA5]  }
0x2e: {  	s3 =	simm.s32 @!p0 $0x1082;
	s9 =	sld [smem:$0x3FA6]  }
0x2f: {  	lr =	sadd.s32 s0, s3;
	s0 =	sld [smem:$0x3F9D]  }
0x30: {  	s3 =	sld [smem:$0x3FA0]  }
0x31: {  	[smem:$0x3FA9] =	sst s10  }
0x32: {  	s10 =	sld [smem:$0x3FA7];
	_ =	sdelay $0x3  }
0x33: {  	p0 =	seq.s32 s10, $0x1;
	s10 =	sld [smem:$0x3FA9];
	_ =	sdelay $0x3  }
0x34: {  	[smem:$0x3FA9] =	sst s10  }
0x35: {  	s10 =	sld [smem:$0x3FA8];
	_ =	sdelay $0x3  }
0x36: {  	p1 =	seq.s32 s10, $0x1;
	s10 =	sld [smem:$0x3FA9];
	_ =	sdelay $0x3  }
0x37: {  	[smem:$0x3FA9] =	sst s10  }
0x38: {  	s10 =	sld [smem:$0x3FAA]  }
0x39: {  	_ = 	snop;
	(pc) =	sbr.ind lr, $3  }
0x3a: {  	_ = 	snop  }
0x3b: {  	_ = 	snop  }
0x3c: {  	p2 =	seq.s32 s10, $0x1;
	s10 =	sld [smem:$0x3FA9]  }
0x3d: {  	_ =	shalt  }
0x3e: {  	_ =	shalt  }
0x3f: {  	_ =	shalt  }
0x40: {  	_ =	shalt  }
0x41: {  	_ =	shalt  }
0x42: {  	_ =	shalt  }
0x43: {  	_ =	shalt  }
0x44: {  	_ =	shalt  }
0x45: {  	_ =	shalt  }
0x46: {  	_ =	shalt  }
0x47: {  	_ =	shalt  }
0x48: {  	_ =	shalt  }
0x49: {  	_ =	shalt  }
0x4a: {  	_ =	shalt  }
0x4b: {  	_ =	shalt  }
0x4c: {  	_ =	shalt  }
0x4d: {  	_ =	shalt  }
0x4e: {  	_ =	shalt  }
0x4f: {  	_ =	shalt  }
0x50: {  	_ =	shalt  }
0x51: {  	_ =	shalt  }
0x52: {  	_ =	shalt  }
0x53: {  	_ =	shalt  }
0x54: {  	_ =	shalt  }
0x55: {  	_ =	shalt  }
0x56: {  	_ =	shalt  }
0x57: {  	_ =	shalt  }
0x58: {  	_ =	shalt  }
0x59: {  	_ =	shalt  }
0x5a: {  	_ =	shalt  }
0x5b: {  	_ =	shalt  }
0x5c: {  	_ =	shalt  }
0x5d: {  	_ =	shalt  }
0x5e: {  	_ =	shalt  }
0x5f: {  	_ =	shalt  }
0x60: {  	_ =	shalt  }
0x61: {  	_ =	shalt  }
0x62: {  	_ =	shalt  }
0x63: {  	_ =	shalt  }
0x64: {  	_ =	shalt  }
0x65: {  	_ =	shalt  }
0x66: {  	_ =	shalt  }
0x67: {  	_ =	shalt  }
0x68: {  	_ =	shalt  }
0x69: {  	_ =	shalt  }
0x6a: {  	_ =	shalt  }
0x6b: {  	_ =	shalt  }
0x6c: {  	_ =	shalt  }
0x6d: {  	_ =	shalt  }
0x6e: {  	_ =	shalt  }
0x6f: {  	_ =	shalt  }
0x70: {  	_ =	shalt  }
0x71: {  	_ =	shalt  }
0x72: {  	_ =	shalt  }
0x73: {  	_ =	shalt  }
0x74: {  	_ =	shalt  }
0x75: {  	_ =	shalt  }
0x76: {  	_ =	shalt  }
0x77: {  	_ =	shalt  }
0x78: {  	_ =	shalt  }
0x79: {  	_ =	shalt  }
0x7a: {  	_ =	shalt  }
0x7b: {  	_ =	shalt  }
0x7c: {  	_ =	shalt  }
0x7d: {  	_ =	shalt  }
0x7e: {  	_ =	shalt  }
0x7f: {  	_ =	shalt  }
0x80: {  	_ =	shalt  }
0x81: {  	_ =	shalt  }
0x82: {  	_ =	shalt  }
0x83: {  	_ =	shalt  }
0x84: {  	_ =	shalt  }
0x85: {  	_ =	shalt  }
0x86: {  	_ =	shalt  }
0x87: {  	_ =	shalt  }
.Lfunc_end0:
.L_simem_size_0:
called_computation.1_lowered:
.L_overlay_start_0:
0x88: {  	s2 =	sld [smem:$0x3FD9]  }
0x89: {  	s3 =	sld [smem:$0x3FFE];
	_ =	sdelay $0x1  }
0x8a: {  	s1 =	srdreg.scid  }
0x8b: {  	s0 =	sand.u32 $0x1, s1  }
0x8c: {  	s16 =	sshll.u32 s0, $0xA;
	s2 =	sadd.s32 s3, s2  }
0x8d: {  	s2 =	sadd.s32 s2, s16  }
0x8e: {  	[smem:$0x3FB5] =	sst s2  }
0x8f: {  	_ = 	snop  }
0x90: {  	(tm) =	ssettm $0x1  }
0x91: {  	s17 =	sld [smem:$0x3FFB];
	_ =	sdelay $0x3  }
0x92: {  	_ =	strace s17  }
0x93: {  	s2 =	sld [smem:$0x3FFC];
	_ =	sdelay $0x3  }
0x94: {  	_ =	strace s2  }
0x95: {  	s2 =	sld [smem:$0x3FFD];
	_ =	sdelay $0x3  }
0x96: {  	_ =	strace s2  }
0x97: {  	_ =	strace $0x8FFFFFFF  }
0x98: {  	s18 =	sld [smem:$0x3FDB];
	_ =	sdelay $0x1  }
0x99: {  	s19 =	simm.s32 $_scs_section_size  }
0x9a: {  	s4 =	simm.s32 $_size__tile_overlayer_lowered;
	s5 =	simm.s32 $_tile_overlayer_lowered  }
0x9b: {  	s22 =	simm.s32 $0x1BFF;
	s21 =	sshll.u32 s5, $0x1;
	s2 =	sadd.s32 s19, s18  }
0x9c: {  	s6 =	simm.s32 $0x0;
	s20 =	sshll.u32 s4, $0x1;
	s4 =	sadd.s32 s21, s2  }
0x9d: {  	[timem:s6], [sflag:s22] =	dma.local [hbm:s4], s20  }
0x9e: {  	_ =	swait.ge [sflag:s22], s20  }
0x9f: {  	s3 =	ssub.s32 $0x0, s20;
	[sflag:s22] =	ssyncset.done $0x0  }
0xa0: {  	[sflag:s22] =	ssyncadd.s32 s3;
	_ =	sdelay $0x1  }
0xa1: {  	s23 =	simm.s32 $0x1B8B  }
0xa2: {  	_ =	swait.ge [sflag:s23], $0x1  }
0xa3: {  	[sflag:s23] =	ssyncset.done $0x0  }
0xa4: {  	s25 =	simm.s32 $0x1B8E;
	s24 =	sld [smem:$0x3FFE];
	[sflag:s23] =	ssyncadd.s32 $0xFFFFFFFF  }
0xa5: {  	s26 =	simm.s32 $execute0_lowered;
	[smem:$0x3FD2] =	sst s25  }
0xa6: {  	s4 =	sshll.u32 s26, $0x1;
	_ =	strace $0x80000049;
	[dreg:$0x1] =	wrdreg $0xFFFFFFFF  }
0xa7: {  	s28 =	simm.s32 $_size_execute0_lowered;
	s2 =	sadd.s32 s2, s4;
	[dreg:$0x0] =	wrdreg $0x0  }
0xa8: {  	s4 =	sshll.u32 s28, $0x1;
	[dreg:$0x2] =	wrdreg s2  }
0xa9: {  	[dreg:$0x3] =	wrdreg s4  }
0xaa: {  	[dreg:$0x4] =	wrdreg $0xC0  }
0xab: {  	_ =	task [dreg:s6], $0x5FFFF  }
0xac: {  	[dreg:$0x1] =	wrdreg $0xFFFFFFFF  }
0xad: {  	[dreg:$0x0] =	wrdreg $0x60  }
0xae: {  	[dreg:$0x2] =	wrdreg s24  }
0xaf: {  	[dreg:$0x3] =	wrdreg $0x74800  }
0xb0: {  	[dreg:$0x4] =	wrdreg $0x9  }
0xb1: {  	_ =	task.clear_ibuf [dreg:s6], $0x5FFFF;
	_ =	strace $0x90000049  }
0xb2: {  	s29 =	simm.s32 $0x9;
	_ =	strace $0x8000004B  }
0xb3: {  	_ =	swait.ge [sflag:s29], $0x1  }
0xb4: {  	[sflag:s29] =	ssyncadd.s32 $0xFFFFFFFF  }
0xb5: {  	_ =	strace $0x9000004B  }
0xb6: {  	_ =	sfence  }
0xb7: {  	s30 =	sld [smem:$0x0];
	_ =	sdelay $0x2  }
0xb8: {  	s31 =	sshll.u32 s1, $0xD;
	s1 =	sshrl.u32 s1, $0x2  }
0xb9: {  	s3 =	sand.u32 $0x4000, s31;
	s1 =	sadd.s32 s1, s30  }
0xba: {  	s0 =	sor.u32 s3, s0;
	s1 =	sshll.u32 s1, $0x11  }
0xbb: {  	s0 =	sor.u32 s1, s0  }
0xbc: {  	s0 =	sadd.s32 $0x8F2B, s0  }
0xbd: {  	[sflag:s0] =	ssyncadd.remote.s32 $0x1  }
0xbe: {  	_ =	sfence.sel $0xFFFF  }
0xbf: {  	[dreg:$0x0] =	wrdreg $0xFFFFFFFF;
	(pc) =	sbr.abs _section_cstart, $3  }
0xc0: {  	[dreg:$0x1] =	wrdreg $0xFFFFFFFF  }
0xc1: {  	_ =	task.clear_ibuf [dreg:s6], $0x2FFFF;
	_ =	strace $0x9FFFFFFF  }
0xc2: {  	(tm) =	ssettm $0x7FFFFFFF  }
0xc3: {  	_ =	shalt  }
tec
execute0_lowered:
.L_overlay_start_1:
0x0: {  	(tag) =	ssettag $0x1  }
0x1: {  	s7 =	rddreg [dreg:$0x0]  }
0x2: {  	s1 =	rddreg [dreg:$0x1]  }
0x3: {  	s0 =	rddreg [dreg:$0x2];
	s3 =	simm.s32 $0x0  }
0x4: {  	s2 =	stileid.u32;
	s6 =	srdreg.scid;
	s17 =	simm.s32 $0x180  }
0x5: {  	s18 =	simm.s32 $0xC0;
	s19 =	simm.s32 $0x3B00;
	s20 =	simm.s32 $0x1  }
0x6: {  	s21 =	simm.s32 $0x60;
	s22 =	simm.s32 $0x2;
	s23 =	simm.s32 $0x120  }
0x7: {  	s24 =	simm.s32 $0x3;
	s25 =	simm.s32 $0x4;
	[smem:$0x7FF] =	sst s3  }
0x8: {  	s4 =	sadd.s32 $0x4B800, s7;
	s5 =	sadd.s32 $0x4200, s7;
	s8 =	smul.u32 $0x1F40, s2  }
0x9: {  	s16 =	sand.u32 $0x1, s6;
	s10 =	sadd.s32 $0x35000, s7;
	s11 =	smul.u32 $0x1470, s2  }
0xa: {  	s6 =	sadd.s32 $0x49800, s7;
	s29 =	ssub.s32 $0x18, s2;
	s30 =	smul.u32 $0xA380, s2  }
0xb: {  	s31 =	sshll.u32 s2, $0x6;
	s13 =	smul.u32 $0x3E800, s2;
	_ =	strace $0x8000004A  }
0xc: {  	s9 =	ssub.s32 $0x2, s16;
	s12 =	sshrl.u32 s29, $0x4;
	p0 =	seq.s32 s16, $0x0  }
0xd: {  	s16 =	simm.s32 $0x5C;
	s14 =	sadd.s32 s8, s7;
	s26 =	sshrl.u32 s9, $0x1  }
.Ltmp0:
0xe: {  	s7 =	sor.u32 $0x1C05, s31;
	s15 =	sshrl.u32 s30, $0x3;
	(pc) =	sbr.rel .LBB2_1-.Ltmp0, $4  }
0xf: {  	s13 =	sshrl.u32 s13, $0x2;
	s28 =	ssub.s32 s9, s26;
	s9 =	sadd.s32 s10, s11  }
0x10: {  	s10 =	sadd.s32 s10, s15;
	s11 =	sadd.s32 $0x1, s12;
	s12 =	sadd.s32 s13, s1  }
0x11: {  	s13 =	sadd.s32 $0x7C600, s14;
	s14 =	sadd.s32 $0xAD400, s14;
	s15 =	simm.s32 $0x5  }
0x12: {  	s26 =	simm.s32 $0x0;
	s8 =	smax.u32 s28, $0x1;
	s10 =	sadd.s32 $0x18, s10  }
.LBB2_13:
0x13: {  	[sflag:s15] =	ssyncadd.s32 $0xFFFFE0C0  }
.LBB2_14:
0x14: {  	s26 =	sadd.s32 $0x1, s26  }
0x15: {  	p1 =	sne.s32 s26, s8  }
.Ltmp1:
0x16: {  	_ = 	snop;
	(pc) =	sbr.rel @!p1 .LBB2_15-.Ltmp1, $1  }
0x17: {  	_ =	sdelay $0x3  }
.LBB2_1:
0x18: {  	p1 =	sne.s32 s11, $0x1  }
.Ltmp2:
0x19: {  	_ = 	snop;
	(pc) =	sbr.rel @!p1 .LBB2_3-.Ltmp2, $4  }
0x1a: {  	s28 =	sshrl.u32 s12, $0x3  }
0x1b: {  	[spmem:s28], [sflag:s7] =	dma.local [hbm:s6], $0x1F40  }
0x1c: {  	_ =	swait.ge [sflag:s15], $0x1F40  }
0x1d: {  	s29 =	sadd.s32 $0xFFFFFFFF, s11;
	s30 =	sadd.s32 $0xFA000, s12;
	[sflag:s15] =	ssyncset.done $0x0  }
.LBB2_2:
0x1e: {  	s31 =	sshrl.u32 s30, $0x3;
	[sflag:s15] =	ssyncadd.s32 $0xFFFFE0C0;
	p2 =	sne.s32 s29, $0x1  }
0x1f: {  	[spmem:s31], [sflag:s7] =	dma.local [hbm:s6], $0x1F40  }
.Ltmp3:
0x20: {  	_ = 	snop;
	(pc) =	sbr.rel @p2 .LBB2_2-.Ltmp3, $4  }
0x21: {  	_ = 	snop  }
0x22: {  	s29 =	sadd.s32 $0xFFFFFFFF, s29  }
0x23: {  	_ =	swait.ge [sflag:s15], $0x1F40  }
0x24: {  	s30 =	sadd.s32 $0xFA000, s30;
	[sflag:s15] =	ssyncset.done $0x0  }
.LBB2_3:
.Ltmp4:
0x25: {  	(pc) =	sbr.rel @!p0 .LBB2_4-.Ltmp4, $3  }
0x26: {  	_ = 	snop  }
0x27: {  	[sflag:s15] =	ssyncadd.s32 $0xFFFFE0C0  }
0x28: {  	[bflag:$0x0] =	sbarrier.arrive $0xFFFF;
	_ =	sdelay $0x1  }
0x29: {  	[tilespmem:s3], [sflag:$0x5] =	stream.linear.gather [hbm4b:s9+s3], $0xC0, $0x38;
	[tilespmem:$0x1FBC0] =	vst v63  }
0x2a: {  	_ =	swait.ge [sflag:s15], $0xC0  }
0x2b: {  	[sflag:s15] =	ssyncset.done $0x0  }
0x2c: {  	[sflag:s15] =	ssyncadd.s32 $0xFFFFFF40  }
0x2d: {  	[tilespmem:s17], [sflag:$0x1] =	stream.indirect.gather [hbm4b:s4+s16], $0xA0, s3, s16, $0xb8;
	[tilespmem:$0x1FBC0] =	vst v63  }
0x2e: {  	_ = 	snop  }
0x2f: {  	[tilespmem:s18], [sflag:$0x5] =	stream.linear.gather [hbm4b:s10+s3], $0xC0, $0x38;
	[tilespmem:$0x1FBC0] =	vst v63  }
0x30: {  	_ =	swait.ge [sflag:s15], $0xC0  }
0x31: {  	[sflag:s15] =	ssyncset.done $0x0  }
0x32: {  	[sflag:s15] =	ssyncadd.s32 $0xFFFFFF40  }
0x33: {  	[tilespmem:s19], [sflag:$0x2] =	stream.indirect.gather [hbm4b:s4+s16], $0xA0, s18, s16, $0xb8;
	[tilespmem:$0x1FBC0] =	vst v63  }
0x34: {  	_ =	swait.ge [sflag:s20], $0x3980  }
0x35: {  	[sflag:s20] =	ssyncset.done $0x0  }
0x36: {  	[sflag:s20] =	ssyncadd.s32 $0xFFFFC680  }
0x37: {  	[spmem:s1] =	stream.indirect.scatter.add.f32 [tilespmem:s17], [sflag:$0x3], $0xA0, s21, s16, $0xb8;
	[tilespmem:$0x1FBC0] =	vst v63  }
0x38: {  	_ =	swait.ge [sflag:s22], $0x3980  }
0x39: {  	[sflag:s22] =	ssyncset.done $0x0  }
0x3a: {  	[sflag:s22] =	ssyncadd.s32 $0xFFFFC680  }
0x3b: {  	[spmem:s1] =	stream.indirect.scatter.add.f32 [tilespmem:s19], [sflag:$0x4], $0xA0, s23, s16, $0xb8;
	[tilespmem:$0x1FBC0] =	vst v63  }
0x3c: {  	_ =	swait.ge [sflag:s24], $0x3980  }
0x3d: {  	s29 =	sadd.s32 $0xFFFFEBC0, s9;
	[sflag:s24] =	ssyncset.done $0x0  }
0x3e: {  	s30 =	sadd.s32 $0x1470, s29;
	[sflag:s24] =	ssyncadd.s32 $0xFFFFC680  }
0x3f: {  	[tilespmem:s3], [sflag:$0x5] =	stream.linear.gather [hbm4b:s30+s3], $0xC0, $0x38;
	[tilespmem:$0x1FBC0] =	vst v63  }
0x40: {  	_ =	swait.ge [sflag:s15], $0xC0  }
0x41: {  	[sflag:s15] =	ssyncset.done $0x0  }
0x42: {  	[sflag:s15] =	ssyncadd.s32 $0xFFFFFF40  }
0x43: {  	[tilespmem:s17], [sflag:$0x1] =	stream.indirect.gather [hbm4b:s4+s16], $0xA0, s3, s16, $0xb8;
	[tilespmem:$0x1FBC0] =	vst v63  }
0x44: {  	_ =	swait.ge [sflag:s25], $0x3980  }
0x45: {  	[sflag:s25] =	ssyncset.done $0x0  }
0x46: {  	s29 =	sadd.s32 $0x1488, s29;
	[sflag:s25] =	ssyncadd.s32 $0xFFFFC680  }
0x47: {  	[tilespmem:s18], [sflag:$0x5] =	stream.linear.gather [hbm4b:s29+s3], $0xC0, $0x38;
	[tilespmem:$0x1FBC0] =	vst v63  }
0x48: {  	_ =	swait.ge [sflag:s15], $0xC0  }
0x49: {  	[sflag:s15] =	ssyncset.done $0x0  }
0x4a: {  	[sflag:s15] =	ssyncadd.s32 $0xFFFFFF40  }
0x4b: {  	[tilespmem:s19], [sflag:$0x2] =	stream.indirect.gather [hbm4b:s4+s16], $0xA0, s18, s16, $0xb8;
	[tilespmem:$0x1FBC0] =	vst v63  }
0x4c: {  	_ =	swait.ge [sflag:s20], $0x3980  }
0x4d: {  	[sflag:s20] =	ssyncset.done $0x0  }
0x4e: {  	[sflag:s20] =	ssyncadd.s32 $0xFFFFC680  }
0x4f: {  	[spmem:s1] =	stream.indirect.scatter.add.f32 [tilespmem:s17], [sflag:$0x3], $0xA0, s21, s16, $0xb8;
	[tilespmem:$0x1FBC0] =	vst v63  }
0x50: {  	_ =	swait.ge [sflag:s22], $0x3980  }
0x51: {  	[sflag:s22] =	ssyncset.done $0x0  }
0x52: {  	s29 =	simm.s32 $0xFFFFEBF0;
	[sflag:s22] =	ssyncadd.s32 $0xFFFFC680  }
.LBB2_10:
0x53: {  	[spmem:s1] =	stream.indirect.scatter.add.f32 [tilespmem:s19], [sflag:$0x4], $0xA0, s23, s16, $0xb8;
	[tilespmem:$0x1FBC0] =	vst v63  }
0x54: {  	s30 =	smov.u32 s29  }
0x55: {  	p1 =	sne.s32 s29, $0xFFFFFFD0;
	s29 =	sadd.s32 $0x30, s29;
	_ =	swait.ge [sflag:s24], $0x3980  }
0x56: {  	s30 =	sadd.s32 s30, s9;
	[sflag:s24] =	ssyncset.done $0x0  }
0x57: {  	s31 =	sadd.s32 $0x1470, s30;
	[sflag:s24] =	ssyncadd.s32 $0xFFFFC680  }
0x58: {  	[tilespmem:s3], [sflag:$0x5] =	stream.linear.gather [hbm4b:s31+s3], $0xC0, $0x38;
	[tilespmem:$0x1FBC0] =	vst v63  }
0x59: {  	_ =	swait.ge [sflag:s15], $0xC0  }
0x5a: {  	[sflag:s15] =	ssyncset.done $0x0  }
0x5b: {  	[sflag:s15] =	ssyncadd.s32 $0xFFFFFF40  }
0x5c: {  	[tilespmem:s17], [sflag:$0x1] =	stream.indirect.gather [hbm4b:s4+s16], $0xA0, s3, s16, $0xb8;
	[tilespmem:$0x1FBC0] =	vst v63  }
0x5d: {  	_ =	swait.ge [sflag:s25], $0x3980  }
0x5e: {  	[sflag:s25] =	ssyncset.done $0x0  }
0x5f: {  	s30 =	sadd.s32 $0x1488, s30;
	[sflag:s25] =	ssyncadd.s32 $0xFFFFC680  }
0x60: {  	[tilespmem:s18], [sflag:$0x5] =	stream.linear.gather [hbm4b:s30+s3], $0xC0, $0x38;
	[tilespmem:$0x1FBC0] =	vst v63  }
0x61: {  	_ =	swait.ge [sflag:s15], $0xC0  }
0x62: {  	[sflag:s15] =	ssyncset.done $0x0  }
0x63: {  	[sflag:s15] =	ssyncadd.s32 $0xFFFFFF40  }
0x64: {  	[tilespmem:s19], [sflag:$0x2] =	stream.indirect.gather [hbm4b:s4+s16], $0xA0, s18, s16, $0xb8;
	[tilespmem:$0x1FBC0] =	vst v63  }
0x65: {  	_ =	swait.ge [sflag:s20], $0x3980  }
0x66: {  	[sflag:s20] =	ssyncset.done $0x0  }
.Ltmp5:
0x67: {  	[sflag:s20] =	ssyncadd.s32 $0xFFFFC680;
	(pc) =	sbr.rel @p1 .LBB2_10-.Ltmp5, $4  }
0x68: {  	[spmem:s1] =	stream.indirect.scatter.add.f32 [tilespmem:s17], [sflag:$0x3], $0xA0, s21, s16, $0xb8;
	[tilespmem:$0x1FBC0] =	vst v63  }
0x69: {  	_ =	swait.ge [sflag:s22], $0x3980  }
0x6a: {  	[sflag:s22] =	ssyncset.done $0x0  }
0x6b: {  	[sflag:s22] =	ssyncadd.s32 $0xFFFFC680  }
0x6c: {  	[spmem:s1] =	stream.indirect.scatter.add.f32 [tilespmem:s19], [sflag:$0x4], $0xA0, s23, s16, $0xb8;
	[tilespmem:$0x1FBC0] =	vst v63  }
0x6d: {  	_ =	swait.ge [sflag:s24], $0x3980  }
0x6e: {  	[sflag:s24] =	ssyncset.done $0x0  }
0x6f: {  	[sflag:s24] =	ssyncadd.s32 $0xFFFFC680  }
0x70: {  	_ =	swait.ge [sflag:s25], $0x3980  }
0x71: {  	p1 =	seq.s32 s11, $0x1;
	[sflag:s25] =	ssyncset.done $0x0  }
.Ltmp6:
0x72: {  	[sflag:s25] =	ssyncadd.s32 $0xFFFFC680;
	(pc) =	sbr.rel @p1 .LBB2_13-.Ltmp6, $4  }
0x73: {  	[bflag:$0x0] =	sbarrier.arrive $0xFFFF  }
0x74: {  	[hbm:s14], [sflag:s7] =	dma.local [spmem:s28], $0x1F40  }
0x75: {  	s29 =	sadd.s32 $0xFA000, s12;
	_ =	swait.ge [sflag:s15], $0x1F40  }
0x76: {  	s30 =	smov.u32 s14;
	s28 =	sadd.s32 $0xFFFFFFFF, s11;
	[sflag:s15] =	ssyncset.done $0x0  }
.LBB2_12:
0x77: {  	s31 =	sshrl.u32 s29, $0x3  }
0x78: {  	[sflag:s15] =	ssyncadd.s32 $0xFFFFE0C0;
	s30 =	sadd.s32 $0x1F400, s30;
	p1 =	seq.s32 s28, $0x1  }
0x79: {  	[hbm:s30], [sflag:s7] =	dma.local [spmem:s31], $0x1F40  }
.Ltmp7:
0x7a: {  	_ = 	snop;
	(pc) =	sbr.rel @!p1 .LBB2_12-.Ltmp7, $4  }
0x7b: {  	_ = 	snop  }
0x7c: {  	s28 =	sadd.s32 $0xFFFFFFFF, s28  }
0x7d: {  	_ =	swait.ge [sflag:s15], $0x1F40  }
0x7e: {  	s29 =	sadd.s32 $0xFA000, s29;
	[sflag:s15] =	ssyncset.done $0x0  }
.Ltmp8:
0x7f: {  	_ = 	snop;
	(pc) =	sbr.rel .LBB2_13-.Ltmp8, $1  }
0x80: {  	_ =	sdelay $0x3  }
.LBB2_4:
0x81: {  	[tilespmem:s3], [sflag:$0x5] =	stream.linear.gather [hbm4b:s9+s3], $0xC0, $0x38;
	[tilespmem:$0x1FBC0] =	vst v63  }
0x82: {  	_ =	swait.ge [sflag:s15], $0xC0  }
0x83: {  	[sflag:s15] =	ssyncset.done $0x0  }
0x84: {  	[sflag:s15] =	ssyncadd.s32 $0xFFFFFF40  }
0x85: {  	[tilespmem:s17], [sflag:$0x1] =	stream.indirect.gather [hbm4b:s5+s16], $0xA0, s3, s16, $0xb8;
	[tilespmem:$0x1FBC0] =	vst v63  }
0x86: {  	_ = 	snop  }
0x87: {  	[tilespmem:s18], [sflag:$0x5] =	stream.linear.gather [hbm4b:s10+s3], $0xC0, $0x38;
	[tilespmem:$0x1FBC0] =	vst v63  }
0x88: {  	_ =	swait.ge [sflag:s15], $0xC0  }
0x89: {  	[sflag:s15] =	ssyncset.done $0x0  }
0x8a: {  	[sflag:s15] =	ssyncadd.s32 $0xFFFFFF40  }
0x8b: {  	[tilespmem:s19], [sflag:$0x2] =	stream.indirect.gather [hbm4b:s5+s16], $0xA0, s18, s16, $0xb8;
	[tilespmem:$0x1FBC0] =	vst v63  }
0x8c: {  	_ =	swait.ge [sflag:s20], $0x3980  }
0x8d: {  	[sflag:s20] =	ssyncset.done $0x0  }
0x8e: {  	[sflag:s20] =	ssyncadd.s32 $0xFFFFC680  }
0x8f: {  	[spmem:s1] =	stream.indirect.scatter.add.f32 [tilespmem:s17], [sflag:$0x3], $0xA0, s21, s16, $0xb8;
	[tilespmem:$0x1FBC0] =	vst v63  }
0x90: {  	_ =	swait.ge [sflag:s22], $0x3980  }
0x91: {  	[sflag:s22] =	ssyncset.done $0x0  }
0x92: {  	[sflag:s22] =	ssyncadd.s32 $0xFFFFC680  }
0x93: {  	[spmem:s1] =	stream.indirect.scatter.add.f32 [tilespmem:s19], [sflag:$0x4], $0xA0, s23, s16, $0xb8;
	[tilespmem:$0x1FBC0] =	vst v63  }
0x94: {  	_ =	swait.ge [sflag:s24], $0x3980  }
0x95: {  	s29 =	sadd.s32 $0xFFFFEBC0, s9;
	[sflag:s24] =	ssyncset.done $0x0  }
0x96: {  	s30 =	sadd.s32 $0x1470, s29;
	[sflag:s24] =	ssyncadd.s32 $0xFFFFC680  }
0x97: {  	[tilespmem:s3], [sflag:$0x5] =	stream.linear.gather [hbm4b:s30+s3], $0xC0, $0x38;
	[tilespmem:$0x1FBC0] =	vst v63  }
0x98: {  	_ =	swait.ge [sflag:s15], $0xC0  }
0x99: {  	[sflag:s15] =	ssyncset.done $0x0  }
0x9a: {  	[sflag:s15] =	ssyncadd.s32 $0xFFFFFF40  }
0x9b: {  	[tilespmem:s17], [sflag:$0x1] =	stream.indirect.gather [hbm4b:s5+s16], $0xA0, s3, s16, $0xb8;
	[tilespmem:$0x1FBC0] =	vst v63  }
0x9c: {  	_ =	swait.ge [sflag:s25], $0x3980  }
0x9d: {  	[sflag:s25] =	ssyncset.done $0x0  }
0x9e: {  	s29 =	sadd.s32 $0x1488, s29;
	[sflag:s25] =	ssyncadd.s32 $0xFFFFC680  }
0x9f: {  	[tilespmem:s18], [sflag:$0x5] =	stream.linear.gather [hbm4b:s29+s3], $0xC0, $0x38;
	[tilespmem:$0x1FBC0] =	vst v63  }
0xa0: {  	_ =	swait.ge [sflag:s15], $0xC0  }
0xa1: {  	[sflag:s15] =	ssyncset.done $0x0  }
0xa2: {  	[sflag:s15] =	ssyncadd.s32 $0xFFFFFF40  }
0xa3: {  	[tilespmem:s19], [sflag:$0x2] =	stream.indirect.gather [hbm4b:s5+s16], $0xA0, s18, s16, $0xb8;
	[tilespmem:$0x1FBC0] =	vst v63  }
0xa4: {  	_ =	swait.ge [sflag:s20], $0x3980  }
0xa5: {  	[sflag:s20] =	ssyncset.done $0x0  }
0xa6: {  	[sflag:s20] =	ssyncadd.s32 $0xFFFFC680  }
0xa7: {  	[spmem:s1] =	stream.indirect.scatter.add.f32 [tilespmem:s17], [sflag:$0x3], $0xA0, s21, s16, $0xb8;
	[tilespmem:$0x1FBC0] =	vst v63  }
0xa8: {  	_ =	swait.ge [sflag:s22], $0x3980  }
0xa9: {  	[sflag:s22] =	ssyncset.done $0x0  }
0xaa: {  	s29 =	simm.s32 $0xFFFFEBF0;
	[sflag:s22] =	ssyncadd.s32 $0xFFFFC680  }
.LBB2_5:
0xab: {  	[spmem:s1] =	stream.indirect.scatter.add.f32 [tilespmem:s19], [sflag:$0x4], $0xA0, s23, s16, $0xb8;
	[tilespmem:$0x1FBC0] =	vst v63  }
0xac: {  	s30 =	smov.u32 s29  }
0xad: {  	p2 =	seq.s32 s29, $0xFFFFFFD0;
	s29 =	sadd.s32 $0x30, s29;
	_ =	swait.ge [sflag:s24], $0x3980  }
0xae: {  	s30 =	sadd.s32 s30, s9;
	[sflag:s24] =	ssyncset.done $0x0  }
0xaf: {  	s31 =	sadd.s32 $0x1470, s30;
	[sflag:s24] =	ssyncadd.s32 $0xFFFFC680  }
0xb0: {  	[tilespmem:s3], [sflag:$0x5] =	stream.linear.gather [hbm4b:s31+s3], $0xC0, $0x38;
	[tilespmem:$0x1FBC0] =	vst v63  }
0xb1: {  	_ =	swait.ge [sflag:s15], $0xC0  }
0xb2: {  	[sflag:s15] =	ssyncset.done $0x0  }
0xb3: {  	[sflag:s15] =	ssyncadd.s32 $0xFFFFFF40  }
0xb4: {  	[tilespmem:s17], [sflag:$0x1] =	stream.indirect.gather [hbm4b:s5+s16], $0xA0, s3, s16, $0xb8;
	[tilespmem:$0x1FBC0] =	vst v63  }
0xb5: {  	_ =	swait.ge [sflag:s25], $0x3980  }
0xb6: {  	[sflag:s25] =	ssyncset.done $0x0  }
0xb7: {  	s30 =	sadd.s32 $0x1488, s30;
	[sflag:s25] =	ssyncadd.s32 $0xFFFFC680  }
0xb8: {  	[tilespmem:s18], [sflag:$0x5] =	stream.linear.gather [hbm4b:s30+s3], $0xC0, $0x38;
	[tilespmem:$0x1FBC0] =	vst v63  }
0xb9: {  	_ =	swait.ge [sflag:s15], $0xC0  }
0xba: {  	[sflag:s15] =	ssyncset.done $0x0  }
0xbb: {  	[sflag:s15] =	ssyncadd.s32 $0xFFFFFF40  }
0xbc: {  	[tilespmem:s19], [sflag:$0x2] =	stream.indirect.gather [hbm4b:s5+s16], $0xA0, s18, s16, $0xb8;
	[tilespmem:$0x1FBC0] =	vst v63  }
0xbd: {  	_ =	swait.ge [sflag:s20], $0x3980  }
0xbe: {  	[sflag:s20] =	ssyncset.done $0x0  }
.Ltmp9:
0xbf: {  	[sflag:s20] =	ssyncadd.s32 $0xFFFFC680;
	(pc) =	sbr.rel @!p2 .LBB2_5-.Ltmp9, $4  }
0xc0: {  	[spmem:s1] =	stream.indirect.scatter.add.f32 [tilespmem:s17], [sflag:$0x3], $0xA0, s21, s16, $0xb8;
	[tilespmem:$0x1FBC0] =	vst v63  }
0xc1: {  	_ =	swait.ge [sflag:s22], $0x3980  }
0xc2: {  	[sflag:s22] =	ssyncset.done $0x0  }
0xc3: {  	[sflag:s22] =	ssyncadd.s32 $0xFFFFC680  }
0xc4: {  	[spmem:s1] =	stream.indirect.scatter.add.f32 [tilespmem:s19], [sflag:$0x4], $0xA0, s23, s16, $0xb8;
	[tilespmem:$0x1FBC0] =	vst v63  }
0xc5: {  	_ =	swait.ge [sflag:s24], $0x3980  }
0xc6: {  	[sflag:s24] =	ssyncset.done $0x0  }
0xc7: {  	[sflag:s24] =	ssyncadd.s32 $0xFFFFC680  }
0xc8: {  	_ =	swait.ge [sflag:s25], $0x3980  }
0xc9: {  	[sflag:s25] =	ssyncset.done $0x0  }
.Ltmp10:
0xca: {  	[sflag:s25] =	ssyncadd.s32 $0xFFFFC680;
	(pc) =	sbr.rel @!p1 .LBB2_8-.Ltmp10, $4  }
0xcb: {  	[bflag:$0x0] =	sbarrier.arrive $0xFFFF  }
0xcc: {  	[hbm:s13], [sflag:s7] =	dma.local [spmem:s28], $0x1F40  }
0xcd: {  	s29 =	sadd.s32 $0xFA000, s12;
	_ =	swait.ge [sflag:s15], $0x1F40  }
0xce: {  	s30 =	smov.u32 s13;
	s28 =	sadd.s32 $0xFFFFFFFF, s11;
	[sflag:s15] =	ssyncset.done $0x0  }
.LBB2_7:
0xcf: {  	s31 =	sshrl.u32 s29, $0x3  }
0xd0: {  	[sflag:s15] =	ssyncadd.s32 $0xFFFFE0C0;
	s30 =	sadd.s32 $0x1F400, s30;
	p1 =	sne.s32 s28, $0x1  }
0xd1: {  	[hbm:s30], [sflag:s7] =	dma.local [spmem:s31], $0x1F40  }
.Ltmp11:
0xd2: {  	_ = 	snop;
	(pc) =	sbr.rel @p1 .LBB2_7-.Ltmp11, $4  }
0xd3: {  	_ = 	snop  }
0xd4: {  	s28 =	sadd.s32 $0xFFFFFFFF, s28  }
0xd5: {  	_ =	swait.ge [sflag:s15], $0x1F40  }
0xd6: {  	s29 =	sadd.s32 $0xFA000, s29;
	[sflag:s15] =	ssyncset.done $0x0  }
.LBB2_8:
.Ltmp12:
0xd7: {  	(pc) =	sbr.rel .LBB2_14-.Ltmp12, $2  }
0xd8: {  	_ =	sdelay $0x2  }
0xd9: {  	[sflag:s15] =	ssyncadd.s32 $0xFFFFE0C0  }
.LBB2_15:
0xda: {  	_ =	sfence.sel $0x180000  }
0xdb: {  	[bflag:$0x0] =	sbarrier.arrive $0xFFFF  }
0xdc: {  	p0 =	sne.s32 s2, $0x0;
	_ =	strace $0x9000004A  }
0xdd: {  	s0 =	sadd.s32 @!p0 $0x100000, s0;
	[bflag:$0x2] =	sbarrier.arrive $0xFFFF  }
0xde: {  	[sflag:s0] =	ssyncadd.tile.s32 @!p0 $0x1;
	_ =	shalt  }
.Lfunc_end2:
_tile_overlayer_lowered:
.L_overlay_start_2:
0xdf: {  	(tag) =	ssettag $0x2  }
0xe0: {  	s0 =	rddreg [dreg:$0x0];
	s2 =	stileid.u32  }
0xe1: {  	s1 =	rddreg [dreg:$0x1];
	p0 =	sne.s32 s2, $0x0  }
0xe2: {  	s3 =	rddreg [dreg:$0x2];
	[bflag:$0x3] =	sbarrier.arrive $0xFFFF;
	s2 =	simm.s32 @!p0 $0x1C05  }
0xe3: {  	[timem:s3], [sflag:s2] =	dma.local @!p0 [hbm:s0], s1  }
0xe4: {  	s0 =	simm.s32 @!p0 $0x5  }
0xe5: {  	_ =	swait.ge @!p0 [sflag:s0], s1  }
0xe6: {  	s1 =	ssub.s32 @!p0 $0x0, s1;
	[sflag:s0] =	ssyncset.done @!p0 $0x0  }
0xe7: {  	[sflag:s0] =	ssyncadd.s32 @!p0 s1  }
0xe8: {  	[bflag:$0x3] =	sbarrier.arrive $0xFFFF  }
0xe9: {  	_ =	shalt  }

// kernel: kernel.15.cloned.1.call-start
scs
__scs_entry_jumppad:
0x0: {  	(pc) =	sbr.rel $0x88, $3  }
0x1: {  	(tag) =	ssettag $0x0;
	lr =	simm.s32 $0x1  }
0x2: {  	[smem:$0x3F8E] =	sst lr;
	_ =	strace $0xD0000000  }
0x3: {  	_ = 	snop  }
0x4: {  	_ = 	snop  }
0x5: {  	_ = 	snop  }
0x6: {  	_ = 	snop  }
0x7: {  	_ = 	snop  }
__scs_overlays_trampoline_lowered:
0x8: {  	[smem:$0x3F9D] =	sst s0  }
0x9: {  	[smem:$0x3F9E] =	sst s1  }
0xa: {  	[smem:$0x3F9F] =	sst s2  }
0xb: {  	[smem:$0x3FA0] =	sst s3  }
0xc: {  	[smem:$0x3FA1] =	sst s4  }
0xd: {  	[smem:$0x3FA2] =	sst s5  }
0xe: {  	[smem:$0x3FA3] =	sst s6  }
0xf: {  	[smem:$0x3FA4] =	sst s7  }
0x10: {  	[smem:$0x3FA5] =	sst s8  }
0x11: {  	[smem:$0x3FA6] =	sst s9;
	s0 =	simm.s32 @!p0 $0x0  }
0x12: {  	s1 =	sld [smem:$0x3F8C];
	s0 =	simm.s32 @p0 $0x1  }
0x13: {  	[smem:$0x3FA7] =	sst s0;
	s0 =	simm.s32 @!p1 $0x0  }
0x14: {  	s2 =	sld [smem:$0x3F8B];
	s0 =	simm.s32 @p1 $0x1  }
0x15: {  	[smem:$0x3FA8] =	sst s0;
	s0 =	simm.s32 @!p2 $0x0  }
0x16: {  	s3 =	sld [smem:$0x3FDB];
	s0 =	simm.s32 @p2 $0x1  }
0x17: {  	s4 =	simm.s32 $0x1BF5;
	[smem:$0x3FAA] =	sst s0  }
0x18: {  	s0 =	sld [smem:$0x3F8D];
	_ =	swait.ge [sflag:s4], $0x0  }
0x19: {  	s7 =	sld [smem:$0x3F8E]  }
0x1a: {  	s8 =	sadd.s32 $0xFFFFE003, lr  }
0x1b: {  	s9 =	sadd.s32 $0xFFFFFEF7, lr;
	s5 =	simm.s32 $0xFFFFFFFF;
	p2 =	slt.u32 s8, $0xFFFFF086  }
0x1c: {  	p1 =	slt.u32 s9, $0xF7A;
	s5 =	simm.s32 @!p2 $0x0  }
0x1d: {  	s5 =	simm.s32 @p1 $0x1;
	p0 =	seq.s32 s7, s2  }
0x1e: {  	s7 =	smul.u32 @!p0 $0xF7A, s2;
	p2 =	seq.s32 @!p0 s5, $0x0  }
0x1f: {  	s9 =	smul.u32 $0xF7A, s1;
	s8 =	simm.s32 @!p0 $0x1BF5;
	p2 =	por !p2, p0  }
0x20: {  	[sflag:s8] =	ssyncset.s32 @!p0 $0xFFFFF086;
	s6 =	sadd.s32 @!p0 s3, s7;
	s7 =	simm.s32 @!p0 $0x108  }
0x21: {  	s3 =	sadd.s32 s3, s9;
	s6 =	sadd.s32 @!p0 $0x88, s6;
	s7 =	simm.s32 @p2 $0x1082  }
0x22: {  	[simem:s7], [sflag:s8] =	dma.local @!p0 [hbm:s6], $0xF7A  }
0x23: {  	s9 =	sor.u32 $0xD0000000, s2;
	s6 =	simm.s32 $0x108;
	_ =	swait.ge @!p0 [sflag:s8], $0x0  }
0x24: {  	s3 =	sadd.s32 $0x88, s3;
	s6 =	simm.s32 @!p1 $0x1082;
	[sflag:s4] =	ssyncset.s32 $0xFFFFF086  }
0x25: {  	[simem:s6], [sflag:s4] =	dma.local [hbm:s3], $0xF7A  }
0x26: {  	[smem:$0x3F8E] =	sst s1;
	(tag) =	ssettag s2;
	_ =	strace s9  }
0x27: {  	s1 =	sld [smem:$0x3F9E]  }
0x28: {  	s2 =	sld [smem:$0x3F9F]  }
0x29: {  	s4 =	sld [smem:$0x3FA1]  }
0x2a: {  	p0 =	seq.s32 s5, $0x0;
	s5 =	sld [smem:$0x3FA2]  }
0x2b: {  	s6 =	sld [smem:$0x3FA3]  }
0x2c: {  	s7 =	sld [smem:$0x3FA4]  }
0x2d: {  	s3 =	simm.s32 $0x108;
	s8 =	sld [smem:$0x3FA5]  }
0x2e: {  	s3 =	simm.s32 @!p0 $0x1082;
	s9 =	sld [smem:$0x3FA6]  }
0x2f: {  	lr =	sadd.s32 s0, s3;
	s0 =	sld [smem:$0x3F9D]  }
0x30: {  	s3 =	sld [smem:$0x3FA0]  }
0x31: {  	[smem:$0x3FA9] =	sst s10  }
0x32: {  	s10 =	sld [smem:$0x3FA7];
	_ =	sdelay $0x3  }
0x33: {  	p0 =	seq.s32 s10, $0x1;
	s10 =	sld [smem:$0x3FA9];
	_ =	sdelay $0x3  }
0x34: {  	[smem:$0x3FA9] =	sst s10  }
0x35: {  	s10 =	sld [smem:$0x3FA8];
	_ =	sdelay $0x3  }
0x36: {  	p1 =	seq.s32 s10, $0x1;
	s10 =	sld [smem:$0x3FA9];
	_ =	sdelay $0x3  }
0x37: {  	[smem:$0x3FA9] =	sst s10  }
0x38: {  	s10 =	sld [smem:$0x3FAA]  }
0x39: {  	_ = 	snop;
	(pc) =	sbr.ind lr, $3  }
0x3a: {  	_ = 	snop  }
0x3b: {  	_ = 	snop  }
0x3c: {  	p2 =	seq.s32 s10, $0x1;
	s10 =	sld [smem:$0x3FA9]  }
0x3d: {  	_ =	shalt  }
0x3e: {  	_ =	shalt  }
0x3f: {  	_ =	shalt  }
0x40: {  	_ =	shalt  }
0x41: {  	_ =	shalt  }
0x42: {  	_ =	shalt  }
0x43: {  	_ =	shalt  }
0x44: {  	_ =	shalt  }
0x45: {  	_ =	shalt  }
0x46: {  	_ =	shalt  }
0x47: {  	_ =	shalt  }
0x48: {  	_ =	shalt  }
0x49: {  	_ =	shalt  }
0x4a: {  	_ =	shalt  }
0x4b: {  	_ =	shalt  }
0x4c: {  	_ =	shalt  }
0x4d: {  	_ =	shalt  }
0x4e: {  	_ =	shalt  }
0x4f: {  	_ =	shalt  }
0x50: {  	_ =	shalt  }
0x51: {  	_ =	shalt  }
0x52: {  	_ =	shalt  }
0x53: {  	_ =	shalt  }
0x54: {  	_ =	shalt  }
0x55: {  	_ =	shalt  }
0x56: {  	_ =	shalt  }
0x57: {  	_ =	shalt  }
0x58: {  	_ =	shalt  }
0x59: {  	_ =	shalt  }
0x5a: {  	_ =	shalt  }
0x5b: {  	_ =	shalt  }
0x5c: {  	_ =	shalt  }
0x5d: {  	_ =	shalt  }
0x5e: {  	_ =	shalt  }
0x5f: {  	_ =	shalt  }
0x60: {  	_ =	shalt  }
0x61: {  	_ =	shalt  }
0x62: {  	_ =	shalt  }
0x63: {  	_ =	shalt  }
0x64: {  	_ =	shalt  }
0x65: {  	_ =	shalt  }
0x66: {  	_ =	shalt  }
0x67: {  	_ =	shalt  }
0x68: {  	_ =	shalt  }
0x69: {  	_ =	shalt  }
0x6a: {  	_ =	shalt  }
0x6b: {  	_ =	shalt  }
0x6c: {  	_ =	shalt  }
0x6d: {  	_ =	shalt  }
0x6e: {  	_ =	shalt  }
0x6f: {  	_ =	shalt  }
0x70: {  	_ =	shalt  }
0x71: {  	_ =	shalt  }
0x72: {  	_ =	shalt  }
0x73: {  	_ =	shalt  }
0x74: {  	_ =	shalt  }
0x75: {  	_ =	shalt  }
0x76: {  	_ =	shalt  }
0x77: {  	_ =	shalt  }
0x78: {  	_ =	shalt  }
0x79: {  	_ =	shalt  }
0x7a: {  	_ =	shalt  }
0x7b: {  	_ =	shalt  }
0x7c: {  	_ =	shalt  }
0x7d: {  	_ =	shalt  }
0x7e: {  	_ =	shalt  }
0x7f: {  	_ =	shalt  }
0x80: {  	_ =	shalt  }
0x81: {  	_ =	shalt  }
0x82: {  	_ =	shalt  }
0x83: {  	_ =	shalt  }
0x84: {  	_ =	shalt  }
0x85: {  	_ =	shalt  }
0x86: {  	_ =	shalt  }
0x87: {  	_ =	shalt  }
.Lfunc_end0:
.L_simem_size_0:
called_computation.2_lowered:
.L_overlay_start_0:
0x88: {  	s2 =	sld [smem:$0x3FD9]  }
0x89: {  	s3 =	sld [smem:$0x3FFE];
	_ =	sdelay $0x1  }
0x8a: {  	s1 =	srdreg.scid  }
0x8b: {  	s0 =	sand.u32 $0x1, s1  }
0x8c: {  	s16 =	sshll.u32 s0, $0xA;
	s2 =	sadd.s32 s3, s2  }
0x8d: {  	s2 =	sadd.s32 s2, s16  }
0x8e: {  	[smem:$0x3FB5] =	sst s2  }
0x8f: {  	_ = 	snop  }
0x90: {  	(tm) =	ssettm $0x1  }
0x91: {  	s17 =	sld [smem:$0x3FFB];
	_ =	sdelay $0x3  }
0x92: {  	_ =	strace s17  }
0x93: {  	s2 =	sld [smem:$0x3FFC];
	_ =	sdelay $0x3  }
0x94: {  	_ =	strace s2  }
0x95: {  	s2 =	sld [smem:$0x3FFD];
	_ =	sdelay $0x3  }
0x96: {  	_ =	strace s2  }
0x97: {  	_ =	strace $0x8FFFFFFF  }
0x98: {  	s18 =	sld [smem:$0x3FDB];
	_ =	sdelay $0x1  }
0x99: {  	s19 =	simm.s32 $_scs_section_size  }
0x9a: {  	s4 =	simm.s32 $_size__tile_overlayer_lowered;
	s5 =	simm.s32 $_tile_overlayer_lowered  }
0x9b: {  	s22 =	simm.s32 $0x1BFF;
	s21 =	sshll.u32 s5, $0x1;
	s2 =	sadd.s32 s19, s18  }
0x9c: {  	s6 =	simm.s32 $0x0;
	s20 =	sshll.u32 s4, $0x1;
	s4 =	sadd.s32 s21, s2  }
0x9d: {  	[timem:s6], [sflag:s22] =	dma.local [hbm:s4], s20  }
0x9e: {  	_ =	swait.ge [sflag:s22], s20  }
0x9f: {  	s3 =	ssub.s32 $0x0, s20;
	[sflag:s22] =	ssyncset.done $0x0  }
0xa0: {  	[sflag:s22] =	ssyncadd.s32 s3;
	_ =	sdelay $0x1  }
0xa1: {  	s23 =	simm.s32 $0x1B8B  }
0xa2: {  	_ =	swait.ge [sflag:s23], $0x1  }
0xa3: {  	[sflag:s23] =	ssyncset.done $0x0  }
0xa4: {  	s25 =	simm.s32 $0x1B8E;
	s24 =	sld [smem:$0x3FFE];
	[sflag:s23] =	ssyncadd.s32 $0xFFFFFFFF  }
0xa5: {  	s26 =	simm.s32 $execute0_lowered;
	[smem:$0x3FD2] =	sst s25  }
0xa6: {  	s4 =	sshll.u32 s26, $0x1;
	_ =	strace $0x8000004C;
	[dreg:$0x1] =	wrdreg $0xFFFFFFFF  }
0xa7: {  	s28 =	simm.s32 $_size_execute0_lowered;
	s2 =	sadd.s32 s2, s4;
	[dreg:$0x0] =	wrdreg $0x0  }
0xa8: {  	s4 =	sshll.u32 s28, $0x1;
	[dreg:$0x2] =	wrdreg s2  }
0xa9: {  	[dreg:$0x3] =	wrdreg s4  }
0xaa: {  	[dreg:$0x4] =	wrdreg $0xC0  }
0xab: {  	_ =	task [dreg:s6], $0x5FFFF  }
0xac: {  	[dreg:$0x1] =	wrdreg $0xFFFFFFFF  }
0xad: {  	[dreg:$0x0] =	wrdreg $0x60  }
0xae: {  	[dreg:$0x2] =	wrdreg s24  }
0xaf: {  	[dreg:$0x3] =	wrdreg $0x74800  }
0xb0: {  	[dreg:$0x4] =	wrdreg $0x9  }
0xb1: {  	_ =	task.clear_ibuf [dreg:s6], $0x5FFFF;
	_ =	strace $0x9000004C  }
0xb2: {  	s29 =	simm.s32 $0x9;
	_ =	strace $0x8000004E  }
0xb3: {  	_ =	swait.ge [sflag:s29], $0x1  }
0xb4: {  	[sflag:s29] =	ssyncadd.s32 $0xFFFFFFFF  }
0xb5: {  	_ =	strace $0x9000004E  }
0xb6: {  	_ =	sfence  }
0xb7: {  	s30 =	sld [smem:$0x0];
	_ =	sdelay $0x2  }
0xb8: {  	s31 =	sshll.u32 s1, $0xD;
	s1 =	sshrl.u32 s1, $0x2  }
0xb9: {  	s3 =	sand.u32 $0x4000, s31;
	s1 =	sadd.s32 s1, s30  }
0xba: {  	s0 =	sor.u32 s3, s0;
	s1 =	sshll.u32 s1, $0x11  }
0xbb: {  	s0 =	sor.u32 s1, s0  }
0xbc: {  	s0 =	sadd.s32 $0x8F2B, s0  }
0xbd: {  	[sflag:s0] =	ssyncadd.remote.s32 $0x1  }
0xbe: {  	_ =	sfence.sel $0xFFFF  }
0xbf: {  	[dreg:$0x0] =	wrdreg $0xFFFFFFFF;
	(pc) =	sbr.abs _section_cstart, $3  }
0xc0: {  	[dreg:$0x1] =	wrdreg $0xFFFFFFFF  }
0xc1: {  	_ =	task.clear_ibuf [dreg:s6], $0x2FFFF;
	_ =	strace $0x9FFFFFFF  }
0xc2: {  	(tm) =	ssettm $0x7FFFFFFF  }
0xc3: {  	_ =	shalt  }
tec
execute0_lowered:
.L_overlay_start_1:
0x0: {  	(tag) =	ssettag $0x1  }
0x1: {  	s7 =	rddreg [dreg:$0x0]  }
0x2: {  	s1 =	rddreg [dreg:$0x1]  }
0x3: {  	s0 =	rddreg [dreg:$0x2];
	s3 =	simm.s32 $0x0  }
0x4: {  	s2 =	stileid.u32;
	s6 =	srdreg.scid;
	s17 =	simm.s32 $0x180  }
0x5: {  	s18 =	simm.s32 $0xC0;
	s19 =	simm.s32 $0x3B00;
	s20 =	simm.s32 $0x1  }
0x6: {  	s21 =	simm.s32 $0x60;
	s22 =	simm.s32 $0x2;
	s23 =	simm.s32 $0x120  }
0x7: {  	s24 =	simm.s32 $0x3;
	s25 =	simm.s32 $0x4;
	[smem:$0x7FF] =	sst s3  }
0x8: {  	s4 =	sadd.s32 $0x4B800, s7;
	s5 =	sadd.s32 $0x4200, s7;
	s8 =	smul.u32 $0x1F40, s2  }
0x9: {  	s16 =	sand.u32 $0x1, s6;
	s10 =	sadd.s32 $0x35000, s7;
	s11 =	smul.u32 $0x1470, s2  }
0xa: {  	s6 =	sadd.s32 $0x49800, s7;
	s29 =	ssub.s32 $0x18, s2;
	s30 =	smul.u32 $0xA380, s2  }
0xb: {  	s31 =	sshll.u32 s2, $0x6;
	s13 =	smul.u32 $0x3E800, s2;
	_ =	strace $0x8000004D  }
0xc: {  	s9 =	ssub.s32 $0x2, s16;
	s12 =	sshrl.u32 s29, $0x4;
	p0 =	seq.s32 s16, $0x0  }
0xd: {  	s16 =	simm.s32 $0x5C;
	s14 =	sadd.s32 s8, s7;
	s26 =	sshrl.u32 s9, $0x1  }
.Ltmp0:
0xe: {  	s7 =	sor.u32 $0x1C05, s31;
	s15 =	sshrl.u32 s30, $0x3;
	(pc) =	sbr.rel .LBB2_1-.Ltmp0, $4  }
0xf: {  	s13 =	sshrl.u32 s13, $0x2;
	s28 =	ssub.s32 s9, s26;
	s9 =	sadd.s32 s10, s11  }
0x10: {  	s10 =	sadd.s32 s10, s15;
	s11 =	sadd.s32 $0x1, s12;
	s12 =	sadd.s32 s13, s1  }
0x11: {  	s13 =	sadd.s32 $0x7C600, s14;
	s14 =	sadd.s32 $0xAD400, s14;
	s15 =	simm.s32 $0x5  }
0x12: {  	s26 =	simm.s32 $0x0;
	s8 =	smax.u32 s28, $0x1;
	s10 =	sadd.s32 $0x18, s10  }
.LBB2_13:
0x13: {  	[sflag:s15] =	ssyncadd.s32 $0xFFFFE0C0  }
.LBB2_14:
0x14: {  	s26 =	sadd.s32 $0x1, s26  }
0x15: {  	p1 =	sne.s32 s26, s8  }
.Ltmp1:
0x16: {  	_ = 	snop;
	(pc) =	sbr.rel @!p1 .LBB2_15-.Ltmp1, $1  }
0x17: {  	_ =	sdelay $0x3  }
.LBB2_1:
0x18: {  	p1 =	sne.s32 s11, $0x1  }
.Ltmp2:
0x19: {  	_ = 	snop;
	(pc) =	sbr.rel @!p1 .LBB2_3-.Ltmp2, $4  }
0x1a: {  	s28 =	sshrl.u32 s12, $0x3  }
0x1b: {  	[spmem:s28], [sflag:s7] =	dma.local [hbm:s6], $0x1F40  }
0x1c: {  	_ =	swait.ge [sflag:s15], $0x1F40  }
0x1d: {  	s29 =	sadd.s32 $0xFFFFFFFF, s11;
	s30 =	sadd.s32 $0xFA000, s12;
	[sflag:s15] =	ssyncset.done $0x0  }
.LBB2_2:
0x1e: {  	s31 =	sshrl.u32 s30, $0x3;
	[sflag:s15] =	ssyncadd.s32 $0xFFFFE0C0;
	p2 =	sne.s32 s29, $0x1  }
0x1f: {  	[spmem:s31], [sflag:s7] =	dma.local [hbm:s6], $0x1F40  }
.Ltmp3:
0x20: {  	_ = 	snop;
	(pc) =	sbr.rel @p2 .LBB2_2-.Ltmp3, $4  }
0x21: {  	_ = 	snop  }
0x22: {  	s29 =	sadd.s32 $0xFFFFFFFF, s29  }
0x23: {  	_ =	swait.ge [sflag:s15], $0x1F40  }
0x24: {  	s30 =	sadd.s32 $0xFA000, s30;
	[sflag:s15] =	ssyncset.done $0x0  }
.LBB2_3:
.Ltmp4:
0x25: {  	(pc) =	sbr.rel @!p0 .LBB2_4-.Ltmp4, $3  }
0x26: {  	_ = 	snop  }
0x27: {  	[sflag:s15] =	ssyncadd.s32 $0xFFFFE0C0  }
0x28: {  	[bflag:$0x0] =	sbarrier.arrive $0xFFFF;
	_ =	sdelay $0x1  }
0x29: {  	[tilespmem:s3], [sflag:$0x5] =	stream.linear.gather [hbm4b:s9+s3], $0xC0, $0x38;
	[tilespmem:$0x1FBC0] =	vst v63  }
0x2a: {  	_ =	swait.ge [sflag:s15], $0xC0  }
0x2b: {  	[sflag:s15] =	ssyncset.done $0x0  }
0x2c: {  	[sflag:s15] =	ssyncadd.s32 $0xFFFFFF40  }
0x2d: {  	[tilespmem:s17], [sflag:$0x1] =	stream.indirect.gather [hbm4b:s4+s16], $0xA0, s3, s16, $0xb8;
	[tilespmem:$0x1FBC0] =	vst v63  }
0x2e: {  	_ = 	snop  }
0x2f: {  	[tilespmem:s18], [sflag:$0x5] =	stream.linear.gather [hbm4b:s10+s3], $0xC0, $0x38;
	[tilespmem:$0x1FBC0] =	vst v63  }
0x30: {  	_ =	swait.ge [sflag:s15], $0xC0  }
0x31: {  	[sflag:s15] =	ssyncset.done $0x0  }
0x32: {  	[sflag:s15] =	ssyncadd.s32 $0xFFFFFF40  }
0x33: {  	[tilespmem:s19], [sflag:$0x2] =	stream.indirect.gather [hbm4b:s4+s16], $0xA0, s18, s16, $0xb8;
	[tilespmem:$0x1FBC0] =	vst v63  }
0x34: {  	_ =	swait.ge [sflag:s20], $0x3980  }
0x35: {  	[sflag:s20] =	ssyncset.done $0x0  }
0x36: {  	[sflag:s20] =	ssyncadd.s32 $0xFFFFC680  }
0x37: {  	[spmem:s1] =	stream.indirect.scatter.add.f32 [tilespmem:s17], [sflag:$0x3], $0xA0, s21, s16, $0xb8;
	[tilespmem:$0x1FBC0] =	vst v63  }
0x38: {  	_ =	swait.ge [sflag:s22], $0x3980  }
0x39: {  	[sflag:s22] =	ssyncset.done $0x0  }
0x3a: {  	[sflag:s22] =	ssyncadd.s32 $0xFFFFC680  }
0x3b: {  	[spmem:s1] =	stream.indirect.scatter.add.f32 [tilespmem:s19], [sflag:$0x4], $0xA0, s23, s16, $0xb8;
	[tilespmem:$0x1FBC0] =	vst v63  }
0x3c: {  	_ =	swait.ge [sflag:s24], $0x3980  }
0x3d: {  	s29 =	sadd.s32 $0xFFFFEBC0, s9;
	[sflag:s24] =	ssyncset.done $0x0  }
0x3e: {  	s30 =	sadd.s32 $0x1470, s29;
	[sflag:s24] =	ssyncadd.s32 $0xFFFFC680  }
0x3f: {  	[tilespmem:s3], [sflag:$0x5] =	stream.linear.gather [hbm4b:s30+s3], $0xC0, $0x38;
	[tilespmem:$0x1FBC0] =	vst v63  }
0x40: {  	_ =	swait.ge [sflag:s15], $0xC0  }
0x41: {  	[sflag:s15] =	ssyncset.done $0x0  }
0x42: {  	[sflag:s15] =	ssyncadd.s32 $0xFFFFFF40  }
0x43: {  	[tilespmem:s17], [sflag:$0x1] =	stream.indirect.gather [hbm4b:s4+s16], $0xA0, s3, s16, $0xb8;
	[tilespmem:$0x1FBC0] =	vst v63  }
0x44: {  	_ =	swait.ge [sflag:s25], $0x3980  }
0x45: {  	[sflag:s25] =	ssyncset.done $0x0  }
0x46: {  	s29 =	sadd.s32 $0x1488, s29;
	[sflag:s25] =	ssyncadd.s32 $0xFFFFC680  }
0x47: {  	[tilespmem:s18], [sflag:$0x5] =	stream.linear.gather [hbm4b:s29+s3], $0xC0, $0x38;
	[tilespmem:$0x1FBC0] =	vst v63  }
0x48: {  	_ =	swait.ge [sflag:s15], $0xC0  }
0x49: {  	[sflag:s15] =	ssyncset.done $0x0  }
0x4a: {  	[sflag:s15] =	ssyncadd.s32 $0xFFFFFF40  }
0x4b: {  	[tilespmem:s19], [sflag:$0x2] =	stream.indirect.gather [hbm4b:s4+s16], $0xA0, s18, s16, $0xb8;
	[tilespmem:$0x1FBC0] =	vst v63  }
0x4c: {  	_ =	swait.ge [sflag:s20], $0x3980  }
0x4d: {  	[sflag:s20] =	ssyncset.done $0x0  }
0x4e: {  	[sflag:s20] =	ssyncadd.s32 $0xFFFFC680  }
0x4f: {  	[spmem:s1] =	stream.indirect.scatter.add.f32 [tilespmem:s17], [sflag:$0x3], $0xA0, s21, s16, $0xb8;
	[tilespmem:$0x1FBC0] =	vst v63  }
0x50: {  	_ =	swait.ge [sflag:s22], $0x3980  }
0x51: {  	[sflag:s22] =	ssyncset.done $0x0  }
0x52: {  	s29 =	simm.s32 $0xFFFFEBF0;
	[sflag:s22] =	ssyncadd.s32 $0xFFFFC680  }
.LBB2_10:
0x53: {  	[spmem:s1] =	stream.indirect.scatter.add.f32 [tilespmem:s19], [sflag:$0x4], $0xA0, s23, s16, $0xb8;
	[tilespmem:$0x1FBC0] =	vst v63  }
0x54: {  	s30 =	smov.u32 s29  }
0x55: {  	p1 =	sne.s32 s29, $0xFFFFFFD0;
	s29 =	sadd.s32 $0x30, s29;
	_ =	swait.ge [sflag:s24], $0x3980  }
0x56: {  	s30 =	sadd.s32 s30, s9;
	[sflag:s24] =	ssyncset.done $0x0  }
0x57: {  	s31 =	sadd.s32 $0x1470, s30;
	[sflag:s24] =	ssyncadd.s32 $0xFFFFC680  }
0x58: {  	[tilespmem:s3], [sflag:$0x5] =	stream.linear.gather [hbm4b:s31+s3], $0xC0, $0x38;
	[tilespmem:$0x1FBC0] =	vst v63  }
0x59: {  	_ =	swait.ge [sflag:s15], $0xC0  }
0x5a: {  	[sflag:s15] =	ssyncset.done $0x0  }
0x5b: {  	[sflag:s15] =	ssyncadd.s32 $0xFFFFFF40  }
0x5c: {  	[tilespmem:s17], [sflag:$0x1] =	stream.indirect.gather [hbm4b:s4+s16], $0xA0, s3, s16, $0xb8;
	[tilespmem:$0x1FBC0] =	vst v63  }
0x5d: {  	_ =	swait.ge [sflag:s25], $0x3980  }
0x5e: {  	[sflag:s25] =	ssyncset.done $0x0  }
0x5f: {  	s30 =	sadd.s32 $0x1488, s30;
	[sflag:s25] =	ssyncadd.s32 $0xFFFFC680  }
0x60: {  	[tilespmem:s18], [sflag:$0x5] =	stream.linear.gather [hbm4b:s30+s3], $0xC0, $0x38;
	[tilespmem:$0x1FBC0] =	vst v63  }
0x61: {  	_ =	swait.ge [sflag:s15], $0xC0  }
0x62: {  	[sflag:s15] =	ssyncset.done $0x0  }
0x63: {  	[sflag:s15] =	ssyncadd.s32 $0xFFFFFF40  }
0x64: {  	[tilespmem:s19], [sflag:$0x2] =	stream.indirect.gather [hbm4b:s4+s16], $0xA0, s18, s16, $0xb8;
	[tilespmem:$0x1FBC0] =	vst v63  }
0x65: {  	_ =	swait.ge [sflag:s20], $0x3980  }
0x66: {  	[sflag:s20] =	ssyncset.done $0x0  }
.Ltmp5:
0x67: {  	[sflag:s20] =	ssyncadd.s32 $0xFFFFC680;
	(pc) =	sbr.rel @p1 .LBB2_10-.Ltmp5, $4  }
0x68: {  	[spmem:s1] =	stream.indirect.scatter.add.f32 [tilespmem:s17], [sflag:$0x3], $0xA0, s21, s16, $0xb8;
	[tilespmem:$0x1FBC0] =	vst v63  }
0x69: {  	_ =	swait.ge [sflag:s22], $0x3980  }
0x6a: {  	[sflag:s22] =	ssyncset.done $0x0  }
0x6b: {  	[sflag:s22] =	ssyncadd.s32 $0xFFFFC680  }
0x6c: {  	[spmem:s1] =	stream.indirect.scatter.add.f32 [tilespmem:s19], [sflag:$0x4], $0xA0, s23, s16, $0xb8;
	[tilespmem:$0x1FBC0] =	vst v63  }
0x6d: {  	_ =	swait.ge [sflag:s24], $0x3980  }
0x6e: {  	[sflag:s24] =	ssyncset.done $0x0  }
0x6f: {  	[sflag:s24] =	ssyncadd.s32 $0xFFFFC680  }
0x70: {  	_ =	swait.ge [sflag:s25], $0x3980  }
0x71: {  	p1 =	seq.s32 s11, $0x1;
	[sflag:s25] =	ssyncset.done $0x0  }
.Ltmp6:
0x72: {  	[sflag:s25] =	ssyncadd.s32 $0xFFFFC680;
	(pc) =	sbr.rel @p1 .LBB2_13-.Ltmp6, $4  }
0x73: {  	[bflag:$0x0] =	sbarrier.arrive $0xFFFF  }
0x74: {  	[hbm:s14], [sflag:s7] =	dma.local [spmem:s28], $0x1F40  }
0x75: {  	s29 =	sadd.s32 $0xFA000, s12;
	_ =	swait.ge [sflag:s15], $0x1F40  }
0x76: {  	s30 =	smov.u32 s14;
	s28 =	sadd.s32 $0xFFFFFFFF, s11;
	[sflag:s15] =	ssyncset.done $0x0  }
.LBB2_12:
0x77: {  	s31 =	sshrl.u32 s29, $0x3  }
0x78: {  	[sflag:s15] =	ssyncadd.s32 $0xFFFFE0C0;
	s30 =	sadd.s32 $0x1F400, s30;
	p1 =	seq.s32 s28, $0x1  }
0x79: {  	[hbm:s30], [sflag:s7] =	dma.local [spmem:s31], $0x1F40  }
.Ltmp7:
0x7a: {  	_ = 	snop;
	(pc) =	sbr.rel @!p1 .LBB2_12-.Ltmp7, $4  }
0x7b: {  	_ = 	snop  }
0x7c: {  	s28 =	sadd.s32 $0xFFFFFFFF, s28  }
0x7d: {  	_ =	swait.ge [sflag:s15], $0x1F40  }
0x7e: {  	s29 =	sadd.s32 $0xFA000, s29;
	[sflag:s15] =	ssyncset.done $0x0  }
.Ltmp8:
0x7f: {  	_ = 	snop;
	(pc) =	sbr.rel .LBB2_13-.Ltmp8, $1  }
0x80: {  	_ =	sdelay $0x3  }
.LBB2_4:
0x81: {  	[tilespmem:s3], [sflag:$0x5] =	stream.linear.gather [hbm4b:s9+s3], $0xC0, $0x38;
	[tilespmem:$0x1FBC0] =	vst v63  }
0x82: {  	_ =	swait.ge [sflag:s15], $0xC0  }
0x83: {  	[sflag:s15] =	ssyncset.done $0x0  }
0x84: {  	[sflag:s15] =	ssyncadd.s32 $0xFFFFFF40  }
0x85: {  	[tilespmem:s17], [sflag:$0x1] =	stream.indirect.gather [hbm4b:s5+s16], $0xA0, s3, s16, $0xb8;
	[tilespmem:$0x1FBC0] =	vst v63  }
0x86: {  	_ = 	snop  }
0x87: {  	[tilespmem:s18], [sflag:$0x5] =	stream.linear.gather [hbm4b:s10+s3], $0xC0, $0x38;
	[tilespmem:$0x1FBC0] =	vst v63  }
0x88: {  	_ =	swait.ge [sflag:s15], $0xC0  }
0x89: {  	[sflag:s15] =	ssyncset.done $0x0  }
0x8a: {  	[sflag:s15] =	ssyncadd.s32 $0xFFFFFF40  }
0x8b: {  	[tilespmem:s19], [sflag:$0x2] =	stream.indirect.gather [hbm4b:s5+s16], $0xA0, s18, s16, $0xb8;
	[tilespmem:$0x1FBC0] =	vst v63  }
0x8c: {  	_ =	swait.ge [sflag:s20], $0x3980  }
0x8d: {  	[sflag:s20] =	ssyncset.done $0x0  }
0x8e: {  	[sflag:s20] =	ssyncadd.s32 $0xFFFFC680  }
0x8f: {  	[spmem:s1] =	stream.indirect.scatter.add.f32 [tilespmem:s17], [sflag:$0x3], $0xA0, s21, s16, $0xb8;
	[tilespmem:$0x1FBC0] =	vst v63  }
0x90: {  	_ =	swait.ge [sflag:s22], $0x3980  }
0x91: {  	[sflag:s22] =	ssyncset.done $0x0  }
0x92: {  	[sflag:s22] =	ssyncadd.s32 $0xFFFFC680  }
0x93: {  	[spmem:s1] =	stream.indirect.scatter.add.f32 [tilespmem:s19], [sflag:$0x4], $0xA0, s23, s16, $0xb8;
	[tilespmem:$0x1FBC0] =	vst v63  }
0x94: {  	_ =	swait.ge [sflag:s24], $0x3980  }
0x95: {  	s29 =	sadd.s32 $0xFFFFEBC0, s9;
	[sflag:s24] =	ssyncset.done $0x0  }
0x96: {  	s30 =	sadd.s32 $0x1470, s29;
	[sflag:s24] =	ssyncadd.s32 $0xFFFFC680  }
0x97: {  	[tilespmem:s3], [sflag:$0x5] =	stream.linear.gather [hbm4b:s30+s3], $0xC0, $0x38;
	[tilespmem:$0x1FBC0] =	vst v63  }
0x98: {  	_ =	swait.ge [sflag:s15], $0xC0  }
0x99: {  	[sflag:s15] =	ssyncset.done $0x0  }
0x9a: {  	[sflag:s15] =	ssyncadd.s32 $0xFFFFFF40  }
0x9b: {  	[tilespmem:s17], [sflag:$0x1] =	stream.indirect.gather [hbm4b:s5+s16], $0xA0, s3, s16, $0xb8;
	[tilespmem:$0x1FBC0] =	vst v63  }
0x9c: {  	_ =	swait.ge [sflag:s25], $0x3980  }
0x9d: {  	[sflag:s25] =	ssyncset.done $0x0  }
0x9e: {  	s29 =	sadd.s32 $0x1488, s29;
	[sflag:s25] =	ssyncadd.s32 $0xFFFFC680  }
0x9f: {  	[tilespmem:s18], [sflag:$0x5] =	stream.linear.gather [hbm4b:s29+s3], $0xC0, $0x38;
	[tilespmem:$0x1FBC0] =	vst v63  }
0xa0: {  	_ =	swait.ge [sflag:s15], $0xC0  }
0xa1: {  	[sflag:s15] =	ssyncset.done $0x0  }
0xa2: {  	[sflag:s15] =	ssyncadd.s32 $0xFFFFFF40  }
0xa3: {  	[tilespmem:s19], [sflag:$0x2] =	stream.indirect.gather [hbm4b:s5+s16], $0xA0, s18, s16, $0xb8;
	[tilespmem:$0x1FBC0] =	vst v63  }
0xa4: {  	_ =	swait.ge [sflag:s20], $0x3980  }
0xa5: {  	[sflag:s20] =	ssyncset.done $0x0  }
0xa6: {  	[sflag:s20] =	ssyncadd.s32 $0xFFFFC680  }
0xa7: {  	[spmem:s1] =	stream.indirect.scatter.add.f32 [tilespmem:s17], [sflag:$0x3], $0xA0, s21, s16, $0xb8;
	[tilespmem:$0x1FBC0] =	vst v63  }
0xa8: {  	_ =	swait.ge [sflag:s22], $0x3980  }
0xa9: {  	[sflag:s22] =	ssyncset.done $0x0  }
0xaa: {  	s29 =	simm.s32 $0xFFFFEBF0;
	[sflag:s22] =	ssyncadd.s32 $0xFFFFC680  }
.LBB2_5:
0xab: {  	[spmem:s1] =	stream.indirect.scatter.add.f32 [tilespmem:s19], [sflag:$0x4], $0xA0, s23, s16, $0xb8;
	[tilespmem:$0x1FBC0] =	vst v63  }
0xac: {  	s30 =	smov.u32 s29  }
0xad: {  	p2 =	seq.s32 s29, $0xFFFFFFD0;
	s29 =	sadd.s32 $0x30, s29;
	_ =	swait.ge [sflag:s24], $0x3980  }
0xae: {  	s30 =	sadd.s32 s30, s9;
	[sflag:s24] =	ssyncset.done $0x0  }
0xaf: {  	s31 =	sadd.s32 $0x1470, s30;
	[sflag:s24] =	ssyncadd.s32 $0xFFFFC680  }
0xb0: {  	[tilespmem:s3], [sflag:$0x5] =	stream.linear.gather [hbm4b:s31+s3], $0xC0, $0x38;
	[tilespmem:$0x1FBC0] =	vst v63  }
0xb1: {  	_ =	swait.ge [sflag:s15], $0xC0  }
0xb2: {  	[sflag:s15] =	ssyncset.done $0x0  }
0xb3: {  	[sflag:s15] =	ssyncadd.s32 $0xFFFFFF40  }
0xb4: {  	[tilespmem:s17], [sflag:$0x1] =	stream.indirect.gather [hbm4b:s5+s16], $0xA0, s3, s16, $0xb8;
	[tilespmem:$0x1FBC0] =	vst v63  }
0xb5: {  	_ =	swait.ge [sflag:s25], $0x3980  }
0xb6: {  	[sflag:s25] =	ssyncset.done $0x0  }
0xb7: {  	s30 =	sadd.s32 $0x1488, s30;
	[sflag:s25] =	ssyncadd.s32 $0xFFFFC680  }
0xb8: {  	[tilespmem:s18], [sflag:$0x5] =	stream.linear.gather [hbm4b:s30+s3], $0xC0, $0x38;
	[tilespmem:$0x1FBC0] =	vst v63  }
0xb9: {  	_ =	swait.ge [sflag:s15], $0xC0  }
0xba: {  	[sflag:s15] =	ssyncset.done $0x0  }
0xbb: {  	[sflag:s15] =	ssyncadd.s32 $0xFFFFFF40  }
0xbc: {  	[tilespmem:s19], [sflag:$0x2] =	stream.indirect.gather [hbm4b:s5+s16], $0xA0, s18, s16, $0xb8;
	[tilespmem:$0x1FBC0] =	vst v63  }
0xbd: {  	_ =	swait.ge [sflag:s20], $0x3980  }
0xbe: {  	[sflag:s20] =	ssyncset.done $0x0  }
.Ltmp9:
0xbf: {  	[sflag:s20] =	ssyncadd.s32 $0xFFFFC680;
	(pc) =	sbr.rel @!p2 .LBB2_5-.Ltmp9, $4  }
0xc0: {  	[spmem:s1] =	stream.indirect.scatter.add.f32 [tilespmem:s17], [sflag:$0x3], $0xA0, s21, s16, $0xb8;
	[tilespmem:$0x1FBC0] =	vst v63  }
0xc1: {  	_ =	swait.ge [sflag:s22], $0x3980  }
0xc2: {  	[sflag:s22] =	ssyncset.done $0x0  }
0xc3: {  	[sflag:s22] =	ssyncadd.s32 $0xFFFFC680  }
0xc4: {  	[spmem:s1] =	stream.indirect.scatter.add.f32 [tilespmem:s19], [sflag:$0x4], $0xA0, s23, s16, $0xb8;
	[tilespmem:$0x1FBC0] =	vst v63  }
0xc5: {  	_ =	swait.ge [sflag:s24], $0x3980  }
0xc6: {  	[sflag:s24] =	ssyncset.done $0x0  }
0xc7: {  	[sflag:s24] =	ssyncadd.s32 $0xFFFFC680  }
0xc8: {  	_ =	swait.ge [sflag:s25], $0x3980  }
0xc9: {  	[sflag:s25] =	ssyncset.done $0x0  }
.Ltmp10:
0xca: {  	[sflag:s25] =	ssyncadd.s32 $0xFFFFC680;
	(pc) =	sbr.rel @!p1 .LBB2_8-.Ltmp10, $4  }
0xcb: {  	[bflag:$0x0] =	sbarrier.arrive $0xFFFF  }
0xcc: {  	[hbm:s13], [sflag:s7] =	dma.local [spmem:s28], $0x1F40  }
0xcd: {  	s29 =	sadd.s32 $0xFA000, s12;
	_ =	swait.ge [sflag:s15], $0x1F40  }
0xce: {  	s30 =	smov.u32 s13;
	s28 =	sadd.s32 $0xFFFFFFFF, s11;
	[sflag:s15] =	ssyncset.done $0x0  }
.LBB2_7:
0xcf: {  	s31 =	sshrl.u32 s29, $0x3  }
0xd0: {  	[sflag:s15] =	ssyncadd.s32 $0xFFFFE0C0;
	s30 =	sadd.s32 $0x1F400, s30;
	p1 =	sne.s32 s28, $0x1  }
0xd1: {  	[hbm:s30], [sflag:s7] =	dma.local [spmem:s31], $0x1F40  }
.Ltmp11:
0xd2: {  	_ = 	snop;
	(pc) =	sbr.rel @p1 .LBB2_7-.Ltmp11, $4  }
0xd3: {  	_ = 	snop  }
0xd4: {  	s28 =	sadd.s32 $0xFFFFFFFF, s28  }
0xd5: {  	_ =	swait.ge [sflag:s15], $0x1F40  }
0xd6: {  	s29 =	sadd.s32 $0xFA000, s29;
	[sflag:s15] =	ssyncset.done $0x0  }
.LBB2_8:
.Ltmp12:
0xd7: {  	(pc) =	sbr.rel .LBB2_14-.Ltmp12, $2  }
0xd8: {  	_ =	sdelay $0x2  }
0xd9: {  	[sflag:s15] =	ssyncadd.s32 $0xFFFFE0C0  }
.LBB2_15:
0xda: {  	_ =	sfence.sel $0x180000  }
0xdb: {  	[bflag:$0x0] =	sbarrier.arrive $0xFFFF  }
0xdc: {  	p0 =	sne.s32 s2, $0x0;
	_ =	strace $0x9000004D  }
0xdd: {  	s0 =	sadd.s32 @!p0 $0x100000, s0;
	[bflag:$0x2] =	sbarrier.arrive $0xFFFF  }
0xde: {  	[sflag:s0] =	ssyncadd.tile.s32 @!p0 $0x1;
	_ =	shalt  }
.Lfunc_end2:
_tile_overlayer_lowered:
.L_overlay_start_2:
0xdf: {  	(tag) =	ssettag $0x2  }
0xe0: {  	s0 =	rddreg [dreg:$0x0];
	s2 =	stileid.u32  }
0xe1: {  	s1 =	rddreg [dreg:$0x1];
	p0 =	sne.s32 s2, $0x0  }
0xe2: {  	s3 =	rddreg [dreg:$0x2];
	[bflag:$0x3] =	sbarrier.arrive $0xFFFF;
	s2 =	simm.s32 @!p0 $0x1C05  }
0xe3: {  	[timem:s3], [sflag:s2] =	dma.local @!p0 [hbm:s0], s1  }
0xe4: {  	s0 =	simm.s32 @!p0 $0x5  }
0xe5: {  	_ =	swait.ge @!p0 [sflag:s0], s1  }
0xe6: {  	s1 =	ssub.s32 @!p0 $0x0, s1;
	[sflag:s0] =	ssyncset.done @!p0 $0x0  }
0xe7: {  	[sflag:s0] =	ssyncadd.s32 @!p0 s1  }
0xe8: {  	[bflag:$0x3] =	sbarrier.arrive $0xFFFF  }
0xe9: {  	_ =	shalt  }

// kernel: kernel.9.cloned.1.call-start
scs
__scs_entry_jumppad:
0x0: {  	(pc) =	sbr.rel $0x88, $3  }
0x1: {  	(tag) =	ssettag $0x0;
	lr =	simm.s32 $0x1  }
0x2: {  	[smem:$0x3F8E] =	sst lr;
	_ =	strace $0xD0000000  }
0x3: {  	_ = 	snop  }
0x4: {  	_ = 	snop  }
0x5: {  	_ = 	snop  }
0x6: {  	_ = 	snop  }
0x7: {  	_ = 	snop  }
__scs_overlays_trampoline_lowered:
0x8: {  	[smem:$0x3F9D] =	sst s0  }
0x9: {  	[smem:$0x3F9E] =	sst s1  }
0xa: {  	[smem:$0x3F9F] =	sst s2  }
0xb: {  	[smem:$0x3FA0] =	sst s3  }
0xc: {  	[smem:$0x3FA1] =	sst s4  }
0xd: {  	[smem:$0x3FA2] =	sst s5  }
0xe: {  	[smem:$0x3FA3] =	sst s6  }
0xf: {  	[smem:$0x3FA4] =	sst s7  }
0x10: {  	[smem:$0x3FA5] =	sst s8  }
0x11: {  	[smem:$0x3FA6] =	sst s9;
	s0 =	simm.s32 @!p0 $0x0  }
0x12: {  	s1 =	sld [smem:$0x3F8C];
	s0 =	simm.s32 @p0 $0x1  }
0x13: {  	[smem:$0x3FA7] =	sst s0;
	s0 =	simm.s32 @!p1 $0x0  }
0x14: {  	s2 =	sld [smem:$0x3F8B];
	s0 =	simm.s32 @p1 $0x1  }
0x15: {  	[smem:$0x3FA8] =	sst s0;
	s0 =	simm.s32 @!p2 $0x0  }
0x16: {  	s3 =	sld [smem:$0x3FDB];
	s0 =	simm.s32 @p2 $0x1  }
0x17: {  	s4 =	simm.s32 $0x1BF5;
	[smem:$0x3FAA] =	sst s0  }
0x18: {  	s0 =	sld [smem:$0x3F8D];
	_ =	swait.ge [sflag:s4], $0x0  }
0x19: {  	s7 =	sld [smem:$0x3F8E]  }
0x1a: {  	s8 =	sadd.s32 $0xFFFFE003, lr  }
0x1b: {  	s9 =	sadd.s32 $0xFFFFFEF7, lr;
	s5 =	simm.s32 $0xFFFFFFFF;
	p2 =	slt.u32 s8, $0xFFFFF086  }
0x1c: {  	p1 =	slt.u32 s9, $0xF7A;
	s5 =	simm.s32 @!p2 $0x0  }
0x1d: {  	s5 =	simm.s32 @p1 $0x1;
	p0 =	seq.s32 s7, s2  }
0x1e: {  	s7 =	smul.u32 @!p0 $0xF7A, s2;
	p2 =	seq.s32 @!p0 s5, $0x0  }
0x1f: {  	s9 =	smul.u32 $0xF7A, s1;
	s8 =	simm.s32 @!p0 $0x1BF5;
	p2 =	por !p2, p0  }
0x20: {  	[sflag:s8] =	ssyncset.s32 @!p0 $0xFFFFF086;
	s6 =	sadd.s32 @!p0 s3, s7;
	s7 =	simm.s32 @!p0 $0x108  }
0x21: {  	s3 =	sadd.s32 s3, s9;
	s6 =	sadd.s32 @!p0 $0x88, s6;
	s7 =	simm.s32 @p2 $0x1082  }
0x22: {  	[simem:s7], [sflag:s8] =	dma.local @!p0 [hbm:s6], $0xF7A  }
0x23: {  	s9 =	sor.u32 $0xD0000000, s2;
	s6 =	simm.s32 $0x108;
	_ =	swait.ge @!p0 [sflag:s8], $0x0  }
0x24: {  	s3 =	sadd.s32 $0x88, s3;
	s6 =	simm.s32 @!p1 $0x1082;
	[sflag:s4] =	ssyncset.s32 $0xFFFFF086  }
0x25: {  	[simem:s6], [sflag:s4] =	dma.local [hbm:s3], $0xF7A  }
0x26: {  	[smem:$0x3F8E] =	sst s1;
	(tag) =	ssettag s2;
	_ =	strace s9  }
0x27: {  	s1 =	sld [smem:$0x3F9E]  }
0x28: {  	s2 =	sld [smem:$0x3F9F]  }
0x29: {  	s4 =	sld [smem:$0x3FA1]  }
0x2a: {  	p0 =	seq.s32 s5, $0x0;
	s5 =	sld [smem:$0x3FA2]  }
0x2b: {  	s6 =	sld [smem:$0x3FA3]  }
0x2c: {  	s7 =	sld [smem:$0x3FA4]  }
0x2d: {  	s3 =	simm.s32 $0x108;
	s8 =	sld [smem:$0x3FA5]  }
0x2e: {  	s3 =	simm.s32 @!p0 $0x1082;
	s9 =	sld [smem:$0x3FA6]  }
0x2f: {  	lr =	sadd.s32 s0, s3;
	s0 =	sld [smem:$0x3F9D]  }
0x30: {  	s3 =	sld [smem:$0x3FA0]  }
0x31: {  	[smem:$0x3FA9] =	sst s10  }
0x32: {  	s10 =	sld [smem:$0x3FA7];
	_ =	sdelay $0x3  }
0x33: {  	p0 =	seq.s32 s10, $0x1;
	s10 =	sld [smem:$0x3FA9];
	_ =	sdelay $0x3  }
0x34: {  	[smem:$0x3FA9] =	sst s10  }
0x35: {  	s10 =	sld [smem:$0x3FA8];
	_ =	sdelay $0x3  }
0x36: {  	p1 =	seq.s32 s10, $0x1;
	s10 =	sld [smem:$0x3FA9];
	_ =	sdelay $0x3  }
0x37: {  	[smem:$0x3FA9] =	sst s10  }
0x38: {  	s10 =	sld [smem:$0x3FAA]  }
0x39: {  	_ = 	snop;
	(pc) =	sbr.ind lr, $3  }
0x3a: {  	_ = 	snop  }
0x3b: {  	_ = 	snop  }
0x3c: {  	p2 =	seq.s32 s10, $0x1;
	s10 =	sld [smem:$0x3FA9]  }
0x3d: {  	_ =	shalt  }
0x3e: {  	_ =	shalt  }
0x3f: {  	_ =	shalt  }
0x40: {  	_ =	shalt  }
0x41: {  	_ =	shalt  }
0x42: {  	_ =	shalt  }
0x43: {  	_ =	shalt  }
0x44: {  	_ =	shalt  }
0x45: {  	_ =	shalt  }
0x46: {  	_ =	shalt  }
0x47: {  	_ =	shalt  }
0x48: {  	_ =	shalt  }
0x49: {  	_ =	shalt  }
0x4a: {  	_ =	shalt  }
0x4b: {  	_ =	shalt  }
0x4c: {  	_ =	shalt  }
0x4d: {  	_ =	shalt  }
0x4e: {  	_ =	shalt  }
0x4f: {  	_ =	shalt  }
0x50: {  	_ =	shalt  }
0x51: {  	_ =	shalt  }
0x52: {  	_ =	shalt  }
0x53: {  	_ =	shalt  }
0x54: {  	_ =	shalt  }
0x55: {  	_ =	shalt  }
0x56: {  	_ =	shalt  }
0x57: {  	_ =	shalt  }
0x58: {  	_ =	shalt  }
0x59: {  	_ =	shalt  }
0x5a: {  	_ =	shalt  }
0x5b: {  	_ =	shalt  }
0x5c: {  	_ =	shalt  }
0x5d: {  	_ =	shalt  }
0x5e: {  	_ =	shalt  }
0x5f: {  	_ =	shalt  }
0x60: {  	_ =	shalt  }
0x61: {  	_ =	shalt  }
0x62: {  	_ =	shalt  }
0x63: {  	_ =	shalt  }
0x64: {  	_ =	shalt  }
0x65: {  	_ =	shalt  }
0x66: {  	_ =	shalt  }
0x67: {  	_ =	shalt  }
0x68: {  	_ =	shalt  }
0x69: {  	_ =	shalt  }
0x6a: {  	_ =	shalt  }
0x6b: {  	_ =	shalt  }
0x6c: {  	_ =	shalt  }
0x6d: {  	_ =	shalt  }
0x6e: {  	_ =	shalt  }
0x6f: {  	_ =	shalt  }
0x70: {  	_ =	shalt  }
0x71: {  	_ =	shalt  }
0x72: {  	_ =	shalt  }
0x73: {  	_ =	shalt  }
0x74: {  	_ =	shalt  }
0x75: {  	_ =	shalt  }
0x76: {  	_ =	shalt  }
0x77: {  	_ =	shalt  }
0x78: {  	_ =	shalt  }
0x79: {  	_ =	shalt  }
0x7a: {  	_ =	shalt  }
0x7b: {  	_ =	shalt  }
0x7c: {  	_ =	shalt  }
0x7d: {  	_ =	shalt  }
0x7e: {  	_ =	shalt  }
0x7f: {  	_ =	shalt  }
0x80: {  	_ =	shalt  }
0x81: {  	_ =	shalt  }
0x82: {  	_ =	shalt  }
0x83: {  	_ =	shalt  }
0x84: {  	_ =	shalt  }
0x85: {  	_ =	shalt  }
0x86: {  	_ =	shalt  }
0x87: {  	_ =	shalt  }
.Lfunc_end0:
.L_simem_size_0:
called_computation_lowered:
.L_overlay_start_0:
0x88: {  	s2 =	sld [smem:$0x3FD9]  }
0x89: {  	s3 =	sld [smem:$0x3FFE];
	_ =	sdelay $0x1  }
0x8a: {  	s1 =	srdreg.scid  }
0x8b: {  	s0 =	sand.u32 $0x1, s1  }
0x8c: {  	s16 =	sshll.u32 s0, $0xA;
	s2 =	sadd.s32 s3, s2  }
0x8d: {  	s2 =	sadd.s32 s2, s16  }
0x8e: {  	[smem:$0x3FB5] =	sst s2  }
0x8f: {  	_ = 	snop  }
0x90: {  	(tm) =	ssettm $0x1  }
0x91: {  	s17 =	sld [smem:$0x3FFB];
	_ =	sdelay $0x3  }
0x92: {  	_ =	strace s17  }
0x93: {  	s2 =	sld [smem:$0x3FFC];
	_ =	sdelay $0x3  }
0x94: {  	_ =	strace s2  }
0x95: {  	s2 =	sld [smem:$0x3FFD];
	_ =	sdelay $0x3  }
0x96: {  	_ =	strace s2  }
0x97: {  	_ =	strace $0x8FFFFFFF  }
0x98: {  	s18 =	sld [smem:$0x3FDB];
	_ =	sdelay $0x1  }
0x99: {  	s19 =	simm.s32 $_scs_section_size  }
0x9a: {  	s4 =	simm.s32 $_size__tile_overlayer_lowered;
	s5 =	simm.s32 $_tile_overlayer_lowered  }
0x9b: {  	s22 =	simm.s32 $0x1BFF;
	s21 =	sshll.u32 s5, $0x1;
	s2 =	sadd.s32 s19, s18  }
0x9c: {  	s6 =	simm.s32 $0x0;
	s20 =	sshll.u32 s4, $0x1;
	s4 =	sadd.s32 s21, s2  }
0x9d: {  	[timem:s6], [sflag:s22] =	dma.local [hbm:s4], s20  }
0x9e: {  	_ =	swait.ge [sflag:s22], s20  }
0x9f: {  	s3 =	ssub.s32 $0x0, s20;
	[sflag:s22] =	ssyncset.done $0x0  }
0xa0: {  	[sflag:s22] =	ssyncadd.s32 s3;
	_ =	sdelay $0x1  }
0xa1: {  	s23 =	simm.s32 $0x1B8B  }
0xa2: {  	_ =	swait.ge [sflag:s23], $0x1  }
0xa3: {  	[sflag:s23] =	ssyncset.done $0x0  }
0xa4: {  	s25 =	simm.s32 $0x1B8E;
	s24 =	sld [smem:$0x3FFE];
	[sflag:s23] =	ssyncadd.s32 $0xFFFFFFFF  }
0xa5: {  	s26 =	simm.s32 $execute0_lowered;
	[smem:$0x3FD2] =	sst s25  }
0xa6: {  	s4 =	sshll.u32 s26, $0x1;
	_ =	strace $0x80000046;
	[dreg:$0x1] =	wrdreg $0xFFFFFFFF  }
0xa7: {  	s28 =	simm.s32 $_size_execute0_lowered;
	s2 =	sadd.s32 s2, s4;
	[dreg:$0x0] =	wrdreg $0x0  }
0xa8: {  	s4 =	sshll.u32 s28, $0x1;
	[dreg:$0x2] =	wrdreg s2  }
0xa9: {  	[dreg:$0x3] =	wrdreg s4  }
0xaa: {  	[dreg:$0x4] =	wrdreg $0xC0  }
0xab: {  	_ =	task [dreg:s6], $0x5FFFF  }
0xac: {  	[dreg:$0x1] =	wrdreg $0xFFFFFFFF  }
0xad: {  	[dreg:$0x0] =	wrdreg $0x60  }
0xae: {  	[dreg:$0x2] =	wrdreg s24  }
0xaf: {  	[dreg:$0x3] =	wrdreg $0x74800  }
0xb0: {  	[dreg:$0x4] =	wrdreg $0x9  }
0xb1: {  	_ =	task.clear_ibuf [dreg:s6], $0x5FFFF;
	_ =	strace $0x90000046  }
0xb2: {  	s29 =	simm.s32 $0x9;
	_ =	strace $0x80000048  }
0xb3: {  	_ =	swait.ge [sflag:s29], $0x1  }
0xb4: {  	[sflag:s29] =	ssyncadd.s32 $0xFFFFFFFF  }
0xb5: {  	_ =	strace $0x90000048  }
0xb6: {  	_ =	sfence  }
0xb7: {  	s30 =	sld [smem:$0x0];
	_ =	sdelay $0x2  }
0xb8: {  	s31 =	sshll.u32 s1, $0xD;
	s1 =	sshrl.u32 s1, $0x2  }
0xb9: {  	s3 =	sand.u32 $0x4000, s31;
	s1 =	sadd.s32 s1, s30  }
0xba: {  	s0 =	sor.u32 s3, s0;
	s1 =	sshll.u32 s1, $0x11  }
0xbb: {  	s0 =	sor.u32 s1, s0  }
0xbc: {  	s0 =	sadd.s32 $0x8F2B, s0  }
0xbd: {  	[sflag:s0] =	ssyncadd.remote.s32 $0x1  }
0xbe: {  	_ =	sfence.sel $0xFFFF  }
0xbf: {  	[dreg:$0x0] =	wrdreg $0xFFFFFFFF;
	(pc) =	sbr.abs _section_cstart, $3  }
0xc0: {  	[dreg:$0x1] =	wrdreg $0xFFFFFFFF  }
0xc1: {  	_ =	task.clear_ibuf [dreg:s6], $0x2FFFF;
	_ =	strace $0x9FFFFFFF  }
0xc2: {  	(tm) =	ssettm $0x7FFFFFFF  }
0xc3: {  	_ =	shalt  }
tec
execute0_lowered:
.L_overlay_start_1:
0x0: {  	(tag) =	ssettag $0x1  }
0x1: {  	s7 =	rddreg [dreg:$0x0]  }
0x2: {  	s1 =	rddreg [dreg:$0x1]  }
0x3: {  	s0 =	rddreg [dreg:$0x2];
	s3 =	simm.s32 $0x0  }
0x4: {  	s2 =	stileid.u32;
	s6 =	srdreg.scid;
	s17 =	simm.s32 $0x180  }
0x5: {  	s18 =	simm.s32 $0xC0;
	s19 =	simm.s32 $0x3B00;
	s20 =	simm.s32 $0x1  }
0x6: {  	s21 =	simm.s32 $0x60;
	s22 =	simm.s32 $0x2;
	s23 =	simm.s32 $0x120  }
0x7: {  	s24 =	simm.s32 $0x3;
	s25 =	simm.s32 $0x4;
	[smem:$0x7FF] =	sst s3  }
0x8: {  	s4 =	sadd.s32 $0x4200, s7;
	s5 =	sadd.s32 $0x52400, s7;
	s8 =	smul.u32 $0x1F40, s2  }
0x9: {  	s16 =	sand.u32 $0x1, s6;
	s10 =	sadd.s32 $0x35000, s7;
	s11 =	smul.u32 $0x1470, s2  }
0xa: {  	s6 =	sadd.s32 $0x49800, s7;
	s29 =	ssub.s32 $0x18, s2;
	s30 =	smul.u32 $0xA380, s2  }
0xb: {  	s31 =	sshll.u32 s2, $0x6;
	s13 =	smul.u32 $0x3E800, s2;
	_ =	strace $0x80000047  }
0xc: {  	s9 =	ssub.s32 $0x2, s16;
	s12 =	sshrl.u32 s29, $0x4;
	p0 =	seq.s32 s16, $0x0  }
0xd: {  	s16 =	simm.s32 $0x5C;
	s14 =	sadd.s32 s8, s7;
	s26 =	sshrl.u32 s9, $0x1  }
.Ltmp0:
0xe: {  	s7 =	sor.u32 $0x1C05, s31;
	s15 =	sshrl.u32 s30, $0x3;
	(pc) =	sbr.rel .LBB2_1-.Ltmp0, $4  }
0xf: {  	s13 =	sshrl.u32 s13, $0x2;
	s28 =	ssub.s32 s9, s26;
	s9 =	sadd.s32 s10, s11  }
0x10: {  	s10 =	sadd.s32 s10, s15;
	s11 =	sadd.s32 $0x1, s12;
	s12 =	sadd.s32 s13, s1  }
0x11: {  	s13 =	sadd.s32 $0x83200, s14;
	s14 =	sadd.s32 $0xB4000, s14;
	s15 =	simm.s32 $0x5  }
0x12: {  	s26 =	simm.s32 $0x0;
	s8 =	smax.u32 s28, $0x1;
	s10 =	sadd.s32 $0x18, s10  }
.LBB2_13:
0x13: {  	[sflag:s15] =	ssyncadd.s32 $0xFFFFE0C0  }
.LBB2_14:
0x14: {  	s26 =	sadd.s32 $0x1, s26  }
0x15: {  	p1 =	sne.s32 s26, s8  }
.Ltmp1:
0x16: {  	_ = 	snop;
	(pc) =	sbr.rel @!p1 .LBB2_15-.Ltmp1, $1  }
0x17: {  	_ =	sdelay $0x3  }
.LBB2_1:
0x18: {  	p1 =	sne.s32 s11, $0x1  }
.Ltmp2:
0x19: {  	_ = 	snop;
	(pc) =	sbr.rel @!p1 .LBB2_3-.Ltmp2, $4  }
0x1a: {  	s28 =	sshrl.u32 s12, $0x3  }
0x1b: {  	[spmem:s28], [sflag:s7] =	dma.local [hbm:s6], $0x1F40  }
0x1c: {  	_ =	swait.ge [sflag:s15], $0x1F40  }
0x1d: {  	s29 =	sadd.s32 $0xFFFFFFFF, s11;
	s30 =	sadd.s32 $0xFA000, s12;
	[sflag:s15] =	ssyncset.done $0x0  }
.LBB2_2:
0x1e: {  	s31 =	sshrl.u32 s30, $0x3;
	[sflag:s15] =	ssyncadd.s32 $0xFFFFE0C0;
	p2 =	sne.s32 s29, $0x1  }
0x1f: {  	[spmem:s31], [sflag:s7] =	dma.local [hbm:s6], $0x1F40  }
.Ltmp3:
0x20: {  	_ = 	snop;
	(pc) =	sbr.rel @p2 .LBB2_2-.Ltmp3, $4  }
0x21: {  	_ = 	snop  }
0x22: {  	s29 =	sadd.s32 $0xFFFFFFFF, s29  }
0x23: {  	_ =	swait.ge [sflag:s15], $0x1F40  }
0x24: {  	s30 =	sadd.s32 $0xFA000, s30;
	[sflag:s15] =	ssyncset.done $0x0  }
.LBB2_3:
.Ltmp4:
0x25: {  	(pc) =	sbr.rel @!p0 .LBB2_4-.Ltmp4, $3  }
0x26: {  	_ = 	snop  }
0x27: {  	[sflag:s15] =	ssyncadd.s32 $0xFFFFE0C0  }
0x28: {  	[bflag:$0x0] =	sbarrier.arrive $0xFFFF;
	_ =	sdelay $0x1  }
0x29: {  	[tilespmem:s3], [sflag:$0x5] =	stream.linear.gather [hbm4b:s9+s3], $0xC0, $0x38;
	[tilespmem:$0x1FBC0] =	vst v63  }
0x2a: {  	_ =	swait.ge [sflag:s15], $0xC0  }
0x2b: {  	[sflag:s15] =	ssyncset.done $0x0  }
0x2c: {  	[sflag:s15] =	ssyncadd.s32 $0xFFFFFF40  }
0x2d: {  	[tilespmem:s17], [sflag:$0x1] =	stream.indirect.gather [hbm4b:s4+s16], $0xA0, s3, s16, $0xb8;
	[tilespmem:$0x1FBC0] =	vst v63  }
0x2e: {  	_ = 	snop  }
0x2f: {  	[tilespmem:s18], [sflag:$0x5] =	stream.linear.gather [hbm4b:s10+s3], $0xC0, $0x38;
	[tilespmem:$0x1FBC0] =	vst v63  }
0x30: {  	_ =	swait.ge [sflag:s15], $0xC0  }
0x31: {  	[sflag:s15] =	ssyncset.done $0x0  }
0x32: {  	[sflag:s15] =	ssyncadd.s32 $0xFFFFFF40  }
0x33: {  	[tilespmem:s19], [sflag:$0x2] =	stream.indirect.gather [hbm4b:s4+s16], $0xA0, s18, s16, $0xb8;
	[tilespmem:$0x1FBC0] =	vst v63  }
0x34: {  	_ =	swait.ge [sflag:s20], $0x3980  }
0x35: {  	[sflag:s20] =	ssyncset.done $0x0  }
0x36: {  	[sflag:s20] =	ssyncadd.s32 $0xFFFFC680  }
0x37: {  	[spmem:s1] =	stream.indirect.scatter.add.f32 [tilespmem:s17], [sflag:$0x3], $0xA0, s21, s16, $0xb8;
	[tilespmem:$0x1FBC0] =	vst v63  }
0x38: {  	_ =	swait.ge [sflag:s22], $0x3980  }
0x39: {  	[sflag:s22] =	ssyncset.done $0x0  }
0x3a: {  	[sflag:s22] =	ssyncadd.s32 $0xFFFFC680  }
0x3b: {  	[spmem:s1] =	stream.indirect.scatter.add.f32 [tilespmem:s19], [sflag:$0x4], $0xA0, s23, s16, $0xb8;
	[tilespmem:$0x1FBC0] =	vst v63  }
0x3c: {  	_ =	swait.ge [sflag:s24], $0x3980  }
0x3d: {  	s29 =	sadd.s32 $0xFFFFEBC0, s9;
	[sflag:s24] =	ssyncset.done $0x0  }
0x3e: {  	s30 =	sadd.s32 $0x1470, s29;
	[sflag:s24] =	ssyncadd.s32 $0xFFFFC680  }
0x3f: {  	[tilespmem:s3], [sflag:$0x5] =	stream.linear.gather [hbm4b:s30+s3], $0xC0, $0x38;
	[tilespmem:$0x1FBC0] =	vst v63  }
0x40: {  	_ =	swait.ge [sflag:s15], $0xC0  }
0x41: {  	[sflag:s15] =	ssyncset.done $0x0  }
0x42: {  	[sflag:s15] =	ssyncadd.s32 $0xFFFFFF40  }
0x43: {  	[tilespmem:s17], [sflag:$0x1] =	stream.indirect.gather [hbm4b:s4+s16], $0xA0, s3, s16, $0xb8;
	[tilespmem:$0x1FBC0] =	vst v63  }
0x44: {  	_ =	swait.ge [sflag:s25], $0x3980  }
0x45: {  	[sflag:s25] =	ssyncset.done $0x0  }
0x46: {  	s29 =	sadd.s32 $0x1488, s29;
	[sflag:s25] =	ssyncadd.s32 $0xFFFFC680  }
0x47: {  	[tilespmem:s18], [sflag:$0x5] =	stream.linear.gather [hbm4b:s29+s3], $0xC0, $0x38;
	[tilespmem:$0x1FBC0] =	vst v63  }
0x48: {  	_ =	swait.ge [sflag:s15], $0xC0  }
0x49: {  	[sflag:s15] =	ssyncset.done $0x0  }
0x4a: {  	[sflag:s15] =	ssyncadd.s32 $0xFFFFFF40  }
0x4b: {  	[tilespmem:s19], [sflag:$0x2] =	stream.indirect.gather [hbm4b:s4+s16], $0xA0, s18, s16, $0xb8;
	[tilespmem:$0x1FBC0] =	vst v63  }
0x4c: {  	_ =	swait.ge [sflag:s20], $0x3980  }
0x4d: {  	[sflag:s20] =	ssyncset.done $0x0  }
0x4e: {  	[sflag:s20] =	ssyncadd.s32 $0xFFFFC680  }
0x4f: {  	[spmem:s1] =	stream.indirect.scatter.add.f32 [tilespmem:s17], [sflag:$0x3], $0xA0, s21, s16, $0xb8;
	[tilespmem:$0x1FBC0] =	vst v63  }
0x50: {  	_ =	swait.ge [sflag:s22], $0x3980  }
0x51: {  	[sflag:s22] =	ssyncset.done $0x0  }
0x52: {  	s29 =	simm.s32 $0xFFFFEBF0;
	[sflag:s22] =	ssyncadd.s32 $0xFFFFC680  }
.LBB2_10:
0x53: {  	[spmem:s1] =	stream.indirect.scatter.add.f32 [tilespmem:s19], [sflag:$0x4], $0xA0, s23, s16, $0xb8;
	[tilespmem:$0x1FBC0] =	vst v63  }
0x54: {  	s30 =	smov.u32 s29  }
0x55: {  	p1 =	sne.s32 s29, $0xFFFFFFD0;
	s29 =	sadd.s32 $0x30, s29;
	_ =	swait.ge [sflag:s24], $0x3980  }
0x56: {  	s30 =	sadd.s32 s30, s9;
	[sflag:s24] =	ssyncset.done $0x0  }
0x57: {  	s31 =	sadd.s32 $0x1470, s30;
	[sflag:s24] =	ssyncadd.s32 $0xFFFFC680  }
0x58: {  	[tilespmem:s3], [sflag:$0x5] =	stream.linear.gather [hbm4b:s31+s3], $0xC0, $0x38;
	[tilespmem:$0x1FBC0] =	vst v63  }
0x59: {  	_ =	swait.ge [sflag:s15], $0xC0  }
0x5a: {  	[sflag:s15] =	ssyncset.done $0x0  }
0x5b: {  	[sflag:s15] =	ssyncadd.s32 $0xFFFFFF40  }
0x5c: {  	[tilespmem:s17], [sflag:$0x1] =	stream.indirect.gather [hbm4b:s4+s16], $0xA0, s3, s16, $0xb8;
	[tilespmem:$0x1FBC0] =	vst v63  }
0x5d: {  	_ =	swait.ge [sflag:s25], $0x3980  }
0x5e: {  	[sflag:s25] =	ssyncset.done $0x0  }
0x5f: {  	s30 =	sadd.s32 $0x1488, s30;
	[sflag:s25] =	ssyncadd.s32 $0xFFFFC680  }
0x60: {  	[tilespmem:s18], [sflag:$0x5] =	stream.linear.gather [hbm4b:s30+s3], $0xC0, $0x38;
	[tilespmem:$0x1FBC0] =	vst v63  }
0x61: {  	_ =	swait.ge [sflag:s15], $0xC0  }
0x62: {  	[sflag:s15] =	ssyncset.done $0x0  }
0x63: {  	[sflag:s15] =	ssyncadd.s32 $0xFFFFFF40  }
0x64: {  	[tilespmem:s19], [sflag:$0x2] =	stream.indirect.gather [hbm4b:s4+s16], $0xA0, s18, s16, $0xb8;
	[tilespmem:$0x1FBC0] =	vst v63  }
0x65: {  	_ =	swait.ge [sflag:s20], $0x3980  }
0x66: {  	[sflag:s20] =	ssyncset.done $0x0  }
.Ltmp5:
0x67: {  	[sflag:s20] =	ssyncadd.s32 $0xFFFFC680;
	(pc) =	sbr.rel @p1 .LBB2_10-.Ltmp5, $4  }
0x68: {  	[spmem:s1] =	stream.indirect.scatter.add.f32 [tilespmem:s17], [sflag:$0x3], $0xA0, s21, s16, $0xb8;
	[tilespmem:$0x1FBC0] =	vst v63  }
0x69: {  	_ =	swait.ge [sflag:s22], $0x3980  }
0x6a: {  	[sflag:s22] =	ssyncset.done $0x0  }
0x6b: {  	[sflag:s22] =	ssyncadd.s32 $0xFFFFC680  }
0x6c: {  	[spmem:s1] =	stream.indirect.scatter.add.f32 [tilespmem:s19], [sflag:$0x4], $0xA0, s23, s16, $0xb8;
	[tilespmem:$0x1FBC0] =	vst v63  }
0x6d: {  	_ =	swait.ge [sflag:s24], $0x3980  }
0x6e: {  	[sflag:s24] =	ssyncset.done $0x0  }
0x6f: {  	[sflag:s24] =	ssyncadd.s32 $0xFFFFC680  }
0x70: {  	_ =	swait.ge [sflag:s25], $0x3980  }
0x71: {  	p1 =	seq.s32 s11, $0x1;
	[sflag:s25] =	ssyncset.done $0x0  }
.Ltmp6:
0x72: {  	[sflag:s25] =	ssyncadd.s32 $0xFFFFC680;
	(pc) =	sbr.rel @p1 .LBB2_13-.Ltmp6, $4  }
0x73: {  	[bflag:$0x0] =	sbarrier.arrive $0xFFFF  }
0x74: {  	[hbm:s14], [sflag:s7] =	dma.local [spmem:s28], $0x1F40  }
0x75: {  	s29 =	sadd.s32 $0xFA000, s12;
	_ =	swait.ge [sflag:s15], $0x1F40  }
0x76: {  	s30 =	smov.u32 s14;
	s28 =	sadd.s32 $0xFFFFFFFF, s11;
	[sflag:s15] =	ssyncset.done $0x0  }
.LBB2_12:
0x77: {  	s31 =	sshrl.u32 s29, $0x3  }
0x78: {  	[sflag:s15] =	ssyncadd.s32 $0xFFFFE0C0;
	s30 =	sadd.s32 $0x1F400, s30;
	p1 =	seq.s32 s28, $0x1  }
0x79: {  	[hbm:s30], [sflag:s7] =	dma.local [spmem:s31], $0x1F40  }
.Ltmp7:
0x7a: {  	_ = 	snop;
	(pc) =	sbr.rel @!p1 .LBB2_12-.Ltmp7, $4  }
0x7b: {  	_ = 	snop  }
0x7c: {  	s28 =	sadd.s32 $0xFFFFFFFF, s28  }
0x7d: {  	_ =	swait.ge [sflag:s15], $0x1F40  }
0x7e: {  	s29 =	sadd.s32 $0xFA000, s29;
	[sflag:s15] =	ssyncset.done $0x0  }
.Ltmp8:
0x7f: {  	_ = 	snop;
	(pc) =	sbr.rel .LBB2_13-.Ltmp8, $1  }
0x80: {  	_ =	sdelay $0x3  }
.LBB2_4:
0x81: {  	[tilespmem:s3], [sflag:$0x5] =	stream.linear.gather [hbm4b:s9+s3], $0xC0, $0x38;
	[tilespmem:$0x1FBC0] =	vst v63  }
0x82: {  	_ =	swait.ge [sflag:s15], $0xC0  }
0x83: {  	[sflag:s15] =	ssyncset.done $0x0  }
0x84: {  	[sflag:s15] =	ssyncadd.s32 $0xFFFFFF40  }
0x85: {  	[tilespmem:s17], [sflag:$0x1] =	stream.indirect.gather [hbm4b:s5+s16], $0xA0, s3, s16, $0xb8;
	[tilespmem:$0x1FBC0] =	vst v63  }
0x86: {  	_ = 	snop  }
0x87: {  	[tilespmem:s18], [sflag:$0x5] =	stream.linear.gather [hbm4b:s10+s3], $0xC0, $0x38;
	[tilespmem:$0x1FBC0] =	vst v63  }
0x88: {  	_ =	swait.ge [sflag:s15], $0xC0  }
0x89: {  	[sflag:s15] =	ssyncset.done $0x0  }
0x8a: {  	[sflag:s15] =	ssyncadd.s32 $0xFFFFFF40  }
0x8b: {  	[tilespmem:s19], [sflag:$0x2] =	stream.indirect.gather [hbm4b:s5+s16], $0xA0, s18, s16, $0xb8;
	[tilespmem:$0x1FBC0] =	vst v63  }
0x8c: {  	_ =	swait.ge [sflag:s20], $0x3980  }
0x8d: {  	[sflag:s20] =	ssyncset.done $0x0  }
0x8e: {  	[sflag:s20] =	ssyncadd.s32 $0xFFFFC680  }
0x8f: {  	[spmem:s1] =	stream.indirect.scatter.add.f32 [tilespmem:s17], [sflag:$0x3], $0xA0, s21, s16, $0xb8;
	[tilespmem:$0x1FBC0] =	vst v63  }
0x90: {  	_ =	swait.ge [sflag:s22], $0x3980  }
0x91: {  	[sflag:s22] =	ssyncset.done $0x0  }
0x92: {  	[sflag:s22] =	ssyncadd.s32 $0xFFFFC680  }
0x93: {  	[spmem:s1] =	stream.indirect.scatter.add.f32 [tilespmem:s19], [sflag:$0x4], $0xA0, s23, s16, $0xb8;
	[tilespmem:$0x1FBC0] =	vst v63  }
0x94: {  	_ =	swait.ge [sflag:s24], $0x3980  }
0x95: {  	s29 =	sadd.s32 $0xFFFFEBC0, s9;
	[sflag:s24] =	ssyncset.done $0x0  }
0x96: {  	s30 =	sadd.s32 $0x1470, s29;
	[sflag:s24] =	ssyncadd.s32 $0xFFFFC680  }
0x97: {  	[tilespmem:s3], [sflag:$0x5] =	stream.linear.gather [hbm4b:s30+s3], $0xC0, $0x38;
	[tilespmem:$0x1FBC0] =	vst v63  }
0x98: {  	_ =	swait.ge [sflag:s15], $0xC0  }
0x99: {  	[sflag:s15] =	ssyncset.done $0x0  }
0x9a: {  	[sflag:s15] =	ssyncadd.s32 $0xFFFFFF40  }
0x9b: {  	[tilespmem:s17], [sflag:$0x1] =	stream.indirect.gather [hbm4b:s5+s16], $0xA0, s3, s16, $0xb8;
	[tilespmem:$0x1FBC0] =	vst v63  }
0x9c: {  	_ =	swait.ge [sflag:s25], $0x3980  }
0x9d: {  	[sflag:s25] =	ssyncset.done $0x0  }
0x9e: {  	s29 =	sadd.s32 $0x1488, s29;
	[sflag:s25] =	ssyncadd.s32 $0xFFFFC680  }
0x9f: {  	[tilespmem:s18], [sflag:$0x5] =	stream.linear.gather [hbm4b:s29+s3], $0xC0, $0x38;
	[tilespmem:$0x1FBC0] =	vst v63  }
0xa0: {  	_ =	swait.ge [sflag:s15], $0xC0  }
0xa1: {  	[sflag:s15] =	ssyncset.done $0x0  }
0xa2: {  	[sflag:s15] =	ssyncadd.s32 $0xFFFFFF40  }
0xa3: {  	[tilespmem:s19], [sflag:$0x2] =	stream.indirect.gather [hbm4b:s5+s16], $0xA0, s18, s16, $0xb8;
	[tilespmem:$0x1FBC0] =	vst v63  }
0xa4: {  	_ =	swait.ge [sflag:s20], $0x3980  }
0xa5: {  	[sflag:s20] =	ssyncset.done $0x0  }
0xa6: {  	[sflag:s20] =	ssyncadd.s32 $0xFFFFC680  }
0xa7: {  	[spmem:s1] =	stream.indirect.scatter.add.f32 [tilespmem:s17], [sflag:$0x3], $0xA0, s21, s16, $0xb8;
	[tilespmem:$0x1FBC0] =	vst v63  }
0xa8: {  	_ =	swait.ge [sflag:s22], $0x3980  }
0xa9: {  	[sflag:s22] =	ssyncset.done $0x0  }
0xaa: {  	s29 =	simm.s32 $0xFFFFEBF0;
	[sflag:s22] =	ssyncadd.s32 $0xFFFFC680  }
.LBB2_5:
0xab: {  	[spmem:s1] =	stream.indirect.scatter.add.f32 [tilespmem:s19], [sflag:$0x4], $0xA0, s23, s16, $0xb8;
	[tilespmem:$0x1FBC0] =	vst v63  }
0xac: {  	s30 =	smov.u32 s29  }
0xad: {  	p2 =	seq.s32 s29, $0xFFFFFFD0;
	s29 =	sadd.s32 $0x30, s29;
	_ =	swait.ge [sflag:s24], $0x3980  }
0xae: {  	s30 =	sadd.s32 s30, s9;
	[sflag:s24] =	ssyncset.done $0x0  }
0xaf: {  	s31 =	sadd.s32 $0x1470, s30;
	[sflag:s24] =	ssyncadd.s32 $0xFFFFC680  }
0xb0: {  	[tilespmem:s3], [sflag:$0x5] =	stream.linear.gather [hbm4b:s31+s3], $0xC0, $0x38;
	[tilespmem:$0x1FBC0] =	vst v63  }
0xb1: {  	_ =	swait.ge [sflag:s15], $0xC0  }
0xb2: {  	[sflag:s15] =	ssyncset.done $0x0  }
0xb3: {  	[sflag:s15] =	ssyncadd.s32 $0xFFFFFF40  }
0xb4: {  	[tilespmem:s17], [sflag:$0x1] =	stream.indirect.gather [hbm4b:s5+s16], $0xA0, s3, s16, $0xb8;
	[tilespmem:$0x1FBC0] =	vst v63  }
0xb5: {  	_ =	swait.ge [sflag:s25], $0x3980  }
0xb6: {  	[sflag:s25] =	ssyncset.done $0x0  }
0xb7: {  	s30 =	sadd.s32 $0x1488, s30;
	[sflag:s25] =	ssyncadd.s32 $0xFFFFC680  }
0xb8: {  	[tilespmem:s18], [sflag:$0x5] =	stream.linear.gather [hbm4b:s30+s3], $0xC0, $0x38;
	[tilespmem:$0x1FBC0] =	vst v63  }
0xb9: {  	_ =	swait.ge [sflag:s15], $0xC0  }
0xba: {  	[sflag:s15] =	ssyncset.done $0x0  }
0xbb: {  	[sflag:s15] =	ssyncadd.s32 $0xFFFFFF40  }
0xbc: {  	[tilespmem:s19], [sflag:$0x2] =	stream.indirect.gather [hbm4b:s5+s16], $0xA0, s18, s16, $0xb8;
	[tilespmem:$0x1FBC0] =	vst v63  }
0xbd: {  	_ =	swait.ge [sflag:s20], $0x3980  }
0xbe: {  	[sflag:s20] =	ssyncset.done $0x0  }
.Ltmp9:
0xbf: {  	[sflag:s20] =	ssyncadd.s32 $0xFFFFC680;
	(pc) =	sbr.rel @!p2 .LBB2_5-.Ltmp9, $4  }
0xc0: {  	[spmem:s1] =	stream.indirect.scatter.add.f32 [tilespmem:s17], [sflag:$0x3], $0xA0, s21, s16, $0xb8;
	[tilespmem:$0x1FBC0] =	vst v63  }
0xc1: {  	_ =	swait.ge [sflag:s22], $0x3980  }
0xc2: {  	[sflag:s22] =	ssyncset.done $0x0  }
0xc3: {  	[sflag:s22] =	ssyncadd.s32 $0xFFFFC680  }
0xc4: {  	[spmem:s1] =	stream.indirect.scatter.add.f32 [tilespmem:s19], [sflag:$0x4], $0xA0, s23, s16, $0xb8;
	[tilespmem:$0x1FBC0] =	vst v63  }
0xc5: {  	_ =	swait.ge [sflag:s24], $0x3980  }
0xc6: {  	[sflag:s24] =	ssyncset.done $0x0  }
0xc7: {  	[sflag:s24] =	ssyncadd.s32 $0xFFFFC680  }
0xc8: {  	_ =	swait.ge [sflag:s25], $0x3980  }
0xc9: {  	[sflag:s25] =	ssyncset.done $0x0  }
.Ltmp10:
0xca: {  	[sflag:s25] =	ssyncadd.s32 $0xFFFFC680;
	(pc) =	sbr.rel @!p1 .LBB2_8-.Ltmp10, $4  }
0xcb: {  	[bflag:$0x0] =	sbarrier.arrive $0xFFFF  }
0xcc: {  	[hbm:s13], [sflag:s7] =	dma.local [spmem:s28], $0x1F40  }
0xcd: {  	s29 =	sadd.s32 $0xFA000, s12;
	_ =	swait.ge [sflag:s15], $0x1F40  }
0xce: {  	s30 =	smov.u32 s13;
	s28 =	sadd.s32 $0xFFFFFFFF, s11;
	[sflag:s15] =	ssyncset.done $0x0  }
.LBB2_7:
0xcf: {  	s31 =	sshrl.u32 s29, $0x3  }
0xd0: {  	[sflag:s15] =	ssyncadd.s32 $0xFFFFE0C0;
	s30 =	sadd.s32 $0x1F400, s30;
	p1 =	sne.s32 s28, $0x1  }
0xd1: {  	[hbm:s30], [sflag:s7] =	dma.local [spmem:s31], $0x1F40  }
.Ltmp11:
0xd2: {  	_ = 	snop;
	(pc) =	sbr.rel @p1 .LBB2_7-.Ltmp11, $4  }
0xd3: {  	_ = 	snop  }
0xd4: {  	s28 =	sadd.s32 $0xFFFFFFFF, s28  }
0xd5: {  	_ =	swait.ge [sflag:s15], $0x1F40  }
0xd6: {  	s29 =	sadd.s32 $0xFA000, s29;
	[sflag:s15] =	ssyncset.done $0x0  }
.LBB2_8:
.Ltmp12:
0xd7: {  	(pc) =	sbr.rel .LBB2_14-.Ltmp12, $2  }
0xd8: {  	_ =	sdelay $0x2  }
0xd9: {  	[sflag:s15] =	ssyncadd.s32 $0xFFFFE0C0  }
.LBB2_15:
0xda: {  	_ =	sfence.sel $0x180000  }
0xdb: {  	[bflag:$0x0] =	sbarrier.arrive $0xFFFF  }
0xdc: {  	p0 =	sne.s32 s2, $0x0;
	_ =	strace $0x90000047  }
0xdd: {  	s0 =	sadd.s32 @!p0 $0x100000, s0;
	[bflag:$0x2] =	sbarrier.arrive $0xFFFF  }
0xde: {  	[sflag:s0] =	ssyncadd.tile.s32 @!p0 $0x1;
	_ =	shalt  }
.Lfunc_end2:
_tile_overlayer_lowered:
.L_overlay_start_2:
0xdf: {  	(tag) =	ssettag $0x2  }
0xe0: {  	s0 =	rddreg [dreg:$0x0];
	s2 =	stileid.u32  }
0xe1: {  	s1 =	rddreg [dreg:$0x1];
	p0 =	sne.s32 s2, $0x0  }
0xe2: {  	s3 =	rddreg [dreg:$0x2];
	[bflag:$0x3] =	sbarrier.arrive $0xFFFF;
	s2 =	simm.s32 @!p0 $0x1C05  }
0xe3: {  	[timem:s3], [sflag:s2] =	dma.local @!p0 [hbm:s0], s1  }
0xe4: {  	s0 =	simm.s32 @!p0 $0x5  }
0xe5: {  	_ =	swait.ge @!p0 [sflag:s0], s1  }
0xe6: {  	s1 =	ssub.s32 @!p0 $0x0, s1;
	[sflag:s0] =	ssyncset.done @!p0 $0x0  }
0xe7: {  	[sflag:s0] =	ssyncadd.s32 @!p0 s1  }
0xe8: {  	[bflag:$0x3] =	sbarrier.arrive $0xFFFF  }
0xe9: {  	_ =	shalt  }

</sc_bundles>
